<compile_context>
chip_gen: v7x
topology: tpu7x:2x2x1
jax: 0.10.2.dev20260603
libtpu: 0.0.44.dev20260713+nightly
codegen_flags: <defaults>
</compile_context>

<pallas_src>
import functools

import jax
import jax.numpy as jnp
from jax import lax
from jax.experimental import pallas as pl
from jax.experimental.pallas import tpu as pltpu
from jax.experimental.pallas import tpu_sc as plsc

_N = 10000
_E = 320000
_D = 128
_B = 16

_NC = 2
_NS = 16
_NW = _NC * _NS

_NP = 10240
_RPT = _NP // _NS

_K = 64
_NCH = 160
_EP = _NW * _NCH * _K

_EROWS = _E // 128
_EPROWS = _EP // 128
_PBLK = 320
_TROWS = _EPROWS // _NW

_ROWS = 2560
_GRID = _NP // _ROWS

_mesh = plsc.VectorSubcoreMesh(core_axis_name="c", subcore_axis_name="s")


def _prep_body(src_ref, dst_ref, pk_ref, d_ref):
    i = pl.program_id(0)
    rid = (lax.broadcasted_iota(jnp.int32, (_PBLK, 128), 0) * 128
           + lax.broadcasted_iota(jnp.int32, (_PBLK, 128), 1)
           + i * _PBLK * 128)
    valid = rid < _E
    pad_i = _N + rid % (_NP - _N)
    s = jnp.where(valid, src_ref[0], pad_i)
    d = jnp.where(valid, dst_ref[0], pad_i)
    pk_ref[...] = s | (d << 16)
    d_ref[...] = d


def _prep_call(edge3):
    return pl.pallas_call(
        _prep_body,
        grid=(_EPROWS // _PBLK,),
        in_specs=[pl.BlockSpec((1, _PBLK, 128), lambda i: (0, i, 0)),
                  pl.BlockSpec((1, _PBLK, 128), lambda i: (1, i, 0))],
        out_specs=[pl.BlockSpec((_PBLK, 128), lambda i: (i, 0)),
                   pl.BlockSpec((_PBLK, 128), lambda i: (i, 0))],
        out_shape=[jax.ShapeDtypeStruct((_EPROWS, 128), jnp.int32),
                   jax.ShapeDtypeStruct((_EPROWS, 128), jnp.int32)],
    )(edge3, edge3)


def _deg_body(dst_hbm, out_hbm, dst_v, ones_v, zero_v, acc_sh, sem):
    cid = lax.axis_index("c")
    sid = lax.axis_index("s")
    w = cid * _NS + sid
    pltpu.sync_copy(dst_hbm.at[pl.ds(w * _TROWS, _TROWS)], dst_v)
    for i in range(128 // 16):
        ones_v[pl.ds(i * 16, 16)] = jnp.ones((16,), jnp.float32)
    for i in range(_RPT // 16):
        zero_v[pl.ds(i * 16, 16)] = jnp.zeros((16,), jnp.float32)
    pltpu.sync_copy(zero_v, acc_sh.at[pl.ds(sid * _RPT, _RPT)])
    plsc.subcore_barrier()

    def fire(j, carry):
        pltpu.async_copy(ones_v, acc_sh.at[dst_v.at[j]], sem, add=True)
        return carry

    lax.fori_loop(0, _TROWS, fire, 0)

    def drain(j, carry):
        pltpu.make_async_copy(ones_v, acc_sh.at[dst_v.at[0]], sem).wait()
        return carry

    lax.fori_loop(0, _TROWS, drain, 0)
    plsc.subcore_barrier()
    pltpu.sync_copy(acc_sh.at[pl.ds(sid * _RPT, _RPT)],
                    out_hbm.at[cid, pl.ds(sid * _RPT, _RPT)])


_deg_call = functools.partial(
    pl.kernel,
    out_type=jax.ShapeDtypeStruct((_NC, _NP), jnp.float32),
    mesh=_mesh,
    scratch_types=[
        pltpu.VMEM((_TROWS, 128), jnp.int32),
        pltpu.VMEM((128,), jnp.float32),
        pltpu.VMEM((_RPT,), jnp.float32),
        pltpu.VMEM_SHARED((_NP,), jnp.float32),
        pltpu.SemaphoreType.DMA,
    ],
)(_deg_body)


def _unpack16(packed_v, j, out_ref, hi):
    r = lax.shift_right_logical(j, 1)
    c0 = lax.bitwise_and(j, 1) * _K
    for i in range(_K // 16):
        wv = packed_v[r, pl.ds(c0 + i * 16, 16)]
        if hi:
            v = lax.shift_right_logical(wv, 16)
        else:
            v = lax.bitwise_and(wv, 0xFFFF)
        out_ref[pl.ds(i * 16, 16)] = v


def _spmm_body(xw_hbm, packed_hbm, out_hbm, packed_v, src_a, src_b, src_c,
               dst_c, buf_a, buf_b, buf_c, acc_sh, sem_a, sem_b, sem_c):
    cid = lax.axis_index("c")
    sid = lax.axis_index("s")
    w = cid * _NS + sid
    pltpu.sync_copy(packed_hbm.at[pl.ds(w * _TROWS, _TROWS)], packed_v)

    bufs = (buf_a, buf_b, buf_c)
    srcs = (src_a, src_b, src_c)
    sems = (sem_a, sem_b, sem_c)

    def gstart(j, b):
        _unpack16(packed_v, j, srcs[b], hi=False)
        pltpu.async_copy(xw_hbm.at[srcs[b]], bufs[b], sems[b])

    def gwait(b):
        pltpu.make_async_copy(xw_hbm.at[srcs[b]], bufs[b], sems[b]).wait()

    gstart(0, 0)
    gstart(1, 1)
    gstart(2, 2)
    pltpu.sync_copy(xw_hbm.at[pl.ds(sid * _RPT, _RPT)],
                    acc_sh.at[pl.ds(sid * _RPT, _RPT)])
    plsc.subcore_barrier()

    def outer(g, carry):
        j0 = 3 * g
        for b in range(3):
            j = j0 + b
            gwait(b)
            _unpack16(packed_v, j, dst_c, hi=True)
            pltpu.sync_copy(bufs[b], acc_sh.at[dst_c], add=True)
            nj = j + 3

            @pl.when(nj < _NCH)
            def _():
                gstart(nj, b)
        return carry

    lax.fori_loop(0, _NCH // 3, outer, 0)
    gwait(0)
    _unpack16(packed_v, _NCH - 1, dst_c, hi=True)
    pltpu.sync_copy(bufs[0], acc_sh.at[dst_c], add=True)
    plsc.subcore_barrier()
    pltpu.sync_copy(acc_sh.at[pl.ds(sid * _RPT, _RPT)],
                    out_hbm.at[cid, pl.ds(sid * _RPT, _RPT)])


def _make_spmm():
    return functools.partial(
        pl.kernel,
        out_type=jax.ShapeDtypeStruct((_NC, _NP, _D), jnp.float32),
        mesh=_mesh,
        scratch_types=[
            pltpu.VMEM((_TROWS, 128), jnp.int32),
            pltpu.VMEM((_K,), jnp.int32),
            pltpu.VMEM((_K,), jnp.int32),
            pltpu.VMEM((_K,), jnp.int32),
            pltpu.VMEM((_K,), jnp.int32),
            pltpu.VMEM((_K, _D), jnp.float32),
            pltpu.VMEM((_K, _D), jnp.float32),
            pltpu.VMEM((_K, _D), jnp.float32),
            pltpu.VMEM_SHARED((_NP, _D), jnp.float32),
            pltpu.SemaphoreType.DMA,
            pltpu.SemaphoreType.DMA,
            pltpu.SemaphoreType.DMA,
        ],
    )(_spmm_body)


def _dinv_col(p_ref):
    d = lax.rsqrt(1.0 + p_ref[0:1, :] + p_ref[1:2, :])
    return jnp.transpose(d, (1, 0))


def _xw_body(x_ref, w_ref, p_ref, o_ref):
    dinv = _dinv_col(p_ref)
    o_ref[...] = jnp.dot(x_ref[...], w_ref[...],
                         preferred_element_type=jnp.float32) * dinv


def _mid_body(s_ref, xwp_ref, p_ref, b_ref, w_ref, o_ref):
    dinv = _dinv_col(p_ref)
    z = (s_ref[0] + s_ref[1] - xwp_ref[...]) * dinv + b_ref[...]
    h = jnp.where(z > 0, z, jnp.exp(z) - 1.0)
    o_ref[...] = jnp.dot(h, w_ref[...],
                         preferred_element_type=jnp.float32) * dinv


def _pool_body(s_ref, xwp_ref, p_ref, b_ref, bid_ref,
               g_ref, acc, cnt):
    i = pl.program_id(0)

    @pl.when(i == 0)
    def _init():
        acc[...] = jnp.zeros_like(acc)
        cnt[...] = jnp.zeros_like(cnt)

    dinv = _dinv_col(p_ref)
    z = (s_ref[0] + s_ref[1] - xwp_ref[...]) * dinv + b_ref[...]
    h = jnp.where(z > 0, z, jnp.exp(z) - 1.0)
    rid = lax.broadcasted_iota(jnp.int32, (_ROWS, 1), 0) + i * _ROWS
    live = (rid < _N).astype(jnp.float32)
    h = h * live
    onehot = (bid_ref[...] ==
              lax.broadcasted_iota(jnp.int32, (_ROWS, _B), 1)).astype(
                  jnp.float32)
    acc[...] += lax.dot_general(onehot, h, (((0,), (0,)), ((), ())),
                                preferred_element_type=jnp.float32)
    cnt[...] += lax.dot_general(onehot, live, (((0,), (0,)), ((), ())),
                                preferred_element_type=jnp.float32)

    @pl.when(i == _GRID - 1)
    def _fin():
        g_ref[...] = acc[...] / jnp.maximum(cnt[...], 1.0)


def _row_spec(cols):
    return pl.BlockSpec((_ROWS, cols), lambda i: (i, 0))


def _const_spec(shape):
    return pl.BlockSpec(shape, lambda i: (0, 0))


_s_spec = pl.BlockSpec((_NC, _ROWS, _D), lambda i: (0, i, 0))


def kernel(x, edge_index, batch, W1, b1, W2, b2):
    edge3 = edge_index.reshape(2, _EROWS, 128)
    packed, dst3 = _prep_call(edge3)
    bid = batch.reshape(_N, 1)
    b1r = b1.reshape(1, _D)
    b2r = b2.reshape(1, _D)

    degp = _deg_call(dst3)
    p_spec = pl.BlockSpec((_NC, _ROWS), lambda i: (0, i))

    xw1p = pl.pallas_call(
        _xw_body,
        grid=(_GRID,),
        in_specs=[_row_spec(_D), _const_spec((_D, _D)), p_spec],
        out_specs=_row_spec(_D),
        out_shape=jax.ShapeDtypeStruct((_NP, _D), jnp.float32),
    )(x, W1, degp)

    s = _make_spmm()(xw1p, packed)

    xw2p = pl.pallas_call(
        _mid_body,
        grid=(_GRID,),
        in_specs=[_s_spec, _row_spec(_D), p_spec,
                  _const_spec((1, _D)), _const_spec((_D, _D))],
        out_specs=_row_spec(_D),
        out_shape=jax.ShapeDtypeStruct((_NP, _D), jnp.float32),
    )(s, xw1p, degp, b1r, W2)

    t = _make_spmm()(xw2p, packed)

    g = pl.pallas_call(
        _pool_body,
        grid=(_GRID,),
        in_specs=[_s_spec, _row_spec(_D), p_spec,
                  _const_spec((1, _D)), _row_spec(1)],
        out_specs=_const_spec((_B, _D)),
        out_shape=jax.ShapeDtypeStruct((_B, _D), jnp.float32),
        scratch_shapes=[pltpu.VMEM((_B, _D), jnp.float32),
                        pltpu.VMEM((_B, 1), jnp.float32)],
    )(t, xw2p, degp, b2r, bid)

    return g

# --- scband reference (transcript-rebuilt; emitter-appended) ---
"""Pipeline reference for scband-gnnbackbone-58256936403164 (READ-ONLY COPY).

The authoritative reference and input builder live on the scoring server;
editing this copy changes nothing except your own understanding.
"""

import jax, jax.numpy as jnp
import numpy as np

N = 10000
E = 320000
D = 128
H = 128
B = 16


def setup_inputs(seed: int = 0) -> dict:
    key = jax.random.key(seed)
    ks = jax.random.split(key, 8)
    x = jax.random.normal(ks[0], (N, D), dtype=jnp.float32)
    edge_index = jax.random.randint(ks[1], (2, E), 0, N, dtype=jnp.int32)
    batch = jnp.sort(jax.random.randint(ks[2], (N,), 0, B, dtype=jnp.int32))
    W1 = jax.random.normal(ks[3], (D, H), dtype=jnp.float32) * (1.0 / np.sqrt(D))
    b1 = jnp.zeros((H,), dtype=jnp.float32)
    W2 = jax.random.normal(ks[4], (H, H), dtype=jnp.float32) * (1.0 / np.sqrt(H))
    b2 = jnp.zeros((H,), dtype=jnp.float32)
    return {"x": x, "edge_index": edge_index, "batch": batch, "W1": W1, "b1": b1, "W2": W2, "b2": b2}


def gcn_conv(x, edge_index, W, b, num_nodes):
    # PyG GCNConv: linear transform, add self-loops, symmetric normalization, scatter-add aggregate
    x = x @ W
    src = edge_index[0]
    dst = edge_index[1]
    loop = jnp.arange(num_nodes, dtype=src.dtype)
    src = jnp.concatenate([src, loop])
    dst = jnp.concatenate([dst, loop])
    ones = jnp.ones(src.shape[0], dtype=x.dtype)
    deg = jax.ops.segment_sum(ones, dst, num_segments=num_nodes)
    dinv = jnp.where(deg > 0, deg ** -0.5, 0.0)
    norm = dinv[src] * dinv[dst]
    msg = x[src] * norm[:, None]
    out = jax.ops.segment_sum(msg, dst, num_segments=num_nodes)
    return out + b


def reference(x, edge_index, batch, W1, b1, W2, b2):
    h = jax.nn.elu(gcn_conv(x, edge_index, W1, b1, N))
    # dropout is identity in eval mode
    h = jax.nn.elu(gcn_conv(h, edge_index, W2, b2, N))
    counts = jax.ops.segment_sum(jnp.ones((N,), dtype=h.dtype), batch, num_segments=B)
    g = jax.ops.segment_sum(h, batch, num_segments=B) / jnp.maximum(counts, 1.0)[:, None]
    return g

if __name__ == "__main__":
    import jax
    _d = setup_inputs()
    print(jax.jit(kernel)(*tuple(_d.values())))

</pallas_src>

<mosaic_0001>
#map = affine_map<(d0, d1) -> (0, 0)>
module attributes {stable_mosaic.version = 14 : i64} {
  func.func @_deg_body(%arg0: i32, %arg1: i32, %arg2: memref<2560x128xi32, #tpu.memory_space<hbm>>, %arg3: memref<2x10240xf32, #tpu.memory_space<hbm>>, %arg4: memref<80x128xi32, #tpu.memory_space<vmem>>, %arg5: memref<128xf32, #tpu.memory_space<vmem>>, %arg6: memref<640xf32, #tpu.memory_space<vmem>>, %arg7: memref<10240xf32, #tpu.memory_space<vmem_shared>>, %arg8: memref<!tpu.dma_semaphore, #tpu.memory_space<semaphore_mem>>) attributes {dimension_semantics = [#tpu.dimension_semantics<core_parallel>, #tpu.dimension_semantics<subcore_parallel>], iteration_bounds = array<i64: 2, 16>, scalar_prefetch = 0 : i64, scratch_operands = 5 : i64, tpu.core_type = #tpu.core_type<sc_vector_subcore>, window_params = [{transform_indices = #map}, {transform_indices = #map}]} {
    %mul3A = arith.constant 16 : i32
    %mul3A_0 = arith.muli %arg0, %mul3A : i32
    %add3A = arith.addi %mul3A_0, %arg1 : i32
    %mul3A_1 = arith.constant 80 : i32
    %mul3A_2 = arith.muli %add3A, %mul3A_1 : i32
    "tpu.region"() ({
      %run_scoped3A = tpu.sem_alloc : memref<!tpu.dma_semaphore, #tpu.memory_space<semaphore_mem>>
      %dma_start3A = arith.constant 0 : i32
      %dma_start3A_307 = tpu.memref_slice %arg2[%mul3A_2, %dma_start3A] : memref<2560x128xi32, #tpu.memory_space<hbm>> -> memref<80x128xi32, #tpu.memory_space<hbm>>
      %dma_start3A_308 = arith.constant 0 : i32
      %dma_start3A_309 = tpu.memref_slice %arg2[%mul3A_2, %dma_start3A_308] : memref<2560x128xi32, #tpu.memory_space<hbm>> -> memref<80x128xi32, #tpu.memory_space<hbm>>
      tpu.enqueue_dma source(%dma_start3A_309 : memref<80x128xi32, #tpu.memory_space<hbm>>) target(%arg4 : memref<80x128xi32, #tpu.memory_space<vmem>>) target_semaphore(%run_scoped3A : memref<!tpu.dma_semaphore, #tpu.memory_space<semaphore_mem>>)
      %dma_wait3A = arith.constant 0 : i32
      %dma_wait3A_310 = tpu.memref_slice %arg2[%mul3A_2, %dma_wait3A] : memref<2560x128xi32, #tpu.memory_space<hbm>> -> memref<80x128xi32, #tpu.memory_space<hbm>>
      %dma_wait3A_311 = arith.constant 0 : i32
      %dma_wait3A_312 = tpu.memref_slice %arg2[%mul3A_2, %dma_wait3A_311] : memref<2560x128xi32, #tpu.memory_space<hbm>> -> memref<80x128xi32, #tpu.memory_space<hbm>>
      tpu.wait_dma2 semaphore(%run_scoped3A : memref<!tpu.dma_semaphore, #tpu.memory_space<semaphore_mem>>) src(%dma_wait3A_312 : memref<80x128xi32, #tpu.memory_space<hbm>>) dst(%arg4 : memref<80x128xi32, #tpu.memory_space<vmem>>)
      tpu.yield
    }) : () -> ()
    %broadcast_in_dim3A = arith.constant 1.000000e+00 : f32
    %broadcast_in_dim3A_3 = vector.broadcast %broadcast_in_dim3A : f32 to vector<16xf32>
    %swap3A = arith.constant 0 : index
    %swap3A_4 = tpu.vector_load %arg5[%swap3A] {strides = array<i32>} : memref<128xf32, #tpu.memory_space<vmem>>, vector<16xf32>,
    %swap3A_5 = vector.shape_cast %swap3A_4 : vector<16xf32> to vector<16xf32>
    %swap3A_6 = vector.shape_cast %broadcast_in_dim3A_3 : vector<16xf32> to vector<16xf32>
    tpu.vector_store %arg5[%swap3A], %swap3A_6 {strides = array<i32>} : memref<128xf32, #tpu.memory_space<vmem>>, vector<16xf32>,
    %broadcast_in_dim3A_7 = arith.constant 1.000000e+00 : f32
    %broadcast_in_dim3A_8 = vector.broadcast %broadcast_in_dim3A_7 : f32 to vector<16xf32>
    %swap3A_9 = arith.constant 16 : index
    %swap3A_10 = tpu.vector_load %arg5[%swap3A_9] {strides = array<i32>} : memref<128xf32, #tpu.memory_space<vmem>>, vector<16xf32>,
    %swap3A_11 = vector.shape_cast %swap3A_10 : vector<16xf32> to vector<16xf32>
    %swap3A_12 = vector.shape_cast %broadcast_in_dim3A_8 : vector<16xf32> to vector<16xf32>
    tpu.vector_store %arg5[%swap3A_9], %swap3A_12 {strides = array<i32>} : memref<128xf32, #tpu.memory_space<vmem>>, vector<16xf32>,
    %broadcast_in_dim3A_13 = arith.constant 1.000000e+00 : f32
    %broadcast_in_dim3A_14 = vector.broadcast %broadcast_in_dim3A_13 : f32 to vector<16xf32>
    %swap3A_15 = arith.constant 32 : index
    %swap3A_16 = tpu.vector_load %arg5[%swap3A_15] {strides = array<i32>} : memref<128xf32, #tpu.memory_space<vmem>>, vector<16xf32>,
    %swap3A_17 = vector.shape_cast %swap3A_16 : vector<16xf32> to vector<16xf32>
    %swap3A_18 = vector.shape_cast %broadcast_in_dim3A_14 : vector<16xf32> to vector<16xf32>
    tpu.vector_store %arg5[%swap3A_15], %swap3A_18 {strides = array<i32>} : memref<128xf32, #tpu.memory_space<vmem>>, vector<16xf32>,
    %broadcast_in_dim3A_19 = arith.constant 1.000000e+00 : f32
    %broadcast_in_dim3A_20 = vector.broadcast %broadcast_in_dim3A_19 : f32 to vector<16xf32>
    %swap3A_21 = arith.constant 48 : index
    %swap3A_22 = tpu.vector_load %arg5[%swap3A_21] {strides = array<i32>} : memref<128xf32, #tpu.memory_space<vmem>>, vector<16xf32>,
    %swap3A_23 = vector.shape_cast %swap3A_22 : vector<16xf32> to vector<16xf32>
    %swap3A_24 = vector.shape_cast %broadcast_in_dim3A_20 : vector<16xf32> to vector<16xf32>
    tpu.vector_store %arg5[%swap3A_21], %swap3A_24 {strides = array<i32>} : memref<128xf32, #tpu.memory_space<vmem>>, vector<16xf32>,
    %broadcast_in_dim3A_25 = arith.constant 1.000000e+00 : f32
    %broadcast_in_dim3A_26 = vector.broadcast %broadcast_in_dim3A_25 : f32 to vector<16xf32>
    %swap3A_27 = arith.constant 64 : index
    %swap3A_28 = tpu.vector_load %arg5[%swap3A_27] {strides = array<i32>} : memref<128xf32, #tpu.memory_space<vmem>>, vector<16xf32>,
    %swap3A_29 = vector.shape_cast %swap3A_28 : vector<16xf32> to vector<16xf32>
    %swap3A_30 = vector.shape_cast %broadcast_in_dim3A_26 : vector<16xf32> to vector<16xf32>
    tpu.vector_store %arg5[%swap3A_27], %swap3A_30 {strides = array<i32>} : memref<128xf32, #tpu.memory_space<vmem>>, vector<16xf32>,
    %broadcast_in_dim3A_31 = arith.constant 1.000000e+00 : f32
    %broadcast_in_dim3A_32 = vector.broadcast %broadcast_in_dim3A_31 : f32 to vector<16xf32>
    %swap3A_33 = arith.constant 80 : index
    %swap3A_34 = tpu.vector_load %arg5[%swap3A_33] {strides = array<i32>} : memref<128xf32, #tpu.memory_space<vmem>>, vector<16xf32>,
    %swap3A_35 = vector.shape_cast %swap3A_34 : vector<16xf32> to vector<16xf32>
    %swap3A_36 = vector.shape_cast %broadcast_in_dim3A_32 : vector<16xf32> to vector<16xf32>
    tpu.vector_store %arg5[%swap3A_33], %swap3A_36 {strides = array<i32>} : memref<128xf32, #tpu.memory_space<vmem>>, vector<16xf32>,
    %broadcast_in_dim3A_37 = arith.constant 1.000000e+00 : f32
    %broadcast_in_dim3A_38 = vector.broadcast %broadcast_in_dim3A_37 : f32 to vector<16xf32>
    %swap3A_39 = arith.constant 96 : index
    %swap3A_40 = tpu.vector_load %arg5[%swap3A_39] {strides = array<i32>} : memref<128xf32, #tpu.memory_space<vmem>>, vector<16xf32>,
    %swap3A_41 = vector.shape_cast %swap3A_40 : vector<16xf32> to vector<16xf32>
    %swap3A_42 = vector.shape_cast %broadcast_in_dim3A_38 : vector<16xf32> to vector<16xf32>
    tpu.vector_store %arg5[%swap3A_39], %swap3A_42 {strides = array<i32>} : memref<128xf32, #tpu.memory_space<vmem>>, vector<16xf32>,
    %broadcast_in_dim3A_43 = arith.constant 1.000000e+00 : f32
    %broadcast_in_dim3A_44 = vector.broadcast %broadcast_in_dim3A_43 : f32 to vector<16xf32>
    %swap3A_45 = arith.constant 112 : index
    %swap3A_46 = tpu.vector_load %arg5[%swap3A_45] {strides = array<i32>} : memref<128xf32, #tpu.memory_space<vmem>>, vector<16xf32>,
    %swap3A_47 = vector.shape_cast %swap3A_46 : vector<16xf32> to vector<16xf32>
    %swap3A_48 = vector.shape_cast %broadcast_in_dim3A_44 : vector<16xf32> to vector<16xf32>
    tpu.vector_store %arg5[%swap3A_45], %swap3A_48 {strides = array<i32>} : memref<128xf32, #tpu.memory_space<vmem>>, vector<16xf32>,
    %broadcast_in_dim3A_49 = arith.constant 0.000000e+00 : f32
    %broadcast_in_dim3A_50 = vector.broadcast %broadcast_in_dim3A_49 : f32 to vector<16xf32>
    %swap3A_51 = arith.constant 0 : index
    %swap3A_52 = tpu.vector_load %arg6[%swap3A_51] {strides = array<i32>} : memref<640xf32, #tpu.memory_space<vmem>>, vector<16xf32>,
    %swap3A_53 = vector.shape_cast %swap3A_52 : vector<16xf32> to vector<16xf32>
    %swap3A_54 = vector.shape_cast %broadcast_in_dim3A_50 : vector<16xf32> to vector<16xf32>
    tpu.vector_store %arg6[%swap3A_51], %swap3A_54 {strides = array<i32>} : memref<640xf32, #tpu.memory_space<vmem>>, vector<16xf32>,
    %broadcast_in_dim3A_55 = arith.constant 0.000000e+00 : f32
    %broadcast_in_dim3A_56 = vector.broadcast %broadcast_in_dim3A_55 : f32 to vector<16xf32>
    %swap3A_57 = arith.constant 16 : index
    %swap3A_58 = tpu.vector_load %arg6[%swap3A_57] {strides = array<i32>} : memref<640xf32, #tpu.memory_space<vmem>>, vector<16xf32>,
    %swap3A_59 = vector.shape_cast %swap3A_58 : vector<16xf32> to vector<16xf32>
    %swap3A_60 = vector.shape_cast %broadcast_in_dim3A_56 : vector<16xf32> to vector<16xf32>
    tpu.vector_store %arg6[%swap3A_57], %swap3A_60 {strides = array<i32>} : memref<640xf32, #tpu.memory_space<vmem>>, vector<16xf32>,
    %broadcast_in_dim3A_61 = arith.constant 0.000000e+00 : f32
    %broadcast_in_dim3A_62 = vector.broadcast %broadcast_in_dim3A_61 : f32 to vector<16xf32>
    %swap3A_63 = arith.constant 32 : index
    %swap3A_64 = tpu.vector_load %arg6[%swap3A_63] {strides = array<i32>} : memref<640xf32, #tpu.memory_space<vmem>>, vector<16xf32>,
    %swap3A_65 = vector.shape_cast %swap3A_64 : vector<16xf32> to vector<16xf32>
    %swap3A_66 = vector.shape_cast %broadcast_in_dim3A_62 : vector<16xf32> to vector<16xf32>
    tpu.vector_store %arg6[%swap3A_63], %swap3A_66 {strides = array<i32>} : memref<640xf32, #tpu.memory_space<vmem>>, vector<16xf32>,
    %broadcast_in_dim3A_67 = arith.constant 0.000000e+00 : f32
    %broadcast_in_dim3A_68 = vector.broadcast %broadcast_in_dim3A_67 : f32 to vector<16xf32>
    %swap3A_69 = arith.constant 48 : index
    %swap3A_70 = tpu.vector_load %arg6[%swap3A_69] {strides = array<i32>} : memref<640xf32, #tpu.memory_space<vmem>>, vector<16xf32>,
    %swap3A_71 = vector.shape_cast %swap3A_70 : vector<16xf32> to vector<16xf32>
    %swap3A_72 = vector.shape_cast %broadcast_in_dim3A_68 : vector<16xf32> to vector<16xf32>
    tpu.vector_store %arg6[%swap3A_69], %swap3A_72 {strides = array<i32>} : memref<640xf32, #tpu.memory_space<vmem>>, vector<16xf32>,
    %broadcast_in_dim3A_73 = arith.constant 0.000000e+00 : f32
    %broadcast_in_dim3A_74 = vector.broadcast %broadcast_in_dim3A_73 : f32 to vector<16xf32>
    %swap3A_75 = arith.constant 64 : index
    %swap3A_76 = tpu.vector_load %arg6[%swap3A_75] {strides = array<i32>} : memref<640xf32, #tpu.memory_space<vmem>>, vector<16xf32>,
    %swap3A_77 = vector.shape_cast %swap3A_76 : vector<16xf32> to vector<16xf32>
    %swap3A_78 = vector.shape_cast %broadcast_in_dim3A_74 : vector<16xf32> to vector<16xf32>
    tpu.vector_store %arg6[%swap3A_75], %swap3A_78 {strides = array<i32>} : memref<640xf32, #tpu.memory_space<vmem>>, vector<16xf32>,
    %broadcast_in_dim3A_79 = arith.constant 0.000000e+00 : f32
    %broadcast_in_dim3A_80 = vector.broadcast %broadcast_in_dim3A_79 : f32 to vector<16xf32>
    %swap3A_81 = arith.constant 80 : index
    %swap3A_82 = tpu.vector_load %arg6[%swap3A_81] {strides = array<i32>} : memref<640xf32, #tpu.memory_space<vmem>>, vector<16xf32>,
    %swap3A_83 = vector.shape_cast %swap3A_82 : vector<16xf32> to vector<16xf32>
    %swap3A_84 = vector.shape_cast %broadcast_in_dim3A_80 : vector<16xf32> to vector<16xf32>
    tpu.vector_store %arg6[%swap3A_81], %swap3A_84 {strides = array<i32>} : memref<640xf32, #tpu.memory_space<vmem>>, vector<16xf32>,
    %broadcast_in_dim3A_85 = arith.constant 0.000000e+00 : f32
    %broadcast_in_dim3A_86 = vector.broadcast %broadcast_in_dim3A_85 : f32 to vector<16xf32>
    %swap3A_87 = arith.constant 96 : index
    %swap3A_88 = tpu.vector_load %arg6[%swap3A_87] {strides = array<i32>} : memref<640xf32, #tpu.memory_space<vmem>>, vector<16xf32>,
    %swap3A_89 = vector.shape_cast %swap3A_88 : vector<16xf32> to vector<16xf32>
    %swap3A_90 = vector.shape_cast %broadcast_in_dim3A_86 : vector<16xf32> to vector<16xf32>
    tpu.vector_store %arg6[%swap3A_87], %swap3A_90 {strides = array<i32>} : memref<640xf32, #tpu.memory_space<vmem>>, vector<16xf32>,
    %broadcast_in_dim3A_91 = arith.constant 0.000000e+00 : f32
    %broadcast_in_dim3A_92 = vector.broadcast %broadcast_in_dim3A_91 : f32 to vector<16xf32>
    %swap3A_93 = arith.constant 112 : index
    %swap3A_94 = tpu.vector_load %arg6[%swap3A_93] {strides = array<i32>} : memref<640xf32, #tpu.memory_space<vmem>>, vector<16xf32>,
    %swap3A_95 = vector.shape_cast %swap3A_94 : vector<16xf32> to vector<16xf32>
    %swap3A_96 = vector.shape_cast %broadcast_in_dim3A_92 : vector<16xf32> to vector<16xf32>
    tpu.vector_store %arg6[%swap3A_93], %swap3A_96 {strides = array<i32>} : memref<640xf32, #tpu.memory_space<vmem>>, vector<16xf32>,
    %broadcast_in_dim3A_97 = arith.constant 0.000000e+00 : f32
    %broadcast_in_dim3A_98 = vector.broadcast %broadcast_in_dim3A_97 : f32 to vector<16xf32>
    %swap3A_99 = arith.constant 128 : index
    %swap3A_100 = tpu.vector_load %arg6[%swap3A_99] {strides = array<i32>} : memref<640xf32, #tpu.memory_space<vmem>>, vector<16xf32>,
    %swap3A_101 = vector.shape_cast %swap3A_100 : vector<16xf32> to vector<16xf32>
    %swap3A_102 = vector.shape_cast %broadcast_in_dim3A_98 : vector<16xf32> to vector<16xf32>
    tpu.vector_store %arg6[%swap3A_99], %swap3A_102 {strides = array<i32>} : memref<640xf32, #tpu.memory_space<vmem>>, vector<16xf32>,
    %broadcast_in_dim3A_103 = arith.constant 0.000000e+00 : f32
    %broadcast_in_dim3A_104 = vector.broadcast %broadcast_in_dim3A_103 : f32 to vector<16xf32>
    %swap3A_105 = arith.constant 144 : index
    %swap3A_106 = tpu.vector_load %arg6[%swap3A_105] {strides = array<i32>} : memref<640xf32, #tpu.memory_space<vmem>>, vector<16xf32>,
    %swap3A_107 = vector.shape_cast %swap3A_106 : vector<16xf32> to vector<16xf32>
    %swap3A_108 = vector.shape_cast %broadcast_in_dim3A_104 : vector<16xf32> to vector<16xf32>
    tpu.vector_store %arg6[%swap3A_105], %swap3A_108 {strides = array<i32>} : memref<640xf32, #tpu.memory_space<vmem>>, vector<16xf32>,
    %broadcast_in_dim3A_109 = arith.constant 0.000000e+00 : f32
    %broadcast_in_dim3A_110 = vector.broadcast %broadcast_in_dim3A_109 : f32 to vector<16xf32>
    %swap3A_111 = arith.constant 160 : index
    %swap3A_112 = tpu.vector_load %arg6[%swap3A_111] {strides = array<i32>} : memref<640xf32, #tpu.memory_space<vmem>>, vector<16xf32>,
    %swap3A_113 = vector.shape_cast %swap3A_112 : vector<16xf32> to vector<16xf32>
    %swap3A_114 = vector.shape_cast %broadcast_in_dim3A_110 : vector<16xf32> to vector<16xf32>
    tpu.vector_store %arg6[%swap3A_111], %swap3A_114 {strides = array<i32>} : memref<640xf32, #tpu.memory_space<vmem>>, vector<16xf32>,
    %broadcast_in_dim3A_115 = arith.constant 0.000000e+00 : f32
    %broadcast_in_dim3A_116 = vector.broadcast %broadcast_in_dim3A_115 : f32 to vector<16xf32>
    %swap3A_117 = arith.constant 176 : index
    %swap3A_118 = tpu.vector_load %arg6[%swap3A_117] {strides = array<i32>} : memref<640xf32, #tpu.memory_space<vmem>>, vector<16xf32>,
    %swap3A_119 = vector.shape_cast %swap3A_118 : vector<16xf32> to vector<16xf32>
    %swap3A_120 = vector.shape_cast %broadcast_in_dim3A_116 : vector<16xf32> to vector<16xf32>
    tpu.vector_store %arg6[%swap3A_117], %swap3A_120 {strides = array<i32>} : memref<640xf32, #tpu.memory_space<vmem>>, vector<16xf32>,
    %broadcast_in_dim3A_121 = arith.constant 0.000000e+00 : f32
    %broadcast_in_dim3A_122 = vector.broadcast %broadcast_in_dim3A_121 : f32 to vector<16xf32>
    %swap3A_123 = arith.constant 192 : index
    %swap3A_124 = tpu.vector_load %arg6[%swap3A_123] {strides = array<i32>} : memref<640xf32, #tpu.memory_space<vmem>>, vector<16xf32>,
    %swap3A_125 = vector.shape_cast %swap3A_124 : vector<16xf32> to vector<16xf32>
    %swap3A_126 = vector.shape_cast %broadcast_in_dim3A_122 : vector<16xf32> to vector<16xf32>
    tpu.vector_store %arg6[%swap3A_123], %swap3A_126 {strides = array<i32>} : memref<640xf32, #tpu.memory_space<vmem>>, vector<16xf32>,
    %broadcast_in_dim3A_127 = arith.constant 0.000000e+00 : f32
    %broadcast_in_dim3A_128 = vector.broadcast %broadcast_in_dim3A_127 : f32 to vector<16xf32>
    %swap3A_129 = arith.constant 208 : index
    %swap3A_130 = tpu.vector_load %arg6[%swap3A_129] {strides = array<i32>} : memref<640xf32, #tpu.memory_space<vmem>>, vector<16xf32>,
    %swap3A_131 = vector.shape_cast %swap3A_130 : vector<16xf32> to vector<16xf32>
    %swap3A_132 = vector.shape_cast %broadcast_in_dim3A_128 : vector<16xf32> to vector<16xf32>
    tpu.vector_store %arg6[%swap3A_129], %swap3A_132 {strides = array<i32>} : memref<640xf32, #tpu.memory_space<vmem>>, vector<16xf32>,
    %broadcast_in_dim3A_133 = arith.constant 0.000000e+00 : f32
    %broadcast_in_dim3A_134 = vector.broadcast %broadcast_in_dim3A_133 : f32 to vector<16xf32>
    %swap3A_135 = arith.constant 224 : index
    %swap3A_136 = tpu.vector_load %arg6[%swap3A_135] {strides = array<i32>} : memref<640xf32, #tpu.memory_space<vmem>>, vector<16xf32>,
    %swap3A_137 = vector.shape_cast %swap3A_136 : vector<16xf32> to vector<16xf32>
    %swap3A_138 = vector.shape_cast %broadcast_in_dim3A_134 : vector<16xf32> to vector<16xf32>
    tpu.vector_store %arg6[%swap3A_135], %swap3A_138 {strides = array<i32>} : memref<640xf32, #tpu.memory_space<vmem>>, vector<16xf32>,
    %broadcast_in_dim3A_139 = arith.constant 0.000000e+00 : f32
    %broadcast_in_dim3A_140 = vector.broadcast %broadcast_in_dim3A_139 : f32 to vector<16xf32>
    %swap3A_141 = arith.constant 240 : index
    %swap3A_142 = tpu.vector_load %arg6[%swap3A_141] {strides = array<i32>} : memref<640xf32, #tpu.memory_space<vmem>>, vector<16xf32>,
    %swap3A_143 = vector.shape_cast %swap3A_142 : vector<16xf32> to vector<16xf32>
    %swap3A_144 = vector.shape_cast %broadcast_in_dim3A_140 : vector<16xf32> to vector<16xf32>
    tpu.vector_store %arg6[%swap3A_141], %swap3A_144 {strides = array<i32>} : memref<640xf32, #tpu.memory_space<vmem>>, vector<16xf32>,
    %broadcast_in_dim3A_145 = arith.constant 0.000000e+00 : f32
    %broadcast_in_dim3A_146 = vector.broadcast %broadcast_in_dim3A_145 : f32 to vector<16xf32>
    %swap3A_147 = arith.constant 256 : index
    %swap3A_148 = tpu.vector_load %arg6[%swap3A_147] {strides = array<i32>} : memref<640xf32, #tpu.memory_space<vmem>>, vector<16xf32>,
    %swap3A_149 = vector.shape_cast %swap3A_148 : vector<16xf32> to vector<16xf32>
    %swap3A_150 = vector.shape_cast %broadcast_in_dim3A_146 : vector<16xf32> to vector<16xf32>
    tpu.vector_store %arg6[%swap3A_147], %swap3A_150 {strides = array<i32>} : memref<640xf32, #tpu.memory_space<vmem>>, vector<16xf32>,
    %broadcast_in_dim3A_151 = arith.constant 0.000000e+00 : f32
    %broadcast_in_dim3A_152 = vector.broadcast %broadcast_in_dim3A_151 : f32 to vector<16xf32>
    %swap3A_153 = arith.constant 272 : index
    %swap3A_154 = tpu.vector_load %arg6[%swap3A_153] {strides = array<i32>} : memref<640xf32, #tpu.memory_space<vmem>>, vector<16xf32>,
    %swap3A_155 = vector.shape_cast %swap3A_154 : vector<16xf32> to vector<16xf32>
    %swap3A_156 = vector.shape_cast %broadcast_in_dim3A_152 : vector<16xf32> to vector<16xf32>
    tpu.vector_store %arg6[%swap3A_153], %swap3A_156 {strides = array<i32>} : memref<640xf32, #tpu.memory_space<vmem>>, vector<16xf32>,
    %broadcast_in_dim3A_157 = arith.constant 0.000000e+00 : f32
    %broadcast_in_dim3A_158 = vector.broadcast %broadcast_in_dim3A_157 : f32 to vector<16xf32>
    %swap3A_159 = arith.constant 288 : index
    %swap3A_160 = tpu.vector_load %arg6[%swap3A_159] {strides = array<i32>} : memref<640xf32, #tpu.memory_space<vmem>>, vector<16xf32>,
    %swap3A_161 = vector.shape_cast %swap3A_160 : vector<16xf32> to vector<16xf32>
    %swap3A_162 = vector.shape_cast %broadcast_in_dim3A_158 : vector<16xf32> to vector<16xf32>
    tpu.vector_store %arg6[%swap3A_159], %swap3A_162 {strides = array<i32>} : memref<640xf32, #tpu.memory_space<vmem>>, vector<16xf32>,
    %broadcast_in_dim3A_163 = arith.constant 0.000000e+00 : f32
    %broadcast_in_dim3A_164 = vector.broadcast %broadcast_in_dim3A_163 : f32 to vector<16xf32>
    %swap3A_165 = arith.constant 304 : index
    %swap3A_166 = tpu.vector_load %arg6[%swap3A_165] {strides = array<i32>} : memref<640xf32, #tpu.memory_space<vmem>>, vector<16xf32>,
    %swap3A_167 = vector.shape_cast %swap3A_166 : vector<16xf32> to vector<16xf32>
    %swap3A_168 = vector.shape_cast %broadcast_in_dim3A_164 : vector<16xf32> to vector<16xf32>
    tpu.vector_store %arg6[%swap3A_165], %swap3A_168 {strides = array<i32>} : memref<640xf32, #tpu.memory_space<vmem>>, vector<16xf32>,
    %broadcast_in_dim3A_169 = arith.constant 0.000000e+00 : f32
    %broadcast_in_dim3A_170 = vector.broadcast %broadcast_in_dim3A_169 : f32 to vector<16xf32>
    %swap3A_171 = arith.constant 320 : index
    %swap3A_172 = tpu.vector_load %arg6[%swap3A_171] {strides = array<i32>} : memref<640xf32, #tpu.memory_space<vmem>>, vector<16xf32>,
    %swap3A_173 = vector.shape_cast %swap3A_172 : vector<16xf32> to vector<16xf32>
    %swap3A_174 = vector.shape_cast %broadcast_in_dim3A_170 : vector<16xf32> to vector<16xf32>
    tpu.vector_store %arg6[%swap3A_171], %swap3A_174 {strides = array<i32>} : memref<640xf32, #tpu.memory_space<vmem>>, vector<16xf32>,
    %broadcast_in_dim3A_175 = arith.constant 0.000000e+00 : f32
    %broadcast_in_dim3A_176 = vector.broadcast %broadcast_in_dim3A_175 : f32 to vector<16xf32>
    %swap3A_177 = arith.constant 336 : index
    %swap3A_178 = tpu.vector_load %arg6[%swap3A_177] {strides = array<i32>} : memref<640xf32, #tpu.memory_space<vmem>>, vector<16xf32>,
    %swap3A_179 = vector.shape_cast %swap3A_178 : vector<16xf32> to vector<16xf32>
    %swap3A_180 = vector.shape_cast %broadcast_in_dim3A_176 : vector<16xf32> to vector<16xf32>
    tpu.vector_store %arg6[%swap3A_177], %swap3A_180 {strides = array<i32>} : memref<640xf32, #tpu.memory_space<vmem>>, vector<16xf32>,
    %broadcast_in_dim3A_181 = arith.constant 0.000000e+00 : f32
    %broadcast_in_dim3A_182 = vector.broadcast %broadcast_in_dim3A_181 : f32 to vector<16xf32>
    %swap3A_183 = arith.constant 352 : index
    %swap3A_184 = tpu.vector_load %arg6[%swap3A_183] {strides = array<i32>} : memref<640xf32, #tpu.memory_space<vmem>>, vector<16xf32>,
    %swap3A_185 = vector.shape_cast %swap3A_184 : vector<16xf32> to vector<16xf32>
    %swap3A_186 = vector.shape_cast %broadcast_in_dim3A_182 : vector<16xf32> to vector<16xf32>
    tpu.vector_store %arg6[%swap3A_183], %swap3A_186 {strides = array<i32>} : memref<640xf32, #tpu.memory_space<vmem>>, vector<16xf32>,
    %broadcast_in_dim3A_187 = arith.constant 0.000000e+00 : f32
    %broadcast_in_dim3A_188 = vector.broadcast %broadcast_in_dim3A_187 : f32 to vector<16xf32>
    %swap3A_189 = arith.constant 368 : index
    %swap3A_190 = tpu.vector_load %arg6[%swap3A_189] {strides = array<i32>} : memref<640xf32, #tpu.memory_space<vmem>>, vector<16xf32>,
    %swap3A_191 = vector.shape_cast %swap3A_190 : vector<16xf32> to vector<16xf32>
    %swap3A_192 = vector.shape_cast %broadcast_in_dim3A_188 : vector<16xf32> to vector<16xf32>
    tpu.vector_store %arg6[%swap3A_189], %swap3A_192 {strides = array<i32>} : memref<640xf32, #tpu.memory_space<vmem>>, vector<16xf32>,
    %broadcast_in_dim3A_193 = arith.constant 0.000000e+00 : f32
    %broadcast_in_dim3A_194 = vector.broadcast %broadcast_in_dim3A_193 : f32 to vector<16xf32>
    %swap3A_195 = arith.constant 384 : index
    %swap3A_196 = tpu.vector_load %arg6[%swap3A_195] {strides = array<i32>} : memref<640xf32, #tpu.memory_space<vmem>>, vector<16xf32>,
    %swap3A_197 = vector.shape_cast %swap3A_196 : vector<16xf32> to vector<16xf32>
    %swap3A_198 = vector.shape_cast %broadcast_in_dim3A_194 : vector<16xf32> to vector<16xf32>
    tpu.vector_store %arg6[%swap3A_195], %swap3A_198 {strides = array<i32>} : memref<640xf32, #tpu.memory_space<vmem>>, vector<16xf32>,
    %broadcast_in_dim3A_199 = arith.constant 0.000000e+00 : f32
    %broadcast_in_dim3A_200 = vector.broadcast %broadcast_in_dim3A_199 : f32 to vector<16xf32>
    %swap3A_201 = arith.constant 400 : index
    %swap3A_202 = tpu.vector_load %arg6[%swap3A_201] {strides = array<i32>} : memref<640xf32, #tpu.memory_space<vmem>>, vector<16xf32>,
    %swap3A_203 = vector.shape_cast %swap3A_202 : vector<16xf32> to vector<16xf32>
    %swap3A_204 = vector.shape_cast %broadcast_in_dim3A_200 : vector<16xf32> to vector<16xf32>
    tpu.vector_store %arg6[%swap3A_201], %swap3A_204 {strides = array<i32>} : memref<640xf32, #tpu.memory_space<vmem>>, vector<16xf32>,
    %broadcast_in_dim3A_205 = arith.constant 0.000000e+00 : f32
    %broadcast_in_dim3A_206 = vector.broadcast %broadcast_in_dim3A_205 : f32 to vector<16xf32>
    %swap3A_207 = arith.constant 416 : index
    %swap3A_208 = tpu.vector_load %arg6[%swap3A_207] {strides = array<i32>} : memref<640xf32, #tpu.memory_space<vmem>>, vector<16xf32>,
    %swap3A_209 = vector.shape_cast %swap3A_208 : vector<16xf32> to vector<16xf32>
    %swap3A_210 = vector.shape_cast %broadcast_in_dim3A_206 : vector<16xf32> to vector<16xf32>
    tpu.vector_store %arg6[%swap3A_207], %swap3A_210 {strides = array<i32>} : memref<640xf32, #tpu.memory_space<vmem>>, vector<16xf32>,
    %broadcast_in_dim3A_211 = arith.constant 0.000000e+00 : f32
    %broadcast_in_dim3A_212 = vector.broadcast %broadcast_in_dim3A_211 : f32 to vector<16xf32>
    %swap3A_213 = arith.constant 432 : index
    %swap3A_214 = tpu.vector_load %arg6[%swap3A_213] {strides = array<i32>} : memref<640xf32, #tpu.memory_space<vmem>>, vector<16xf32>,
    %swap3A_215 = vector.shape_cast %swap3A_214 : vector<16xf32> to vector<16xf32>
    %swap3A_216 = vector.shape_cast %broadcast_in_dim3A_212 : vector<16xf32> to vector<16xf32>
    tpu.vector_store %arg6[%swap3A_213], %swap3A_216 {strides = array<i32>} : memref<640xf32, #tpu.memory_space<vmem>>, vector<16xf32>,
    %broadcast_in_dim3A_217 = arith.constant 0.000000e+00 : f32
    %broadcast_in_dim3A_218 = vector.broadcast %broadcast_in_dim3A_217 : f32 to vector<16xf32>
    %swap3A_219 = arith.constant 448 : index
    %swap3A_220 = tpu.vector_load %arg6[%swap3A_219] {strides = array<i32>} : memref<640xf32, #tpu.memory_space<vmem>>, vector<16xf32>,
    %swap3A_221 = vector.shape_cast %swap3A_220 : vector<16xf32> to vector<16xf32>
    %swap3A_222 = vector.shape_cast %broadcast_in_dim3A_218 : vector<16xf32> to vector<16xf32>
    tpu.vector_store %arg6[%swap3A_219], %swap3A_222 {strides = array<i32>} : memref<640xf32, #tpu.memory_space<vmem>>, vector<16xf32>,
    %broadcast_in_dim3A_223 = arith.constant 0.000000e+00 : f32
    %broadcast_in_dim3A_224 = vector.broadcast %broadcast_in_dim3A_223 : f32 to vector<16xf32>
    %swap3A_225 = arith.constant 464 : index
    %swap3A_226 = tpu.vector_load %arg6[%swap3A_225] {strides = array<i32>} : memref<640xf32, #tpu.memory_space<vmem>>, vector<16xf32>,
    %swap3A_227 = vector.shape_cast %swap3A_226 : vector<16xf32> to vector<16xf32>
    %swap3A_228 = vector.shape_cast %broadcast_in_dim3A_224 : vector<16xf32> to vector<16xf32>
    tpu.vector_store %arg6[%swap3A_225], %swap3A_228 {strides = array<i32>} : memref<640xf32, #tpu.memory_space<vmem>>, vector<16xf32>,
    %broadcast_in_dim3A_229 = arith.constant 0.000000e+00 : f32
    %broadcast_in_dim3A_230 = vector.broadcast %broadcast_in_dim3A_229 : f32 to vector<16xf32>
    %swap3A_231 = arith.constant 480 : index
    %swap3A_232 = tpu.vector_load %arg6[%swap3A_231] {strides = array<i32>} : memref<640xf32, #tpu.memory_space<vmem>>, vector<16xf32>,
    %swap3A_233 = vector.shape_cast %swap3A_232 : vector<16xf32> to vector<16xf32>
    %swap3A_234 = vector.shape_cast %broadcast_in_dim3A_230 : vector<16xf32> to vector<16xf32>
    tpu.vector_store %arg6[%swap3A_231], %swap3A_234 {strides = array<i32>} : memref<640xf32, #tpu.memory_space<vmem>>, vector<16xf32>,
    %broadcast_in_dim3A_235 = arith.constant 0.000000e+00 : f32
    %broadcast_in_dim3A_236 = vector.broadcast %broadcast_in_dim3A_235 : f32 to vector<16xf32>
    %swap3A_237 = arith.constant 496 : index
    %swap3A_238 = tpu.vector_load %arg6[%swap3A_237] {strides = array<i32>} : memref<640xf32, #tpu.memory_space<vmem>>, vector<16xf32>,
    %swap3A_239 = vector.shape_cast %swap3A_238 : vector<16xf32> to vector<16xf32>
    %swap3A_240 = vector.shape_cast %broadcast_in_dim3A_236 : vector<16xf32> to vector<16xf32>
    tpu.vector_store %arg6[%swap3A_237], %swap3A_240 {strides = array<i32>} : memref<640xf32, #tpu.memory_space<vmem>>, vector<16xf32>,
    %broadcast_in_dim3A_241 = arith.constant 0.000000e+00 : f32
    %broadcast_in_dim3A_242 = vector.broadcast %broadcast_in_dim3A_241 : f32 to vector<16xf32>
    %swap3A_243 = arith.constant 512 : index
    %swap3A_244 = tpu.vector_load %arg6[%swap3A_243] {strides = array<i32>} : memref<640xf32, #tpu.memory_space<vmem>>, vector<16xf32>,
    %swap3A_245 = vector.shape_cast %swap3A_244 : vector<16xf32> to vector<16xf32>
    %swap3A_246 = vector.shape_cast %broadcast_in_dim3A_242 : vector<16xf32> to vector<16xf32>
    tpu.vector_store %arg6[%swap3A_243], %swap3A_246 {strides = array<i32>} : memref<640xf32, #tpu.memory_space<vmem>>, vector<16xf32>,
    %broadcast_in_dim3A_247 = arith.constant 0.000000e+00 : f32
    %broadcast_in_dim3A_248 = vector.broadcast %broadcast_in_dim3A_247 : f32 to vector<16xf32>
    %swap3A_249 = arith.constant 528 : index
    %swap3A_250 = tpu.vector_load %arg6[%swap3A_249] {strides = array<i32>} : memref<640xf32, #tpu.memory_space<vmem>>, vector<16xf32>,
    %swap3A_251 = vector.shape_cast %swap3A_250 : vector<16xf32> to vector<16xf32>
    %swap3A_252 = vector.shape_cast %broadcast_in_dim3A_248 : vector<16xf32> to vector<16xf32>
    tpu.vector_store %arg6[%swap3A_249], %swap3A_252 {strides = array<i32>} : memref<640xf32, #tpu.memory_space<vmem>>, vector<16xf32>,
    %broadcast_in_dim3A_253 = arith.constant 0.000000e+00 : f32
    %broadcast_in_dim3A_254 = vector.broadcast %broadcast_in_dim3A_253 : f32 to vector<16xf32>
    %swap3A_255 = arith.constant 544 : index
    %swap3A_256 = tpu.vector_load %arg6[%swap3A_255] {strides = array<i32>} : memref<640xf32, #tpu.memory_space<vmem>>, vector<16xf32>,
    %swap3A_257 = vector.shape_cast %swap3A_256 : vector<16xf32> to vector<16xf32>
    %swap3A_258 = vector.shape_cast %broadcast_in_dim3A_254 : vector<16xf32> to vector<16xf32>
    tpu.vector_store %arg6[%swap3A_255], %swap3A_258 {strides = array<i32>} : memref<640xf32, #tpu.memory_space<vmem>>, vector<16xf32>,
    %broadcast_in_dim3A_259 = arith.constant 0.000000e+00 : f32
    %broadcast_in_dim3A_260 = vector.broadcast %broadcast_in_dim3A_259 : f32 to vector<16xf32>
    %swap3A_261 = arith.constant 560 : index
    %swap3A_262 = tpu.vector_load %arg6[%swap3A_261] {strides = array<i32>} : memref<640xf32, #tpu.memory_space<vmem>>, vector<16xf32>,
    %swap3A_263 = vector.shape_cast %swap3A_262 : vector<16xf32> to vector<16xf32>
    %swap3A_264 = vector.shape_cast %broadcast_in_dim3A_260 : vector<16xf32> to vector<16xf32>
    tpu.vector_store %arg6[%swap3A_261], %swap3A_264 {strides = array<i32>} : memref<640xf32, #tpu.memory_space<vmem>>, vector<16xf32>,
    %broadcast_in_dim3A_265 = arith.constant 0.000000e+00 : f32
    %broadcast_in_dim3A_266 = vector.broadcast %broadcast_in_dim3A_265 : f32 to vector<16xf32>
    %swap3A_267 = arith.constant 576 : index
    %swap3A_268 = tpu.vector_load %arg6[%swap3A_267] {strides = array<i32>} : memref<640xf32, #tpu.memory_space<vmem>>, vector<16xf32>,
    %swap3A_269 = vector.shape_cast %swap3A_268 : vector<16xf32> to vector<16xf32>
    %swap3A_270 = vector.shape_cast %broadcast_in_dim3A_266 : vector<16xf32> to vector<16xf32>
    tpu.vector_store %arg6[%swap3A_267], %swap3A_270 {strides = array<i32>} : memref<640xf32, #tpu.memory_space<vmem>>, vector<16xf32>,
    %broadcast_in_dim3A_271 = arith.constant 0.000000e+00 : f32
    %broadcast_in_dim3A_272 = vector.broadcast %broadcast_in_dim3A_271 : f32 to vector<16xf32>
    %swap3A_273 = arith.constant 592 : index
    %swap3A_274 = tpu.vector_load %arg6[%swap3A_273] {strides = array<i32>} : memref<640xf32, #tpu.memory_space<vmem>>, vector<16xf32>,
    %swap3A_275 = vector.shape_cast %swap3A_274 : vector<16xf32> to vector<16xf32>
    %swap3A_276 = vector.shape_cast %broadcast_in_dim3A_272 : vector<16xf32> to vector<16xf32>
    tpu.vector_store %arg6[%swap3A_273], %swap3A_276 {strides = array<i32>} : memref<640xf32, #tpu.memory_space<vmem>>, vector<16xf32>,
    %broadcast_in_dim3A_277 = arith.constant 0.000000e+00 : f32
    %broadcast_in_dim3A_278 = vector.broadcast %broadcast_in_dim3A_277 : f32 to vector<16xf32>
    %swap3A_279 = arith.constant 608 : index
    %swap3A_280 = tpu.vector_load %arg6[%swap3A_279] {strides = array<i32>} : memref<640xf32, #tpu.memory_space<vmem>>, vector<16xf32>,
    %swap3A_281 = vector.shape_cast %swap3A_280 : vector<16xf32> to vector<16xf32>
    %swap3A_282 = vector.shape_cast %broadcast_in_dim3A_278 : vector<16xf32> to vector<16xf32>
    tpu.vector_store %arg6[%swap3A_279], %swap3A_282 {strides = array<i32>} : memref<640xf32, #tpu.memory_space<vmem>>, vector<16xf32>,
    %broadcast_in_dim3A_283 = arith.constant 0.000000e+00 : f32
    %broadcast_in_dim3A_284 = vector.broadcast %broadcast_in_dim3A_283 : f32 to vector<16xf32>
    %swap3A_285 = arith.constant 624 : index
    %swap3A_286 = tpu.vector_load %arg6[%swap3A_285] {strides = array<i32>} : memref<640xf32, #tpu.memory_space<vmem>>, vector<16xf32>,
    %swap3A_287 = vector.shape_cast %swap3A_286 : vector<16xf32> to vector<16xf32>
    %swap3A_288 = vector.shape_cast %broadcast_in_dim3A_284 : vector<16xf32> to vector<16xf32>
    tpu.vector_store %arg6[%swap3A_285], %swap3A_288 {strides = array<i32>} : memref<640xf32, #tpu.memory_space<vmem>>, vector<16xf32>,
    %mul3A_289 = arith.constant 640 : i32
    %mul3A_290 = arith.muli %arg1, %mul3A_289 : i32
    "tpu.region"() ({
      %run_scoped3A = tpu.sem_alloc : memref<!tpu.dma_semaphore, #tpu.memory_space<semaphore_mem>>
      %dma_start3A = tpu.memref_slice %arg7[%mul3A_290] : memref<10240xf32, #tpu.memory_space<vmem_shared>> -> memref<640xf32, #tpu.memory_space<vmem_shared>>
      %dma_start3A_307 = tpu.memref_slice %arg7[%mul3A_290] : memref<10240xf32, #tpu.memory_space<vmem_shared>> -> memref<640xf32, #tpu.memory_space<vmem_shared>>
      tpu.enqueue_dma source(%arg6 : memref<640xf32, #tpu.memory_space<vmem>>) target(%dma_start3A_307 : memref<640xf32, #tpu.memory_space<vmem_shared>>) target_semaphore(%run_scoped3A : memref<!tpu.dma_semaphore, #tpu.memory_space<semaphore_mem>>)
      %dma_wait3A = tpu.memref_slice %arg7[%mul3A_290] : memref<10240xf32, #tpu.memory_space<vmem_shared>> -> memref<640xf32, #tpu.memory_space<vmem_shared>>
      %dma_wait3A_308 = tpu.memref_slice %arg7[%mul3A_290] : memref<10240xf32, #tpu.memory_space<vmem_shared>> -> memref<640xf32, #tpu.memory_space<vmem_shared>>
      tpu.wait_dma2 semaphore(%run_scoped3A : memref<!tpu.dma_semaphore, #tpu.memory_space<semaphore_mem>>) src(%arg6 : memref<640xf32, #tpu.memory_space<vmem>>) dst(%dma_wait3A_308 : memref<640xf32, #tpu.memory_space<vmem_shared>>)
      tpu.yield
    }) : () -> ()
    %barrier3A = arith.constant 0 : index
    tpu.barrier barrier_id(%barrier3A)
    %scan3A = arith.constant 0 : i32
    %scan3A_291 = arith.constant 0 : i32
    %scan3A_292 = arith.constant 80 : i32
    %scan3A_293 = arith.addi %scan3A_291, %scan3A_292 : i32
    %scan3A_294 = arith.constant 1 : i32
    scf.for %scan3A_307 = %scan3A_291 to %scan3A_293 step %scan3A_294  : i32 {
      %dma_start3A = arith.constant 0 : i32
      %dma_start3A_308 = tpu.memref_slice %arg4[%scan3A_307, %dma_start3A] : memref<80x128xi32, #tpu.memory_space<vmem>> -> memref<1x128xi32, #tpu.memory_space<vmem>>
      %dma_start3A_309 = tpu.memref_squeeze %dma_start3A_308 : memref<1x128xi32, #tpu.memory_space<vmem>> -> memref<128xi32, #tpu.memory_space<vmem>>
      %dma_start3A_310 = arith.constant 0 : i32
      %dma_start3A_311 = tpu.memref_slice %arg7[%dma_start3A_310] : memref<10240xf32, #tpu.memory_space<vmem_shared>> -> memref<10240xf32, #tpu.memory_space<vmem_shared>>
      tpu.enqueue_indirect_dma source(%arg5 : memref<128xf32, #tpu.memory_space<vmem>>) target(%dma_start3A_311 : memref<10240xf32, #tpu.memory_space<vmem_shared>>) offsets(%dma_start3A_309 : memref<128xi32, #tpu.memory_space<vmem>>) semaphore(%arg8 : memref<!tpu.dma_semaphore, #tpu.memory_space<semaphore_mem>>) {add = true}
    }
    %scan3A_295 = arith.constant 80 : i32
    %scan3A_296 = arith.constant 0 : i32
    %scan3A_297 = arith.constant 0 : i32
    %scan3A_298 = arith.constant 80 : i32
    %scan3A_299 = arith.addi %scan3A_297, %scan3A_298 : i32
    %scan3A_300 = arith.constant 1 : i32
    scf.for %scan3A_307 = %scan3A_297 to %scan3A_299 step %scan3A_300  : i32 {
      %dma_wait3A = arith.constant 0 : i32
      %dma_wait3A_308 = arith.constant 0 : i32
      %dma_wait3A_309 = tpu.memref_slice %arg4[%dma_wait3A, %dma_wait3A_308] : memref<80x128xi32, #tpu.memory_space<vmem>> -> memref<1x128xi32, #tpu.memory_space<vmem>>
      %dma_wait3A_310 = tpu.memref_squeeze %dma_wait3A_309 : memref<1x128xi32, #tpu.memory_space<vmem>> -> memref<128xi32, #tpu.memory_space<vmem>>
      %dma_wait3A_311 = arith.constant 0 : i32
      %dma_wait3A_312 = tpu.memref_slice %arg7[%dma_wait3A_311] : memref<10240xf32, #tpu.memory_space<vmem_shared>> -> memref<10240xf32, #tpu.memory_space<vmem_shared>>
      tpu.wait_indirect_dma semaphore(%arg8 : memref<!tpu.dma_semaphore, #tpu.memory_space<semaphore_mem>>) src(%arg5 : memref<128xf32, #tpu.memory_space<vmem>>) dst(%dma_wait3A_312 : memref<10240xf32, #tpu.memory_space<vmem_shared>>)
    }
    %scan3A_301 = arith.constant 80 : i32
    %barrier3A_302 = arith.constant 0 : index
    tpu.barrier barrier_id(%barrier3A_302)
    %mul3A_303 = arith.constant 640 : i32
    %mul3A_304 = arith.muli %arg1, %mul3A_303 : i32
    %mul3A_305 = arith.constant 640 : i32
    %mul3A_306 = arith.muli %arg1, %mul3A_305 : i32
    "tpu.region"() ({
      %run_scoped3A = tpu.sem_alloc : memref<!tpu.dma_semaphore, #tpu.memory_space<semaphore_mem>>
      %dma_start3A = tpu.memref_slice %arg3[%arg0, %mul3A_306] : memref<2x10240xf32, #tpu.memory_space<hbm>> -> memref<1x640xf32, #tpu.memory_space<hbm>>
      %dma_start3A_307 = tpu.memref_squeeze %dma_start3A : memref<1x640xf32, #tpu.memory_space<hbm>> -> memref<640xf32, #tpu.memory_space<hbm>>
      %dma_start3A_308 = tpu.memref_slice %arg7[%mul3A_304] : memref<10240xf32, #tpu.memory_space<vmem_shared>> -> memref<640xf32, #tpu.memory_space<vmem_shared>>
      tpu.enqueue_dma source(%dma_start3A_308 : memref<640xf32, #tpu.memory_space<vmem_shared>>) target(%dma_start3A_307 : memref<640xf32, #tpu.memory_space<hbm>>) target_semaphore(%run_scoped3A : memref<!tpu.dma_semaphore, #tpu.memory_space<semaphore_mem>>)
      %dma_wait3A = tpu.memref_slice %arg3[%arg0, %mul3A_306] : memref<2x10240xf32, #tpu.memory_space<hbm>> -> memref<1x640xf32, #tpu.memory_space<hbm>>
      %dma_wait3A_309 = tpu.memref_squeeze %dma_wait3A : memref<1x640xf32, #tpu.memory_space<hbm>> -> memref<640xf32, #tpu.memory_space<hbm>>
      %dma_wait3A_310 = tpu.memref_slice %arg7[%mul3A_304] : memref<10240xf32, #tpu.memory_space<vmem_shared>> -> memref<640xf32, #tpu.memory_space<vmem_shared>>
      tpu.wait_dma2 semaphore(%run_scoped3A : memref<!tpu.dma_semaphore, #tpu.memory_space<semaphore_mem>>) src(%dma_wait3A_310 : memref<640xf32, #tpu.memory_space<vmem_shared>>) dst(%dma_wait3A_309 : memref<640xf32, #tpu.memory_space<hbm>>)
      tpu.yield
    }) : () -> ()
    return
  }
}

#map = affine_map<(d0, d1) -> (0, 0)>
#map1 = affine_map<(d0, d1) -> (0, 0, 0)>
module attributes {stable_mosaic.version = 14 : i64} {
  func.func @_spmm_body(%arg0: i32, %arg1: i32, %arg2: memref<10240x128xf32, #tpu.memory_space<hbm>>, %arg3: memref<2560x128xi32, #tpu.memory_space<hbm>>, %arg4: memref<2x10240x128xf32, #tpu.memory_space<hbm>>, %arg5: memref<80x128xi32, #tpu.memory_space<vmem>>, %arg6: memref<64xi32, #tpu.memory_space<vmem>>, %arg7: memref<64xi32, #tpu.memory_space<vmem>>, %arg8: memref<64xi32, #tpu.memory_space<vmem>>, %arg9: memref<64xi32, #tpu.memory_space<vmem>>, %arg10: memref<64x128xf32, #tpu.memory_space<vmem>>, %arg11: memref<64x128xf32, #tpu.memory_space<vmem>>, %arg12: memref<64x128xf32, #tpu.memory_space<vmem>>, %arg13: memref<10240x128xf32, #tpu.memory_space<vmem_shared>>, %arg14: memref<!tpu.dma_semaphore, #tpu.memory_space<semaphore_mem>>, %arg15: memref<!tpu.dma_semaphore, #tpu.memory_space<semaphore_mem>>, %arg16: memref<!tpu.dma_semaphore, #tpu.memory_space<semaphore_mem>>) attributes {dimension_semantics = [#tpu.dimension_semantics<core_parallel>, #tpu.dimension_semantics<subcore_parallel>], iteration_bounds = array<i64: 2, 16>, scalar_prefetch = 0 : i64, scratch_operands = 12 : i64, tpu.core_type = #tpu.core_type<sc_vector_subcore>, window_params = [{transform_indices = #map}, {transform_indices = #map}, {transform_indices = #map1}]} {
    %mul3A = arith.constant 16 : i32
    %mul3A_0 = arith.muli %arg0, %mul3A : i32
    %add3A = arith.addi %mul3A_0, %arg1 : i32
    %mul3A_1 = arith.constant 80 : i32
    %mul3A_2 = arith.muli %add3A, %mul3A_1 : i32
    "tpu.region"() ({
      %run_scoped3A = tpu.sem_alloc : memref<!tpu.dma_semaphore, #tpu.memory_space<semaphore_mem>>
      %dma_start3A_263 = arith.constant 0 : i32
      %dma_start3A_264 = tpu.memref_slice %arg3[%mul3A_2, %dma_start3A_263] : memref<2560x128xi32, #tpu.memory_space<hbm>> -> memref<80x128xi32, #tpu.memory_space<hbm>>
      %dma_start3A_265 = arith.constant 0 : i32
      %dma_start3A_266 = tpu.memref_slice %arg3[%mul3A_2, %dma_start3A_265] : memref<2560x128xi32, #tpu.memory_space<hbm>> -> memref<80x128xi32, #tpu.memory_space<hbm>>
      tpu.enqueue_dma source(%dma_start3A_266 : memref<80x128xi32, #tpu.memory_space<hbm>>) target(%arg5 : memref<80x128xi32, #tpu.memory_space<vmem>>) target_semaphore(%run_scoped3A : memref<!tpu.dma_semaphore, #tpu.memory_space<semaphore_mem>>)
      %dma_wait3A_267 = arith.constant 0 : i32
      %dma_wait3A_268 = tpu.memref_slice %arg3[%mul3A_2, %dma_wait3A_267] : memref<2560x128xi32, #tpu.memory_space<hbm>> -> memref<80x128xi32, #tpu.memory_space<hbm>>
      %dma_wait3A_269 = arith.constant 0 : i32
      %dma_wait3A_270 = tpu.memref_slice %arg3[%mul3A_2, %dma_wait3A_269] : memref<2560x128xi32, #tpu.memory_space<hbm>> -> memref<80x128xi32, #tpu.memory_space<hbm>>
      tpu.wait_dma2 semaphore(%run_scoped3A : memref<!tpu.dma_semaphore, #tpu.memory_space<semaphore_mem>>) src(%dma_wait3A_270 : memref<80x128xi32, #tpu.memory_space<hbm>>) dst(%arg5 : memref<80x128xi32, #tpu.memory_space<vmem>>)
      tpu.yield
    }) : () -> ()
    %shift_right_logical3A = arith.constant 0 : i32
    %shift_right_logical3A_3 = arith.constant 1 : i32
    %shift_right_logical3A_4 = arith.shrui %shift_right_logical3A, %shift_right_logical3A_3 : i32
    %and3A = arith.constant 0 : i32
    %and3A_5 = arith.constant 1 : i32
    %and3A_6 = arith.andi %and3A, %and3A_5 : i32
    %mul3A_7 = arith.constant 64 : i32
    %mul3A_8 = arith.muli %and3A_6, %mul3A_7 : i32
    %add3A_9 = arith.constant 0 : i32
    %add3A_10 = arith.addi %mul3A_8, %add3A_9 : i32
    %get3A = arith.index_cast %shift_right_logical3A_4 : i32 to index
    %get3A_11 = arith.index_cast %add3A_10 : i32 to index
    %get3A_12 = tpu.vector_load %arg5[%get3A, %get3A_11] {strides = array<i32>} : memref<80x128xi32, #tpu.memory_space<vmem>>, vector<1x16xi32>,
    %get3A_13 = vector.shape_cast %get3A_12 : vector<1x16xi32> to vector<16xi32>
    %and3A_14 = arith.constant 65535 : i32
    %and3A_15 = vector.broadcast %and3A_14 : i32 to vector<16xi32>
    %and3A_16 = arith.andi %get3A_13, %and3A_15 : vector<16xi32>
    %swap3A = arith.constant 0 : index
    %swap3A_17 = tpu.vector_load %arg6[%swap3A] {strides = array<i32>} : memref<64xi32, #tpu.memory_space<vmem>>, vector<16xi32>,
    %swap3A_18 = vector.shape_cast %swap3A_17 : vector<16xi32> to vector<16xi32>
    %swap3A_19 = vector.shape_cast %and3A_16 : vector<16xi32> to vector<16xi32>
    tpu.vector_store %arg6[%swap3A], %swap3A_19 {strides = array<i32>} : memref<64xi32, #tpu.memory_space<vmem>>, vector<16xi32>,
    %add3A_20 = arith.constant 16 : i32
    %add3A_21 = arith.addi %mul3A_8, %add3A_20 : i32
    %get3A_22 = arith.index_cast %shift_right_logical3A_4 : i32 to index
    %get3A_23 = arith.index_cast %add3A_21 : i32 to index
    %get3A_24 = tpu.vector_load %arg5[%get3A_22, %get3A_23] {strides = array<i32>} : memref<80x128xi32, #tpu.memory_space<vmem>>, vector<1x16xi32>,
    %get3A_25 = vector.shape_cast %get3A_24 : vector<1x16xi32> to vector<16xi32>
    %and3A_26 = arith.constant 65535 : i32
    %and3A_27 = vector.broadcast %and3A_26 : i32 to vector<16xi32>
    %and3A_28 = arith.andi %get3A_25, %and3A_27 : vector<16xi32>
    %swap3A_29 = arith.constant 16 : index
    %swap3A_30 = tpu.vector_load %arg6[%swap3A_29] {strides = array<i32>} : memref<64xi32, #tpu.memory_space<vmem>>, vector<16xi32>,
    %swap3A_31 = vector.shape_cast %swap3A_30 : vector<16xi32> to vector<16xi32>
    %swap3A_32 = vector.shape_cast %and3A_28 : vector<16xi32> to vector<16xi32>
    tpu.vector_store %arg6[%swap3A_29], %swap3A_32 {strides = array<i32>} : memref<64xi32, #tpu.memory_space<vmem>>, vector<16xi32>,
    %add3A_33 = arith.constant 32 : i32
    %add3A_34 = arith.addi %mul3A_8, %add3A_33 : i32
    %get3A_35 = arith.index_cast %shift_right_logical3A_4 : i32 to index
    %get3A_36 = arith.index_cast %add3A_34 : i32 to index
    %get3A_37 = tpu.vector_load %arg5[%get3A_35, %get3A_36] {strides = array<i32>} : memref<80x128xi32, #tpu.memory_space<vmem>>, vector<1x16xi32>,
    %get3A_38 = vector.shape_cast %get3A_37 : vector<1x16xi32> to vector<16xi32>
    %and3A_39 = arith.constant 65535 : i32
    %and3A_40 = vector.broadcast %and3A_39 : i32 to vector<16xi32>
    %and3A_41 = arith.andi %get3A_38, %and3A_40 : vector<16xi32>
    %swap3A_42 = arith.constant 32 : index
    %swap3A_43 = tpu.vector_load %arg6[%swap3A_42] {strides = array<i32>} : memref<64xi32, #tpu.memory_space<vmem>>, vector<16xi32>,
    %swap3A_44 = vector.shape_cast %swap3A_43 : vector<16xi32> to vector<16xi32>
    %swap3A_45 = vector.shape_cast %and3A_41 : vector<16xi32> to vector<16xi32>
    tpu.vector_store %arg6[%swap3A_42], %swap3A_45 {strides = array<i32>} : memref<64xi32, #tpu.memory_space<vmem>>, vector<16xi32>,
    %add3A_46 = arith.constant 48 : i32
    %add3A_47 = arith.addi %mul3A_8, %add3A_46 : i32
    %get3A_48 = arith.index_cast %shift_right_logical3A_4 : i32 to index
    %get3A_49 = arith.index_cast %add3A_47 : i32 to index
    %get3A_50 = tpu.vector_load %arg5[%get3A_48, %get3A_49] {strides = array<i32>} : memref<80x128xi32, #tpu.memory_space<vmem>>, vector<1x16xi32>,
    %get3A_51 = vector.shape_cast %get3A_50 : vector<1x16xi32> to vector<16xi32>
    %and3A_52 = arith.constant 65535 : i32
    %and3A_53 = vector.broadcast %and3A_52 : i32 to vector<16xi32>
    %and3A_54 = arith.andi %get3A_51, %and3A_53 : vector<16xi32>
    %swap3A_55 = arith.constant 48 : index
    %swap3A_56 = tpu.vector_load %arg6[%swap3A_55] {strides = array<i32>} : memref<64xi32, #tpu.memory_space<vmem>>, vector<16xi32>,
    %swap3A_57 = vector.shape_cast %swap3A_56 : vector<16xi32> to vector<16xi32>
    %swap3A_58 = vector.shape_cast %and3A_54 : vector<16xi32> to vector<16xi32>
    tpu.vector_store %arg6[%swap3A_55], %swap3A_58 {strides = array<i32>} : memref<64xi32, #tpu.memory_space<vmem>>, vector<16xi32>,
    %dma_start3A = arith.constant 0 : i32
    %dma_start3A_59 = arith.constant 0 : i32
    %dma_start3A_60 = tpu.memref_slice %arg2[%dma_start3A, %dma_start3A_59] : memref<10240x128xf32, #tpu.memory_space<hbm>> -> memref<10240x128xf32, #tpu.memory_space<hbm>>
    tpu.enqueue_indirect_dma source(%dma_start3A_60 : memref<10240x128xf32, #tpu.memory_space<hbm>>) target(%arg10 : memref<64x128xf32, #tpu.memory_space<vmem>>) offsets(%arg6 : memref<64xi32, #tpu.memory_space<vmem>>) semaphore(%arg14 : memref<!tpu.dma_semaphore, #tpu.memory_space<semaphore_mem>>)
    %shift_right_logical3A_61 = arith.constant 1 : i32
    %shift_right_logical3A_62 = arith.constant 1 : i32
    %shift_right_logical3A_63 = arith.shrui %shift_right_logical3A_61, %shift_right_logical3A_62 : i32
    %and3A_64 = arith.constant 1 : i32
    %and3A_65 = arith.constant 1 : i32
    %and3A_66 = arith.andi %and3A_64, %and3A_65 : i32
    %mul3A_67 = arith.constant 64 : i32
    %mul3A_68 = arith.muli %and3A_66, %mul3A_67 : i32
    %add3A_69 = arith.constant 0 : i32
    %add3A_70 = arith.addi %mul3A_68, %add3A_69 : i32
    %get3A_71 = arith.index_cast %shift_right_logical3A_63 : i32 to index
    %get3A_72 = arith.index_cast %add3A_70 : i32 to index
    %get3A_73 = tpu.vector_load %arg5[%get3A_71, %get3A_72] {strides = array<i32>} : memref<80x128xi32, #tpu.memory_space<vmem>>, vector<1x16xi32>,
    %get3A_74 = vector.shape_cast %get3A_73 : vector<1x16xi32> to vector<16xi32>
    %and3A_75 = arith.constant 65535 : i32
    %and3A_76 = vector.broadcast %and3A_75 : i32 to vector<16xi32>
    %and3A_77 = arith.andi %get3A_74, %and3A_76 : vector<16xi32>
    %swap3A_78 = arith.constant 0 : index
    %swap3A_79 = tpu.vector_load %arg7[%swap3A_78] {strides = array<i32>} : memref<64xi32, #tpu.memory_space<vmem>>, vector<16xi32>,
    %swap3A_80 = vector.shape_cast %swap3A_79 : vector<16xi32> to vector<16xi32>
    %swap3A_81 = vector.shape_cast %and3A_77 : vector<16xi32> to vector<16xi32>
    tpu.vector_store %arg7[%swap3A_78], %swap3A_81 {strides = array<i32>} : memref<64xi32, #tpu.memory_space<vmem>>, vector<16xi32>,
    %add3A_82 = arith.constant 16 : i32
    %add3A_83 = arith.addi %mul3A_68, %add3A_82 : i32
    %get3A_84 = arith.index_cast %shift_right_logical3A_63 : i32 to index
    %get3A_85 = arith.index_cast %add3A_83 : i32 to index
    %get3A_86 = tpu.vector_load %arg5[%get3A_84, %get3A_85] {strides = array<i32>} : memref<80x128xi32, #tpu.memory_space<vmem>>, vector<1x16xi32>,
    %get3A_87 = vector.shape_cast %get3A_86 : vector<1x16xi32> to vector<16xi32>
    %and3A_88 = arith.constant 65535 : i32
    %and3A_89 = vector.broadcast %and3A_88 : i32 to vector<16xi32>
    %and3A_90 = arith.andi %get3A_87, %and3A_89 : vector<16xi32>
    %swap3A_91 = arith.constant 16 : index
    %swap3A_92 = tpu.vector_load %arg7[%swap3A_91] {strides = array<i32>} : memref<64xi32, #tpu.memory_space<vmem>>, vector<16xi32>,
    %swap3A_93 = vector.shape_cast %swap3A_92 : vector<16xi32> to vector<16xi32>
    %swap3A_94 = vector.shape_cast %and3A_90 : vector<16xi32> to vector<16xi32>
    tpu.vector_store %arg7[%swap3A_91], %swap3A_94 {strides = array<i32>} : memref<64xi32, #tpu.memory_space<vmem>>, vector<16xi32>,
    %add3A_95 = arith.constant 32 : i32
    %add3A_96 = arith.addi %mul3A_68, %add3A_95 : i32
    %get3A_97 = arith.index_cast %shift_right_logical3A_63 : i32 to index
    %get3A_98 = arith.index_cast %add3A_96 : i32 to index
    %get3A_99 = tpu.vector_load %arg5[%get3A_97, %get3A_98] {strides = array<i32>} : memref<80x128xi32, #tpu.memory_space<vmem>>, vector<1x16xi32>,
    %get3A_100 = vector.shape_cast %get3A_99 : vector<1x16xi32> to vector<16xi32>
    %and3A_101 = arith.constant 65535 : i32
    %and3A_102 = vector.broadcast %and3A_101 : i32 to vector<16xi32>
    %and3A_103 = arith.andi %get3A_100, %and3A_102 : vector<16xi32>
    %swap3A_104 = arith.constant 32 : index
    %swap3A_105 = tpu.vector_load %arg7[%swap3A_104] {strides = array<i32>} : memref<64xi32, #tpu.memory_space<vmem>>, vector<16xi32>,
    %swap3A_106 = vector.shape_cast %swap3A_105 : vector<16xi32> to vector<16xi32>
    %swap3A_107 = vector.shape_cast %and3A_103 : vector<16xi32> to vector<16xi32>
    tpu.vector_store %arg7[%swap3A_104], %swap3A_107 {strides = array<i32>} : memref<64xi32, #tpu.memory_space<vmem>>, vector<16xi32>,
    %add3A_108 = arith.constant 48 : i32
    %add3A_109 = arith.addi %mul3A_68, %add3A_108 : i32
    %get3A_110 = arith.index_cast %shift_right_logical3A_63 : i32 to index
    %get3A_111 = arith.index_cast %add3A_109 : i32 to index
    %get3A_112 = tpu.vector_load %arg5[%get3A_110, %get3A_111] {strides = array<i32>} : memref<80x128xi32, #tpu.memory_space<vmem>>, vector<1x16xi32>,
    %get3A_113 = vector.shape_cast %get3A_112 : vector<1x16xi32> to vector<16xi32>
    %and3A_114 = arith.constant 65535 : i32
    %and3A_115 = vector.broadcast %and3A_114 : i32 to vector<16xi32>
    %and3A_116 = arith.andi %get3A_113, %and3A_115 : vector<16xi32>
    %swap3A_117 = arith.constant 48 : index
    %swap3A_118 = tpu.vector_load %arg7[%swap3A_117] {strides = array<i32>} : memref<64xi32, #tpu.memory_space<vmem>>, vector<16xi32>,
    %swap3A_119 = vector.shape_cast %swap3A_118 : vector<16xi32> to vector<16xi32>
    %swap3A_120 = vector.shape_cast %and3A_116 : vector<16xi32> to vector<16xi32>
    tpu.vector_store %arg7[%swap3A_117], %swap3A_120 {strides = array<i32>} : memref<64xi32, #tpu.memory_space<vmem>>, vector<16xi32>,
    %dma_start3A_121 = arith.constant 0 : i32
    %dma_start3A_122 = arith.constant 0 : i32
    %dma_start3A_123 = tpu.memref_slice %arg2[%dma_start3A_121, %dma_start3A_122] : memref<10240x128xf32, #tpu.memory_space<hbm>> -> memref<10240x128xf32, #tpu.memory_space<hbm>>
    tpu.enqueue_indirect_dma source(%dma_start3A_123 : memref<10240x128xf32, #tpu.memory_space<hbm>>) target(%arg11 : memref<64x128xf32, #tpu.memory_space<vmem>>) offsets(%arg7 : memref<64xi32, #tpu.memory_space<vmem>>) semaphore(%arg15 : memref<!tpu.dma_semaphore, #tpu.memory_space<semaphore_mem>>)
    %shift_right_logical3A_124 = arith.constant 2 : i32
    %shift_right_logical3A_125 = arith.constant 1 : i32
    %shift_right_logical3A_126 = arith.shrui %shift_right_logical3A_124, %shift_right_logical3A_125 : i32
    %and3A_127 = arith.constant 2 : i32
    %and3A_128 = arith.constant 1 : i32
    %and3A_129 = arith.andi %and3A_127, %and3A_128 : i32
    %mul3A_130 = arith.constant 64 : i32
    %mul3A_131 = arith.muli %and3A_129, %mul3A_130 : i32
    %add3A_132 = arith.constant 0 : i32
    %add3A_133 = arith.addi %mul3A_131, %add3A_132 : i32
    %get3A_134 = arith.index_cast %shift_right_logical3A_126 : i32 to index
    %get3A_135 = arith.index_cast %add3A_133 : i32 to index
    %get3A_136 = tpu.vector_load %arg5[%get3A_134, %get3A_135] {strides = array<i32>} : memref<80x128xi32, #tpu.memory_space<vmem>>, vector<1x16xi32>,
    %get3A_137 = vector.shape_cast %get3A_136 : vector<1x16xi32> to vector<16xi32>
    %and3A_138 = arith.constant 65535 : i32
    %and3A_139 = vector.broadcast %and3A_138 : i32 to vector<16xi32>
    %and3A_140 = arith.andi %get3A_137, %and3A_139 : vector<16xi32>
    %swap3A_141 = arith.constant 0 : index
    %swap3A_142 = tpu.vector_load %arg8[%swap3A_141] {strides = array<i32>} : memref<64xi32, #tpu.memory_space<vmem>>, vector<16xi32>,
    %swap3A_143 = vector.shape_cast %swap3A_142 : vector<16xi32> to vector<16xi32>
    %swap3A_144 = vector.shape_cast %and3A_140 : vector<16xi32> to vector<16xi32>
    tpu.vector_store %arg8[%swap3A_141], %swap3A_144 {strides = array<i32>} : memref<64xi32, #tpu.memory_space<vmem>>, vector<16xi32>,
    %add3A_145 = arith.constant 16 : i32
    %add3A_146 = arith.addi %mul3A_131, %add3A_145 : i32
    %get3A_147 = arith.index_cast %shift_right_logical3A_126 : i32 to index
    %get3A_148 = arith.index_cast %add3A_146 : i32 to index
    %get3A_149 = tpu.vector_load %arg5[%get3A_147, %get3A_148] {strides = array<i32>} : memref<80x128xi32, #tpu.memory_space<vmem>>, vector<1x16xi32>,
    %get3A_150 = vector.shape_cast %get3A_149 : vector<1x16xi32> to vector<16xi32>
    %and3A_151 = arith.constant 65535 : i32
    %and3A_152 = vector.broadcast %and3A_151 : i32 to vector<16xi32>
    %and3A_153 = arith.andi %get3A_150, %and3A_152 : vector<16xi32>
    %swap3A_154 = arith.constant 16 : index
    %swap3A_155 = tpu.vector_load %arg8[%swap3A_154] {strides = array<i32>} : memref<64xi32, #tpu.memory_space<vmem>>, vector<16xi32>,
    %swap3A_156 = vector.shape_cast %swap3A_155 : vector<16xi32> to vector<16xi32>
    %swap3A_157 = vector.shape_cast %and3A_153 : vector<16xi32> to vector<16xi32>
    tpu.vector_store %arg8[%swap3A_154], %swap3A_157 {strides = array<i32>} : memref<64xi32, #tpu.memory_space<vmem>>, vector<16xi32>,
    %add3A_158 = arith.constant 32 : i32
    %add3A_159 = arith.addi %mul3A_131, %add3A_158 : i32
    %get3A_160 = arith.index_cast %shift_right_logical3A_126 : i32 to index
    %get3A_161 = arith.index_cast %add3A_159 : i32 to index
    %get3A_162 = tpu.vector_load %arg5[%get3A_160, %get3A_161] {strides = array<i32>} : memref<80x128xi32, #tpu.memory_space<vmem>>, vector<1x16xi32>,
    %get3A_163 = vector.shape_cast %get3A_162 : vector<1x16xi32> to vector<16xi32>
    %and3A_164 = arith.constant 65535 : i32
    %and3A_165 = vector.broadcast %and3A_164 : i32 to vector<16xi32>
    %and3A_166 = arith.andi %get3A_163, %and3A_165 : vector<16xi32>
    %swap3A_167 = arith.constant 32 : index
    %swap3A_168 = tpu.vector_load %arg8[%swap3A_167] {strides = array<i32>} : memref<64xi32, #tpu.memory_space<vmem>>, vector<16xi32>,
    %swap3A_169 = vector.shape_cast %swap3A_168 : vector<16xi32> to vector<16xi32>
    %swap3A_170 = vector.shape_cast %and3A_166 : vector<16xi32> to vector<16xi32>
    tpu.vector_store %arg8[%swap3A_167], %swap3A_170 {strides = array<i32>} : memref<64xi32, #tpu.memory_space<vmem>>, vector<16xi32>,
    %add3A_171 = arith.constant 48 : i32
    %add3A_172 = arith.addi %mul3A_131, %add3A_171 : i32
    %get3A_173 = arith.index_cast %shift_right_logical3A_126 : i32 to index
    %get3A_174 = arith.index_cast %add3A_172 : i32 to index
    %get3A_175 = tpu.vector_load %arg5[%get3A_173, %get3A_174] {strides = array<i32>} : memref<80x128xi32, #tpu.memory_space<vmem>>, vector<1x16xi32>,
    %get3A_176 = vector.shape_cast %get3A_175 : vector<1x16xi32> to vector<16xi32>
    %and3A_177 = arith.constant 65535 : i32
    %and3A_178 = vector.broadcast %and3A_177 : i32 to vector<16xi32>
    %and3A_179 = arith.andi %get3A_176, %and3A_178 : vector<16xi32>
    %swap3A_180 = arith.constant 48 : index
    %swap3A_181 = tpu.vector_load %arg8[%swap3A_180] {strides = array<i32>} : memref<64xi32, #tpu.memory_space<vmem>>, vector<16xi32>,
    %swap3A_182 = vector.shape_cast %swap3A_181 : vector<16xi32> to vector<16xi32>
    %swap3A_183 = vector.shape_cast %and3A_179 : vector<16xi32> to vector<16xi32>
    tpu.vector_store %arg8[%swap3A_180], %swap3A_183 {strides = array<i32>} : memref<64xi32, #tpu.memory_space<vmem>>, vector<16xi32>,
    %dma_start3A_184 = arith.constant 0 : i32
    %dma_start3A_185 = arith.constant 0 : i32
    %dma_start3A_186 = tpu.memref_slice %arg2[%dma_start3A_184, %dma_start3A_185] : memref<10240x128xf32, #tpu.memory_space<hbm>> -> memref<10240x128xf32, #tpu.memory_space<hbm>>
    tpu.enqueue_indirect_dma source(%dma_start3A_186 : memref<10240x128xf32, #tpu.memory_space<hbm>>) target(%arg12 : memref<64x128xf32, #tpu.memory_space<vmem>>) offsets(%arg8 : memref<64xi32, #tpu.memory_space<vmem>>) semaphore(%arg16 : memref<!tpu.dma_semaphore, #tpu.memory_space<semaphore_mem>>)
    %mul3A_187 = arith.constant 640 : i32
    %mul3A_188 = arith.muli %arg1, %mul3A_187 : i32
    %mul3A_189 = arith.constant 640 : i32
    %mul3A_190 = arith.muli %arg1, %mul3A_189 : i32
    "tpu.region"() ({
      %run_scoped3A = tpu.sem_alloc : memref<!tpu.dma_semaphore, #tpu.memory_space<semaphore_mem>>
      %dma_start3A_263 = arith.constant 0 : i32
      %dma_start3A_264 = tpu.memref_slice %arg13[%mul3A_190, %dma_start3A_263] : memref<10240x128xf32, #tpu.memory_space<vmem_shared>> -> memref<640x128xf32, #tpu.memory_space<vmem_shared>>
      %dma_start3A_265 = arith.constant 0 : i32
      %dma_start3A_266 = tpu.memref_slice %arg2[%mul3A_188, %dma_start3A_265] : memref<10240x128xf32, #tpu.memory_space<hbm>> -> memref<640x128xf32, #tpu.memory_space<hbm>>
      tpu.enqueue_dma source(%dma_start3A_266 : memref<640x128xf32, #tpu.memory_space<hbm>>) target(%dma_start3A_264 : memref<640x128xf32, #tpu.memory_space<vmem_shared>>) target_semaphore(%run_scoped3A : memref<!tpu.dma_semaphore, #tpu.memory_space<semaphore_mem>>)
      %dma_wait3A_267 = arith.constant 0 : i32
      %dma_wait3A_268 = tpu.memref_slice %arg13[%mul3A_190, %dma_wait3A_267] : memref<10240x128xf32, #tpu.memory_space<vmem_shared>> -> memref<640x128xf32, #tpu.memory_space<vmem_shared>>
      %dma_wait3A_269 = arith.constant 0 : i32
      %dma_wait3A_270 = tpu.memref_slice %arg2[%mul3A_188, %dma_wait3A_269] : memref<10240x128xf32, #tpu.memory_space<hbm>> -> memref<640x128xf32, #tpu.memory_space<hbm>>
      tpu.wait_dma2 semaphore(%run_scoped3A : memref<!tpu.dma_semaphore, #tpu.memory_space<semaphore_mem>>) src(%dma_wait3A_270 : memref<640x128xf32, #tpu.memory_space<hbm>>) dst(%dma_wait3A_268 : memref<640x128xf32, #tpu.memory_space<vmem_shared>>)
      tpu.yield
    }) : () -> ()
    %barrier3A = arith.constant 0 : index
    tpu.barrier barrier_id(%barrier3A)
    %scan3A = arith.constant 0 : i32
    %scan3A_191 = arith.constant 0 : i32
    %scan3A_192 = arith.constant 53 : i32
    %scan3A_193 = arith.addi %scan3A_191, %scan3A_192 : i32
    %scan3A_194 = arith.constant 1 : i32
    scf.for %scan3A_263 = %scan3A_191 to %scan3A_193 step %scan3A_194  : i32 {
      %mul3A_264 = arith.constant 3 : i32
      %mul3A_265 = arith.muli %mul3A_264, %scan3A_263 : i32
      %add3A_266 = arith.constant 0 : i32
      %add3A_267 = arith.addi %mul3A_265, %add3A_266 : i32
      %dma_wait3A_268 = arith.constant 0 : i32
      %dma_wait3A_269 = arith.constant 0 : i32
      %dma_wait3A_270 = tpu.memref_slice %arg2[%dma_wait3A_268, %dma_wait3A_269] : memref<10240x128xf32, #tpu.memory_space<hbm>> -> memref<10240x128xf32, #tpu.memory_space<hbm>>
      tpu.wait_indirect_dma semaphore(%arg14 : memref<!tpu.dma_semaphore, #tpu.memory_space<semaphore_mem>>) src(%dma_wait3A_270 : memref<10240x128xf32, #tpu.memory_space<hbm>>) dst(%arg10 : memref<64x128xf32, #tpu.memory_space<vmem>>)
      %shift_right_logical3A_271 = arith.constant 1 : i32
      %shift_right_logical3A_272 = arith.shrui %add3A_267, %shift_right_logical3A_271 : i32
      %and3A_273 = arith.constant 1 : i32
      %and3A_274 = arith.andi %add3A_267, %and3A_273 : i32
      %mul3A_275 = arith.constant 64 : i32
      %mul3A_276 = arith.muli %and3A_274, %mul3A_275 : i32
      %add3A_277 = arith.constant 0 : i32
      %add3A_278 = arith.addi %mul3A_276, %add3A_277 : i32
      %get3A_279 = arith.index_cast %shift_right_logical3A_272 : i32 to index
      %get3A_280 = arith.index_cast %add3A_278 : i32 to index
      %get3A_281 = tpu.vector_load %arg5[%get3A_279, %get3A_280] {strides = array<i32>} : memref<80x128xi32, #tpu.memory_space<vmem>>, vector<1x16xi32>,
      %get3A_282 = vector.shape_cast %get3A_281 : vector<1x16xi32> to vector<16xi32>
      %shift_right_logical3A_283 = arith.constant 16 : i32
      %shift_right_logical3A_284 = vector.broadcast %shift_right_logical3A_283 : i32 to vector<16xi32>
      %shift_right_logical3A_285 = arith.shrui %get3A_282, %shift_right_logical3A_284 : vector<16xi32>
      %swap3A_286 = arith.constant 0 : index
      %swap3A_287 = tpu.vector_load %arg9[%swap3A_286] {strides = array<i32>} : memref<64xi32, #tpu.memory_space<vmem>>, vector<16xi32>,
      %swap3A_288 = vector.shape_cast %swap3A_287 : vector<16xi32> to vector<16xi32>
      %swap3A_289 = vector.shape_cast %shift_right_logical3A_285 : vector<16xi32> to vector<16xi32>
      tpu.vector_store %arg9[%swap3A_286], %swap3A_289 {strides = array<i32>} : memref<64xi32, #tpu.memory_space<vmem>>, vector<16xi32>,
      %add3A_290 = arith.constant 16 : i32
      %add3A_291 = arith.addi %mul3A_276, %add3A_290 : i32
      %get3A_292 = arith.index_cast %shift_right_logical3A_272 : i32 to index
      %get3A_293 = arith.index_cast %add3A_291 : i32 to index
      %get3A_294 = tpu.vector_load %arg5[%get3A_292, %get3A_293] {strides = array<i32>} : memref<80x128xi32, #tpu.memory_space<vmem>>, vector<1x16xi32>,
      %get3A_295 = vector.shape_cast %get3A_294 : vector<1x16xi32> to vector<16xi32>
      %shift_right_logical3A_296 = arith.constant 16 : i32
      %shift_right_logical3A_297 = vector.broadcast %shift_right_logical3A_296 : i32 to vector<16xi32>
      %shift_right_logical3A_298 = arith.shrui %get3A_295, %shift_right_logical3A_297 : vector<16xi32>
      %swap3A_299 = arith.constant 16 : index
      %swap3A_300 = tpu.vector_load %arg9[%swap3A_299] {strides = array<i32>} : memref<64xi32, #tpu.memory_space<vmem>>, vector<16xi32>,
      %swap3A_301 = vector.shape_cast %swap3A_300 : vector<16xi32> to vector<16xi32>
      %swap3A_302 = vector.shape_cast %shift_right_logical3A_298 : vector<16xi32> to vector<16xi32>
      tpu.vector_store %arg9[%swap3A_299], %swap3A_302 {strides = array<i32>} : memref<64xi32, #tpu.memory_space<vmem>>, vector<16xi32>,
      %add3A_303 = arith.constant 32 : i32
      %add3A_304 = arith.addi %mul3A_276, %add3A_303 : i32
      %get3A_305 = arith.index_cast %shift_right_logical3A_272 : i32 to index
      %get3A_306 = arith.index_cast %add3A_304 : i32 to index
      %get3A_307 = tpu.vector_load %arg5[%get3A_305, %get3A_306] {strides = array<i32>} : memref<80x128xi32, #tpu.memory_space<vmem>>, vector<1x16xi32>,
      %get3A_308 = vector.shape_cast %get3A_307 : vector<1x16xi32> to vector<16xi32>
      %shift_right_logical3A_309 = arith.constant 16 : i32
      %shift_right_logical3A_310 = vector.broadcast %shift_right_logical3A_309 : i32 to vector<16xi32>
      %shift_right_logical3A_311 = arith.shrui %get3A_308, %shift_right_logical3A_310 : vector<16xi32>
      %swap3A_312 = arith.constant 32 : index
      %swap3A_313 = tpu.vector_load %arg9[%swap3A_312] {strides = array<i32>} : memref<64xi32, #tpu.memory_space<vmem>>, vector<16xi32>,
      %swap3A_314 = vector.shape_cast %swap3A_313 : vector<16xi32> to vector<16xi32>
      %swap3A_315 = vector.shape_cast %shift_right_logical3A_311 : vector<16xi32> to vector<16xi32>
      tpu.vector_store %arg9[%swap3A_312], %swap3A_315 {strides = array<i32>} : memref<64xi32, #tpu.memory_space<vmem>>, vector<16xi32>,
      %add3A_316 = arith.constant 48 : i32
      %add3A_317 = arith.addi %mul3A_276, %add3A_316 : i32
      %get3A_318 = arith.index_cast %shift_right_logical3A_272 : i32 to index
      %get3A_319 = arith.index_cast %add3A_317 : i32 to index
      %get3A_320 = tpu.vector_load %arg5[%get3A_318, %get3A_319] {strides = array<i32>} : memref<80x128xi32, #tpu.memory_space<vmem>>, vector<1x16xi32>,
      %get3A_321 = vector.shape_cast %get3A_320 : vector<1x16xi32> to vector<16xi32>
      %shift_right_logical3A_322 = arith.constant 16 : i32
      %shift_right_logical3A_323 = vector.broadcast %shift_right_logical3A_322 : i32 to vector<16xi32>
      %shift_right_logical3A_324 = arith.shrui %get3A_321, %shift_right_logical3A_323 : vector<16xi32>
      %swap3A_325 = arith.constant 48 : index
      %swap3A_326 = tpu.vector_load %arg9[%swap3A_325] {strides = array<i32>} : memref<64xi32, #tpu.memory_space<vmem>>, vector<16xi32>,
      %swap3A_327 = vector.shape_cast %swap3A_326 : vector<16xi32> to vector<16xi32>
      %swap3A_328 = vector.shape_cast %shift_right_logical3A_324 : vector<16xi32> to vector<16xi32>
      tpu.vector_store %arg9[%swap3A_325], %swap3A_328 {strides = array<i32>} : memref<64xi32, #tpu.memory_space<vmem>>, vector<16xi32>,
      "tpu.region"() ({
        %run_scoped3A = tpu.sem_alloc : memref<!tpu.dma_semaphore, #tpu.memory_space<semaphore_mem>>
        %dma_start3A_473 = arith.constant 0 : i32
        %dma_start3A_474 = arith.constant 0 : i32
        %dma_start3A_475 = tpu.memref_slice %arg13[%dma_start3A_473, %dma_start3A_474] : memref<10240x128xf32, #tpu.memory_space<vmem_shared>> -> memref<10240x128xf32, #tpu.memory_space<vmem_shared>>
        tpu.enqueue_indirect_dma source(%arg10 : memref<64x128xf32, #tpu.memory_space<vmem>>) target(%dma_start3A_475 : memref<10240x128xf32, #tpu.memory_space<vmem_shared>>) offsets(%arg9 : memref<64xi32, #tpu.memory_space<vmem>>) semaphore(%run_scoped3A : memref<!tpu.dma_semaphore, #tpu.memory_space<semaphore_mem>>) {add = true}
        %dma_wait3A_476 = arith.constant 0 : i32
        %dma_wait3A_477 = arith.constant 0 : i32
        %dma_wait3A_478 = tpu.memref_slice %arg13[%dma_wait3A_476, %dma_wait3A_477] : memref<10240x128xf32, #tpu.memory_space<vmem_shared>> -> memref<10240x128xf32, #tpu.memory_space<vmem_shared>>
        tpu.wait_indirect_dma semaphore(%run_scoped3A : memref<!tpu.dma_semaphore, #tpu.memory_space<semaphore_mem>>) src(%arg10 : memref<64x128xf32, #tpu.memory_space<vmem>>) dst(%dma_wait3A_478 : memref<10240x128xf32, #tpu.memory_space<vmem_shared>>)
        tpu.yield
      }) : () -> ()
      %add3A_329 = arith.constant 3 : i32
      %add3A_330 = arith.addi %add3A_267, %add3A_329 : i32
      %lt3A = arith.constant 160 : i32
      %lt3A_331 = arith.cmpi slt, %add3A_330, %lt3A : i32
      %convert_element_type3A = arith.extui %lt3A_331 : i1 to i32
      %cond3A = arith.constant 0 : i32
      %cond3A_332 = arith.cmpi ne, %convert_element_type3A, %cond3A : i32
      scf.if %cond3A_332 {
        %shift_right_logical3A_473 = arith.constant 1 : i32
        %shift_right_logical3A_474 = arith.shrui %add3A_330, %shift_right_logical3A_473 : i32
        %and3A_475 = arith.constant 1 : i32
        %and3A_476 = arith.andi %add3A_330, %and3A_475 : i32
        %mul3A_477 = arith.constant 64 : i32
        %mul3A_478 = arith.muli %and3A_476, %mul3A_477 : i32
        %add3A_479 = arith.constant 0 : i32
        %add3A_480 = arith.addi %mul3A_478, %add3A_479 : i32
        %get3A_481 = arith.index_cast %shift_right_logical3A_474 : i32 to index
        %get3A_482 = arith.index_cast %add3A_480 : i32 to index
        %get3A_483 = tpu.vector_load %arg5[%get3A_481, %get3A_482] {strides = array<i32>} : memref<80x128xi32, #tpu.memory_space<vmem>>, vector<1x16xi32>,
        %get3A_484 = vector.shape_cast %get3A_483 : vector<1x16xi32> to vector<16xi32>
        %and3A_485 = arith.constant 65535 : i32
        %and3A_486 = vector.broadcast %and3A_485 : i32 to vector<16xi32>
        %and3A_487 = arith.andi %get3A_484, %and3A_486 : vector<16xi32>
        %swap3A_488 = arith.constant 0 : index
        %swap3A_489 = tpu.vector_load %arg6[%swap3A_488] {strides = array<i32>} : memref<64xi32, #tpu.memory_space<vmem>>, vector<16xi32>,
        %swap3A_490 = vector.shape_cast %swap3A_489 : vector<16xi32> to vector<16xi32>
        %swap3A_491 = vector.shape_cast %and3A_487 : vector<16xi32> to vector<16xi32>
        tpu.vector_store %arg6[%swap3A_488], %swap3A_491 {strides = array<i32>} : memref<64xi32, #tpu.memory_space<vmem>>, vector<16xi32>,
        %add3A_492 = arith.constant 16 : i32
        %add3A_493 = arith.addi %mul3A_478, %add3A_492 : i32
        %get3A_494 = arith.index_cast %shift_right_logical3A_474 : i32 to index
        %get3A_495 = arith.index_cast %add3A_493 : i32 to index
        %get3A_496 = tpu.vector_load %arg5[%get3A_494, %get3A_495] {strides = array<i32>} : memref<80x128xi32, #tpu.memory_space<vmem>>, vector<1x16xi32>,
        %get3A_497 = vector.shape_cast %get3A_496 : vector<1x16xi32> to vector<16xi32>
        %and3A_498 = arith.constant 65535 : i32
        %and3A_499 = vector.broadcast %and3A_498 : i32 to vector<16xi32>
        %and3A_500 = arith.andi %get3A_497, %and3A_499 : vector<16xi32>
        %swap3A_501 = arith.constant 16 : index
        %swap3A_502 = tpu.vector_load %arg6[%swap3A_501] {strides = array<i32>} : memref<64xi32, #tpu.memory_space<vmem>>, vector<16xi32>,
        %swap3A_503 = vector.shape_cast %swap3A_502 : vector<16xi32> to vector<16xi32>
        %swap3A_504 = vector.shape_cast %and3A_500 : vector<16xi32> to vector<16xi32>
        tpu.vector_store %arg6[%swap3A_501], %swap3A_504 {strides = array<i32>} : memref<64xi32, #tpu.memory_space<vmem>>, vector<16xi32>,
        %add3A_505 = arith.constant 32 : i32
        %add3A_506 = arith.addi %mul3A_478, %add3A_505 : i32
        %get3A_507 = arith.index_cast %shift_right_logical3A_474 : i32 to index
        %get3A_508 = arith.index_cast %add3A_506 : i32 to index
        %get3A_509 = tpu.vector_load %arg5[%get3A_507, %get3A_508] {strides = array<i32>} : memref<80x128xi32, #tpu.memory_space<vmem>>, vector<1x16xi32>,
        %get3A_510 = vector.shape_cast %get3A_509 : vector<1x16xi32> to vector<16xi32>
        %and3A_511 = arith.constant 65535 : i32
        %and3A_512 = vector.broadcast %and3A_511 : i32 to vector<16xi32>
        %and3A_513 = arith.andi %get3A_510, %and3A_512 : vector<16xi32>
        %swap3A_514 = arith.constant 32 : index
        %swap3A_515 = tpu.vector_load %arg6[%swap3A_514] {strides = array<i32>} : memref<64xi32, #tpu.memory_space<vmem>>, vector<16xi32>,
        %swap3A_516 = vector.shape_cast %swap3A_515 : vector<16xi32> to vector<16xi32>
        %swap3A_517 = vector.shape_cast %and3A_513 : vector<16xi32> to vector<16xi32>
        tpu.vector_store %arg6[%swap3A_514], %swap3A_517 {strides = array<i32>} : memref<64xi32, #tpu.memory_space<vmem>>, vector<16xi32>,
        %add3A_518 = arith.constant 48 : i32
        %add3A_519 = arith.addi %mul3A_478, %add3A_518 : i32
        %get3A_520 = arith.index_cast %shift_right_logical3A_474 : i32 to index
        %get3A_521 = arith.index_cast %add3A_519 : i32 to index
        %get3A_522 = tpu.vector_load %arg5[%get3A_520, %get3A_521] {strides = array<i32>} : memref<80x128xi32, #tpu.memory_space<vmem>>, vector<1x16xi32>,
        %get3A_523 = vector.shape_cast %get3A_522 : vector<1x16xi32> to vector<16xi32>
        %and3A_524 = arith.constant 65535 : i32
        %and3A_525 = vector.broadcast %and3A_524 : i32 to vector<16xi32>
        %and3A_526 = arith.andi %get3A_523, %and3A_525 : vector<16xi32>
        %swap3A_527 = arith.constant 48 : index
        %swap3A_528 = tpu.vector_load %arg6[%swap3A_527] {strides = array<i32>} : memref<64xi32, #tpu.memory_space<vmem>>, vector<16xi32>,
        %swap3A_529 = vector.shape_cast %swap3A_528 : vector<16xi32> to vector<16xi32>
        %swap3A_530 = vector.shape_cast %and3A_526 : vector<16xi32> to vector<16xi32>
        tpu.vector_store %arg6[%swap3A_527], %swap3A_530 {strides = array<i32>} : memref<64xi32, #tpu.memory_space<vmem>>, vector<16xi32>,
        %dma_start3A_531 = arith.constant 0 : i32
        %dma_start3A_532 = arith.constant 0 : i32
        %dma_start3A_533 = tpu.memref_slice %arg2[%dma_start3A_531, %dma_start3A_532] : memref<10240x128xf32, #tpu.memory_space<hbm>> -> memref<10240x128xf32, #tpu.memory_space<hbm>>
        tpu.enqueue_indirect_dma source(%dma_start3A_533 : memref<10240x128xf32, #tpu.memory_space<hbm>>) target(%arg10 : memref<64x128xf32, #tpu.memory_space<vmem>>) offsets(%arg6 : memref<64xi32, #tpu.memory_space<vmem>>) semaphore(%arg14 : memref<!tpu.dma_semaphore, #tpu.memory_space<semaphore_mem>>)
      } else {
      }
      %add3A_333 = arith.constant 1 : i32
      %add3A_334 = arith.addi %mul3A_265, %add3A_333 : i32
      %dma_wait3A_335 = arith.constant 0 : i32
      %dma_wait3A_336 = arith.constant 0 : i32
      %dma_wait3A_337 = tpu.memref_slice %arg2[%dma_wait3A_335, %dma_wait3A_336] : memref<10240x128xf32, #tpu.memory_space<hbm>> -> memref<10240x128xf32, #tpu.memory_space<hbm>>
      tpu.wait_indirect_dma semaphore(%arg15 : memref<!tpu.dma_semaphore, #tpu.memory_space<semaphore_mem>>) src(%dma_wait3A_337 : memref<10240x128xf32, #tpu.memory_space<hbm>>) dst(%arg11 : memref<64x128xf32, #tpu.memory_space<vmem>>)
      %shift_right_logical3A_338 = arith.constant 1 : i32
      %shift_right_logical3A_339 = arith.shrui %add3A_334, %shift_right_logical3A_338 : i32
      %and3A_340 = arith.constant 1 : i32
      %and3A_341 = arith.andi %add3A_334, %and3A_340 : i32
      %mul3A_342 = arith.constant 64 : i32
      %mul3A_343 = arith.muli %and3A_341, %mul3A_342 : i32
      %add3A_344 = arith.constant 0 : i32
      %add3A_345 = arith.addi %mul3A_343, %add3A_344 : i32
      %get3A_346 = arith.index_cast %shift_right_logical3A_339 : i32 to index
      %get3A_347 = arith.index_cast %add3A_345 : i32 to index
      %get3A_348 = tpu.vector_load %arg5[%get3A_346, %get3A_347] {strides = array<i32>} : memref<80x128xi32, #tpu.memory_space<vmem>>, vector<1x16xi32>,
      %get3A_349 = vector.shape_cast %get3A_348 : vector<1x16xi32> to vector<16xi32>
      %shift_right_logical3A_350 = arith.constant 16 : i32
      %shift_right_logical3A_351 = vector.broadcast %shift_right_logical3A_350 : i32 to vector<16xi32>
      %shift_right_logical3A_352 = arith.shrui %get3A_349, %shift_right_logical3A_351 : vector<16xi32>
      %swap3A_353 = arith.constant 0 : index
      %swap3A_354 = tpu.vector_load %arg9[%swap3A_353] {strides = array<i32>} : memref<64xi32, #tpu.memory_space<vmem>>, vector<16xi32>,
      %swap3A_355 = vector.shape_cast %swap3A_354 : vector<16xi32> to vector<16xi32>
      %swap3A_356 = vector.shape_cast %shift_right_logical3A_352 : vector<16xi32> to vector<16xi32>
      tpu.vector_store %arg9[%swap3A_353], %swap3A_356 {strides = array<i32>} : memref<64xi32, #tpu.memory_space<vmem>>, vector<16xi32>,
      %add3A_357 = arith.constant 16 : i32
      %add3A_358 = arith.addi %mul3A_343, %add3A_357 : i32
      %get3A_359 = arith.index_cast %shift_right_logical3A_339 : i32 to index
      %get3A_360 = arith.index_cast %add3A_358 : i32 to index
      %get3A_361 = tpu.vector_load %arg5[%get3A_359, %get3A_360] {strides = array<i32>} : memref<80x128xi32, #tpu.memory_space<vmem>>, vector<1x16xi32>,
      %get3A_362 = vector.shape_cast %get3A_361 : vector<1x16xi32> to vector<16xi32>
      %shift_right_logical3A_363 = arith.constant 16 : i32
      %shift_right_logical3A_364 = vector.broadcast %shift_right_logical3A_363 : i32 to vector<16xi32>
      %shift_right_logical3A_365 = arith.shrui %get3A_362, %shift_right_logical3A_364 : vector<16xi32>
      %swap3A_366 = arith.constant 16 : index
      %swap3A_367 = tpu.vector_load %arg9[%swap3A_366] {strides = array<i32>} : memref<64xi32, #tpu.memory_space<vmem>>, vector<16xi32>,
      %swap3A_368 = vector.shape_cast %swap3A_367 : vector<16xi32> to vector<16xi32>
      %swap3A_369 = vector.shape_cast %shift_right_logical3A_365 : vector<16xi32> to vector<16xi32>
      tpu.vector_store %arg9[%swap3A_366], %swap3A_369 {strides = array<i32>} : memref<64xi32, #tpu.memory_space<vmem>>, vector<16xi32>,
      %add3A_370 = arith.constant 32 : i32
      %add3A_371 = arith.addi %mul3A_343, %add3A_370 : i32
      %get3A_372 = arith.index_cast %shift_right_logical3A_339 : i32 to index
      %get3A_373 = arith.index_cast %add3A_371 : i32 to index
      %get3A_374 = tpu.vector_load %arg5[%get3A_372, %get3A_373] {strides = array<i32>} : memref<80x128xi32, #tpu.memory_space<vmem>>, vector<1x16xi32>,
      %get3A_375 = vector.shape_cast %get3A_374 : vector<1x16xi32> to vector<16xi32>
      %shift_right_logical3A_376 = arith.constant 16 : i32
      %shift_right_logical3A_377 = vector.broadcast %shift_right_logical3A_376 : i32 to vector<16xi32>
      %shift_right_logical3A_378 = arith.shrui %get3A_375, %shift_right_logical3A_377 : vector<16xi32>
      %swap3A_379 = arith.constant 32 : index
      %swap3A_380 = tpu.vector_load %arg9[%swap3A_379] {strides = array<i32>} : memref<64xi32, #tpu.memory_space<vmem>>, vector<16xi32>,
      %swap3A_381 = vector.shape_cast %swap3A_380 : vector<16xi32> to vector<16xi32>
      %swap3A_382 = vector.shape_cast %shift_right_logical3A_378 : vector<16xi32> to vector<16xi32>
      tpu.vector_store %arg9[%swap3A_379], %swap3A_382 {strides = array<i32>} : memref<64xi32, #tpu.memory_space<vmem>>, vector<16xi32>,
      %add3A_383 = arith.constant 48 : i32
      %add3A_384 = arith.addi %mul3A_343, %add3A_383 : i32
      %get3A_385 = arith.index_cast %shift_right_logical3A_339 : i32 to index
      %get3A_386 = arith.index_cast %add3A_384 : i32 to index
      %get3A_387 = tpu.vector_load %arg5[%get3A_385, %get3A_386] {strides = array<i32>} : memref<80x128xi32, #tpu.memory_space<vmem>>, vector<1x16xi32>,
      %get3A_388 = vector.shape_cast %get3A_387 : vector<1x16xi32> to vector<16xi32>
      %shift_right_logical3A_389 = arith.constant 16 : i32
      %shift_right_logical3A_390 = vector.broadcast %shift_right_logical3A_389 : i32 to vector<16xi32>
      %shift_right_logical3A_391 = arith.shrui %get3A_388, %shift_right_logical3A_390 : vector<16xi32>
      %swap3A_392 = arith.constant 48 : index
      %swap3A_393 = tpu.vector_load %arg9[%swap3A_392] {strides = array<i32>} : memref<64xi32, #tpu.memory_space<vmem>>, vector<16xi32>,
      %swap3A_394 = vector.shape_cast %swap3A_393 : vector<16xi32> to vector<16xi32>
      %swap3A_395 = vector.shape_cast %shift_right_logical3A_391 : vector<16xi32> to vector<16xi32>
      tpu.vector_store %arg9[%swap3A_392], %swap3A_395 {strides = array<i32>} : memref<64xi32, #tpu.memory_space<vmem>>, vector<16xi32>,
      "tpu.region"() ({
        %run_scoped3A = tpu.sem_alloc : memref<!tpu.dma_semaphore, #tpu.memory_space<semaphore_mem>>
        %dma_start3A_473 = arith.constant 0 : i32
        %dma_start3A_474 = arith.constant 0 : i32
        %dma_start3A_475 = tpu.memref_slice %arg13[%dma_start3A_473, %dma_start3A_474] : memref<10240x128xf32, #tpu.memory_space<vmem_shared>> -> memref<10240x128xf32, #tpu.memory_space<vmem_shared>>
        tpu.enqueue_indirect_dma source(%arg11 : memref<64x128xf32, #tpu.memory_space<vmem>>) target(%dma_start3A_475 : memref<10240x128xf32, #tpu.memory_space<vmem_shared>>) offsets(%arg9 : memref<64xi32, #tpu.memory_space<vmem>>) semaphore(%run_scoped3A : memref<!tpu.dma_semaphore, #tpu.memory_space<semaphore_mem>>) {add = true}
        %dma_wait3A_476 = arith.constant 0 : i32
        %dma_wait3A_477 = arith.constant 0 : i32
        %dma_wait3A_478 = tpu.memref_slice %arg13[%dma_wait3A_476, %dma_wait3A_477] : memref<10240x128xf32, #tpu.memory_space<vmem_shared>> -> memref<10240x128xf32, #tpu.memory_space<vmem_shared>>
        tpu.wait_indirect_dma semaphore(%run_scoped3A : memref<!tpu.dma_semaphore, #tpu.memory_space<semaphore_mem>>) src(%arg11 : memref<64x128xf32, #tpu.memory_space<vmem>>) dst(%dma_wait3A_478 : memref<10240x128xf32, #tpu.memory_space<vmem_shared>>)
        tpu.yield
      }) : () -> ()
      %add3A_396 = arith.constant 3 : i32
      %add3A_397 = arith.addi %add3A_334, %add3A_396 : i32
      %lt3A_398 = arith.constant 160 : i32
      %lt3A_399 = arith.cmpi slt, %add3A_397, %lt3A_398 : i32
      %convert_element_type3A_400 = arith.extui %lt3A_399 : i1 to i32
      %cond3A_401 = arith.constant 0 : i32
      %cond3A_402 = arith.cmpi ne, %convert_element_type3A_400, %cond3A_401 : i32
      scf.if %cond3A_402 {
        %shift_right_logical3A_473 = arith.constant 1 : i32
        %shift_right_logical3A_474 = arith.shrui %add3A_397, %shift_right_logical3A_473 : i32
        %and3A_475 = arith.constant 1 : i32
        %and3A_476 = arith.andi %add3A_397, %and3A_475 : i32
        %mul3A_477 = arith.constant 64 : i32
        %mul3A_478 = arith.muli %and3A_476, %mul3A_477 : i32
        %add3A_479 = arith.constant 0 : i32
        %add3A_480 = arith.addi %mul3A_478, %add3A_479 : i32
        %get3A_481 = arith.index_cast %shift_right_logical3A_474 : i32 to index
        %get3A_482 = arith.index_cast %add3A_480 : i32 to index
        %get3A_483 = tpu.vector_load %arg5[%get3A_481, %get3A_482] {strides = array<i32>} : memref<80x128xi32, #tpu.memory_space<vmem>>, vector<1x16xi32>,
        %get3A_484 = vector.shape_cast %get3A_483 : vector<1x16xi32> to vector<16xi32>
        %and3A_485 = arith.constant 65535 : i32
        %and3A_486 = vector.broadcast %and3A_485 : i32 to vector<16xi32>
        %and3A_487 = arith.andi %get3A_484, %and3A_486 : vector<16xi32>
        %swap3A_488 = arith.constant 0 : index
        %swap3A_489 = tpu.vector_load %arg7[%swap3A_488] {strides = array<i32>} : memref<64xi32, #tpu.memory_space<vmem>>, vector<16xi32>,
        %swap3A_490 = vector.shape_cast %swap3A_489 : vector<16xi32> to vector<16xi32>
        %swap3A_491 = vector.shape_cast %and3A_487 : vector<16xi32> to vector<16xi32>
        tpu.vector_store %arg7[%swap3A_488], %swap3A_491 {strides = array<i32>} : memref<64xi32, #tpu.memory_space<vmem>>, vector<16xi32>,
        %add3A_492 = arith.constant 16 : i32
        %add3A_493 = arith.addi %mul3A_478, %add3A_492 : i32
        %get3A_494 = arith.index_cast %shift_right_logical3A_474 : i32 to index
        %get3A_495 = arith.index_cast %add3A_493 : i32 to index
        %get3A_496 = tpu.vector_load %arg5[%get3A_494, %get3A_495] {strides = array<i32>} : memref<80x128xi32, #tpu.memory_space<vmem>>, vector<1x16xi32>,
        %get3A_497 = vector.shape_cast %get3A_496 : vector<1x16xi32> to vector<16xi32>
        %and3A_498 = arith.constant 65535 : i32
        %and3A_499 = vector.broadcast %and3A_498 : i32 to vector<16xi32>
        %and3A_500 = arith.andi %get3A_497, %and3A_499 : vector<16xi32>
        %swap3A_501 = arith.constant 16 : index
        %swap3A_502 = tpu.vector_load %arg7[%swap3A_501] {strides = array<i32>} : memref<64xi32, #tpu.memory_space<vmem>>, vector<16xi32>,
        %swap3A_503 = vector.shape_cast %swap3A_502 : vector<16xi32> to vector<16xi32>
        %swap3A_504 = vector.shape_cast %and3A_500 : vector<16xi32> to vector<16xi32>
        tpu.vector_store %arg7[%swap3A_501], %swap3A_504 {strides = array<i32>} : memref<64xi32, #tpu.memory_space<vmem>>, vector<16xi32>,
        %add3A_505 = arith.constant 32 : i32
        %add3A_506 = arith.addi %mul3A_478, %add3A_505 : i32
        %get3A_507 = arith.index_cast %shift_right_logical3A_474 : i32 to index
        %get3A_508 = arith.index_cast %add3A_506 : i32 to index
        %get3A_509 = tpu.vector_load %arg5[%get3A_507, %get3A_508] {strides = array<i32>} : memref<80x128xi32, #tpu.memory_space<vmem>>, vector<1x16xi32>,
        %get3A_510 = vector.shape_cast %get3A_509 : vector<1x16xi32> to vector<16xi32>
        %and3A_511 = arith.constant 65535 : i32
        %and3A_512 = vector.broadcast %and3A_511 : i32 to vector<16xi32>
        %and3A_513 = arith.andi %get3A_510, %and3A_512 : vector<16xi32>
        %swap3A_514 = arith.constant 32 : index
        %swap3A_515 = tpu.vector_load %arg7[%swap3A_514] {strides = array<i32>} : memref<64xi32, #tpu.memory_space<vmem>>, vector<16xi32>,
        %swap3A_516 = vector.shape_cast %swap3A_515 : vector<16xi32> to vector<16xi32>
        %swap3A_517 = vector.shape_cast %and3A_513 : vector<16xi32> to vector<16xi32>
        tpu.vector_store %arg7[%swap3A_514], %swap3A_517 {strides = array<i32>} : memref<64xi32, #tpu.memory_space<vmem>>, vector<16xi32>,
        %add3A_518 = arith.constant 48 : i32
        %add3A_519 = arith.addi %mul3A_478, %add3A_518 : i32
        %get3A_520 = arith.index_cast %shift_right_logical3A_474 : i32 to index
        %get3A_521 = arith.index_cast %add3A_519 : i32 to index
        %get3A_522 = tpu.vector_load %arg5[%get3A_520, %get3A_521] {strides = array<i32>} : memref<80x128xi32, #tpu.memory_space<vmem>>, vector<1x16xi32>,
        %get3A_523 = vector.shape_cast %get3A_522 : vector<1x16xi32> to vector<16xi32>
        %and3A_524 = arith.constant 65535 : i32
        %and3A_525 = vector.broadcast %and3A_524 : i32 to vector<16xi32>
        %and3A_526 = arith.andi %get3A_523, %and3A_525 : vector<16xi32>
        %swap3A_527 = arith.constant 48 : index
        %swap3A_528 = tpu.vector_load %arg7[%swap3A_527] {strides = array<i32>} : memref<64xi32, #tpu.memory_space<vmem>>, vector<16xi32>,
        %swap3A_529 = vector.shape_cast %swap3A_528 : vector<16xi32> to vector<16xi32>
        %swap3A_530 = vector.shape_cast %and3A_526 : vector<16xi32> to vector<16xi32>
        tpu.vector_store %arg7[%swap3A_527], %swap3A_530 {strides = array<i32>} : memref<64xi32, #tpu.memory_space<vmem>>, vector<16xi32>,
        %dma_start3A_531 = arith.constant 0 : i32
        %dma_start3A_532 = arith.constant 0 : i32
        %dma_start3A_533 = tpu.memref_slice %arg2[%dma_start3A_531, %dma_start3A_532] : memref<10240x128xf32, #tpu.memory_space<hbm>> -> memref<10240x128xf32, #tpu.memory_space<hbm>>
        tpu.enqueue_indirect_dma source(%dma_start3A_533 : memref<10240x128xf32, #tpu.memory_space<hbm>>) target(%arg11 : memref<64x128xf32, #tpu.memory_space<vmem>>) offsets(%arg7 : memref<64xi32, #tpu.memory_space<vmem>>) semaphore(%arg15 : memref<!tpu.dma_semaphore, #tpu.memory_space<semaphore_mem>>)
      } else {
      }
      %add3A_403 = arith.constant 2 : i32
      %add3A_404 = arith.addi %mul3A_265, %add3A_403 : i32
      %dma_wait3A_405 = arith.constant 0 : i32
      %dma_wait3A_406 = arith.constant 0 : i32
      %dma_wait3A_407 = tpu.memref_slice %arg2[%dma_wait3A_405, %dma_wait3A_406] : memref<10240x128xf32, #tpu.memory_space<hbm>> -> memref<10240x128xf32, #tpu.memory_space<hbm>>
      tpu.wait_indirect_dma semaphore(%arg16 : memref<!tpu.dma_semaphore, #tpu.memory_space<semaphore_mem>>) src(%dma_wait3A_407 : memref<10240x128xf32, #tpu.memory_space<hbm>>) dst(%arg12 : memref<64x128xf32, #tpu.memory_space<vmem>>)
      %shift_right_logical3A_408 = arith.constant 1 : i32
      %shift_right_logical3A_409 = arith.shrui %add3A_404, %shift_right_logical3A_408 : i32
      %and3A_410 = arith.constant 1 : i32
      %and3A_411 = arith.andi %add3A_404, %and3A_410 : i32
      %mul3A_412 = arith.constant 64 : i32
      %mul3A_413 = arith.muli %and3A_411, %mul3A_412 : i32
      %add3A_414 = arith.constant 0 : i32
      %add3A_415 = arith.addi %mul3A_413, %add3A_414 : i32
      %get3A_416 = arith.index_cast %shift_right_logical3A_409 : i32 to index
      %get3A_417 = arith.index_cast %add3A_415 : i32 to index
      %get3A_418 = tpu.vector_load %arg5[%get3A_416, %get3A_417] {strides = array<i32>} : memref<80x128xi32, #tpu.memory_space<vmem>>, vector<1x16xi32>,
      %get3A_419 = vector.shape_cast %get3A_418 : vector<1x16xi32> to vector<16xi32>
      %shift_right_logical3A_420 = arith.constant 16 : i32
      %shift_right_logical3A_421 = vector.broadcast %shift_right_logical3A_420 : i32 to vector<16xi32>
      %shift_right_logical3A_422 = arith.shrui %get3A_419, %shift_right_logical3A_421 : vector<16xi32>
      %swap3A_423 = arith.constant 0 : index
      %swap3A_424 = tpu.vector_load %arg9[%swap3A_423] {strides = array<i32>} : memref<64xi32, #tpu.memory_space<vmem>>, vector<16xi32>,
      %swap3A_425 = vector.shape_cast %swap3A_424 : vector<16xi32> to vector<16xi32>
      %swap3A_426 = vector.shape_cast %shift_right_logical3A_422 : vector<16xi32> to vector<16xi32>
      tpu.vector_store %arg9[%swap3A_423], %swap3A_426 {strides = array<i32>} : memref<64xi32, #tpu.memory_space<vmem>>, vector<16xi32>,
      %add3A_427 = arith.constant 16 : i32
      %add3A_428 = arith.addi %mul3A_413, %add3A_427 : i32
      %get3A_429 = arith.index_cast %shift_right_logical3A_409 : i32 to index
      %get3A_430 = arith.index_cast %add3A_428 : i32 to index
      %get3A_431 = tpu.vector_load %arg5[%get3A_429, %get3A_430] {strides = array<i32>} : memref<80x128xi32, #tpu.memory_space<vmem>>, vector<1x16xi32>,
      %get3A_432 = vector.shape_cast %get3A_431 : vector<1x16xi32> to vector<16xi32>
      %shift_right_logical3A_433 = arith.constant 16 : i32
      %shift_right_logical3A_434 = vector.broadcast %shift_right_logical3A_433 : i32 to vector<16xi32>
      %shift_right_logical3A_435 = arith.shrui %get3A_432, %shift_right_logical3A_434 : vector<16xi32>
      %swap3A_436 = arith.constant 16 : index
      %swap3A_437 = tpu.vector_load %arg9[%swap3A_436] {strides = array<i32>} : memref<64xi32, #tpu.memory_space<vmem>>, vector<16xi32>,
      %swap3A_438 = vector.shape_cast %swap3A_437 : vector<16xi32> to vector<16xi32>
      %swap3A_439 = vector.shape_cast %shift_right_logical3A_435 : vector<16xi32> to vector<16xi32>
      tpu.vector_store %arg9[%swap3A_436], %swap3A_439 {strides = array<i32>} : memref<64xi32, #tpu.memory_space<vmem>>, vector<16xi32>,
      %add3A_440 = arith.constant 32 : i32
      %add3A_441 = arith.addi %mul3A_413, %add3A_440 : i32
      %get3A_442 = arith.index_cast %shift_right_logical3A_409 : i32 to index
      %get3A_443 = arith.index_cast %add3A_441 : i32 to index
      %get3A_444 = tpu.vector_load %arg5[%get3A_442, %get3A_443] {strides = array<i32>} : memref<80x128xi32, #tpu.memory_space<vmem>>, vector<1x16xi32>,
      %get3A_445 = vector.shape_cast %get3A_444 : vector<1x16xi32> to vector<16xi32>
      %shift_right_logical3A_446 = arith.constant 16 : i32
      %shift_right_logical3A_447 = vector.broadcast %shift_right_logical3A_446 : i32 to vector<16xi32>
      %shift_right_logical3A_448 = arith.shrui %get3A_445, %shift_right_logical3A_447 : vector<16xi32>
      %swap3A_449 = arith.constant 32 : index
      %swap3A_450 = tpu.vector_load %arg9[%swap3A_449] {strides = array<i32>} : memref<64xi32, #tpu.memory_space<vmem>>, vector<16xi32>,
      %swap3A_451 = vector.shape_cast %swap3A_450 : vector<16xi32> to vector<16xi32>
      %swap3A_452 = vector.shape_cast %shift_right_logical3A_448 : vector<16xi32> to vector<16xi32>
      tpu.vector_store %arg9[%swap3A_449], %swap3A_452 {strides = array<i32>} : memref<64xi32, #tpu.memory_space<vmem>>, vector<16xi32>,
      %add3A_453 = arith.constant 48 : i32
      %add3A_454 = arith.addi %mul3A_413, %add3A_453 : i32
      %get3A_455 = arith.index_cast %shift_right_logical3A_409 : i32 to index
      %get3A_456 = arith.index_cast %add3A_454 : i32 to index
      %get3A_457 = tpu.vector_load %arg5[%get3A_455, %get3A_456] {strides = array<i32>} : memref<80x128xi32, #tpu.memory_space<vmem>>, vector<1x16xi32>,
      %get3A_458 = vector.shape_cast %get3A_457 : vector<1x16xi32> to vector<16xi32>
      %shift_right_logical3A_459 = arith.constant 16 : i32
      %shift_right_logical3A_460 = vector.broadcast %shift_right_logical3A_459 : i32 to vector<16xi32>
      %shift_right_logical3A_461 = arith.shrui %get3A_458, %shift_right_logical3A_460 : vector<16xi32>
      %swap3A_462 = arith.constant 48 : index
      %swap3A_463 = tpu.vector_load %arg9[%swap3A_462] {strides = array<i32>} : memref<64xi32, #tpu.memory_space<vmem>>, vector<16xi32>,
      %swap3A_464 = vector.shape_cast %swap3A_463 : vector<16xi32> to vector<16xi32>
      %swap3A_465 = vector.shape_cast %shift_right_logical3A_461 : vector<16xi32> to vector<16xi32>
      tpu.vector_store %arg9[%swap3A_462], %swap3A_465 {strides = array<i32>} : memref<64xi32, #tpu.memory_space<vmem>>, vector<16xi32>,
      "tpu.region"() ({
        %run_scoped3A = tpu.sem_alloc : memref<!tpu.dma_semaphore, #tpu.memory_space<semaphore_mem>>
        %dma_start3A_473 = arith.constant 0 : i32
        %dma_start3A_474 = arith.constant 0 : i32
        %dma_start3A_475 = tpu.memref_slice %arg13[%dma_start3A_473, %dma_start3A_474] : memref<10240x128xf32, #tpu.memory_space<vmem_shared>> -> memref<10240x128xf32, #tpu.memory_space<vmem_shared>>
        tpu.enqueue_indirect_dma source(%arg12 : memref<64x128xf32, #tpu.memory_space<vmem>>) target(%dma_start3A_475 : memref<10240x128xf32, #tpu.memory_space<vmem_shared>>) offsets(%arg9 : memref<64xi32, #tpu.memory_space<vmem>>) semaphore(%run_scoped3A : memref<!tpu.dma_semaphore, #tpu.memory_space<semaphore_mem>>) {add = true}
        %dma_wait3A_476 = arith.constant 0 : i32
        %dma_wait3A_477 = arith.constant 0 : i32
        %dma_wait3A_478 = tpu.memref_slice %arg13[%dma_wait3A_476, %dma_wait3A_477] : memref<10240x128xf32, #tpu.memory_space<vmem_shared>> -> memref<10240x128xf32, #tpu.memory_space<vmem_shared>>
        tpu.wait_indirect_dma semaphore(%run_scoped3A : memref<!tpu.dma_semaphore, #tpu.memory_space<semaphore_mem>>) src(%arg12 : memref<64x128xf32, #tpu.memory_space<vmem>>) dst(%dma_wait3A_478 : memref<10240x128xf32, #tpu.memory_space<vmem_shared>>)
        tpu.yield
      }) : () -> ()
      %add3A_466 = arith.constant 3 : i32
      %add3A_467 = arith.addi %add3A_404, %add3A_466 : i32
      %lt3A_468 = arith.constant 160 : i32
      %lt3A_469 = arith.cmpi slt, %add3A_467, %lt3A_468 : i32
      %convert_element_type3A_470 = arith.extui %lt3A_469 : i1 to i32
      %cond3A_471 = arith.constant 0 : i32
      %cond3A_472 = arith.cmpi ne, %convert_element_type3A_470, %cond3A_471 : i32
      scf.if %cond3A_472 {
        %shift_right_logical3A_473 = arith.constant 1 : i32
        %shift_right_logical3A_474 = arith.shrui %add3A_467, %shift_right_logical3A_473 : i32
        %and3A_475 = arith.constant 1 : i32
        %and3A_476 = arith.andi %add3A_467, %and3A_475 : i32
        %mul3A_477 = arith.constant 64 : i32
        %mul3A_478 = arith.muli %and3A_476, %mul3A_477 : i32
        %add3A_479 = arith.constant 0 : i32
        %add3A_480 = arith.addi %mul3A_478, %add3A_479 : i32
        %get3A_481 = arith.index_cast %shift_right_logical3A_474 : i32 to index
        %get3A_482 = arith.index_cast %add3A_480 : i32 to index
        %get3A_483 = tpu.vector_load %arg5[%get3A_481, %get3A_482] {strides = array<i32>} : memref<80x128xi32, #tpu.memory_space<vmem>>, vector<1x16xi32>,
        %get3A_484 = vector.shape_cast %get3A_483 : vector<1x16xi32> to vector<16xi32>
        %and3A_485 = arith.constant 65535 : i32
        %and3A_486 = vector.broadcast %and3A_485 : i32 to vector<16xi32>
        %and3A_487 = arith.andi %get3A_484, %and3A_486 : vector<16xi32>
        %swap3A_488 = arith.constant 0 : index
        %swap3A_489 = tpu.vector_load %arg8[%swap3A_488] {strides = array<i32>} : memref<64xi32, #tpu.memory_space<vmem>>, vector<16xi32>,
        %swap3A_490 = vector.shape_cast %swap3A_489 : vector<16xi32> to vector<16xi32>
        %swap3A_491 = vector.shape_cast %and3A_487 : vector<16xi32> to vector<16xi32>
        tpu.vector_store %arg8[%swap3A_488], %swap3A_491 {strides = array<i32>} : memref<64xi32, #tpu.memory_space<vmem>>, vector<16xi32>,
        %add3A_492 = arith.constant 16 : i32
        %add3A_493 = arith.addi %mul3A_478, %add3A_492 : i32
        %get3A_494 = arith.index_cast %shift_right_logical3A_474 : i32 to index
        %get3A_495 = arith.index_cast %add3A_493 : i32 to index
        %get3A_496 = tpu.vector_load %arg5[%get3A_494, %get3A_495] {strides = array<i32>} : memref<80x128xi32, #tpu.memory_space<vmem>>, vector<1x16xi32>,
        %get3A_497 = vector.shape_cast %get3A_496 : vector<1x16xi32> to vector<16xi32>
        %and3A_498 = arith.constant 65535 : i32
        %and3A_499 = vector.broadcast %and3A_498 : i32 to vector<16xi32>
        %and3A_500 = arith.andi %get3A_497, %and3A_499 : vector<16xi32>
        %swap3A_501 = arith.constant 16 : index
        %swap3A_502 = tpu.vector_load %arg8[%swap3A_501] {strides = array<i32>} : memref<64xi32, #tpu.memory_space<vmem>>, vector<16xi32>,
        %swap3A_503 = vector.shape_cast %swap3A_502 : vector<16xi32> to vector<16xi32>
        %swap3A_504 = vector.shape_cast %and3A_500 : vector<16xi32> to vector<16xi32>
        tpu.vector_store %arg8[%swap3A_501], %swap3A_504 {strides = array<i32>} : memref<64xi32, #tpu.memory_space<vmem>>, vector<16xi32>,
        %add3A_505 = arith.constant 32 : i32
        %add3A_506 = arith.addi %mul3A_478, %add3A_505 : i32
        %get3A_507 = arith.index_cast %shift_right_logical3A_474 : i32 to index
        %get3A_508 = arith.index_cast %add3A_506 : i32 to index
        %get3A_509 = tpu.vector_load %arg5[%get3A_507, %get3A_508] {strides = array<i32>} : memref<80x128xi32, #tpu.memory_space<vmem>>, vector<1x16xi32>,
        %get3A_510 = vector.shape_cast %get3A_509 : vector<1x16xi32> to vector<16xi32>
        %and3A_511 = arith.constant 65535 : i32
        %and3A_512 = vector.broadcast %and3A_511 : i32 to vector<16xi32>
        %and3A_513 = arith.andi %get3A_510, %and3A_512 : vector<16xi32>
        %swap3A_514 = arith.constant 32 : index
        %swap3A_515 = tpu.vector_load %arg8[%swap3A_514] {strides = array<i32>} : memref<64xi32, #tpu.memory_space<vmem>>, vector<16xi32>,
        %swap3A_516 = vector.shape_cast %swap3A_515 : vector<16xi32> to vector<16xi32>
        %swap3A_517 = vector.shape_cast %and3A_513 : vector<16xi32> to vector<16xi32>
        tpu.vector_store %arg8[%swap3A_514], %swap3A_517 {strides = array<i32>} : memref<64xi32, #tpu.memory_space<vmem>>, vector<16xi32>,
        %add3A_518 = arith.constant 48 : i32
        %add3A_519 = arith.addi %mul3A_478, %add3A_518 : i32
        %get3A_520 = arith.index_cast %shift_right_logical3A_474 : i32 to index
        %get3A_521 = arith.index_cast %add3A_519 : i32 to index
        %get3A_522 = tpu.vector_load %arg5[%get3A_520, %get3A_521] {strides = array<i32>} : memref<80x128xi32, #tpu.memory_space<vmem>>, vector<1x16xi32>,
        %get3A_523 = vector.shape_cast %get3A_522 : vector<1x16xi32> to vector<16xi32>
        %and3A_524 = arith.constant 65535 : i32
        %and3A_525 = vector.broadcast %and3A_524 : i32 to vector<16xi32>
        %and3A_526 = arith.andi %get3A_523, %and3A_525 : vector<16xi32>
        %swap3A_527 = arith.constant 48 : index
        %swap3A_528 = tpu.vector_load %arg8[%swap3A_527] {strides = array<i32>} : memref<64xi32, #tpu.memory_space<vmem>>, vector<16xi32>,
        %swap3A_529 = vector.shape_cast %swap3A_528 : vector<16xi32> to vector<16xi32>
        %swap3A_530 = vector.shape_cast %and3A_526 : vector<16xi32> to vector<16xi32>
        tpu.vector_store %arg8[%swap3A_527], %swap3A_530 {strides = array<i32>} : memref<64xi32, #tpu.memory_space<vmem>>, vector<16xi32>,
        %dma_start3A_531 = arith.constant 0 : i32
        %dma_start3A_532 = arith.constant 0 : i32
        %dma_start3A_533 = tpu.memref_slice %arg2[%dma_start3A_531, %dma_start3A_532] : memref<10240x128xf32, #tpu.memory_space<hbm>> -> memref<10240x128xf32, #tpu.memory_space<hbm>>
        tpu.enqueue_indirect_dma source(%dma_start3A_533 : memref<10240x128xf32, #tpu.memory_space<hbm>>) target(%arg12 : memref<64x128xf32, #tpu.memory_space<vmem>>) offsets(%arg8 : memref<64xi32, #tpu.memory_space<vmem>>) semaphore(%arg16 : memref<!tpu.dma_semaphore, #tpu.memory_space<semaphore_mem>>)
      } else {
      }
    }
    %scan3A_195 = arith.constant 53 : i32
    %dma_wait3A = arith.constant 0 : i32
    %dma_wait3A_196 = arith.constant 0 : i32
    %dma_wait3A_197 = tpu.memref_slice %arg2[%dma_wait3A, %dma_wait3A_196] : memref<10240x128xf32, #tpu.memory_space<hbm>> -> memref<10240x128xf32, #tpu.memory_space<hbm>>
    tpu.wait_indirect_dma semaphore(%arg14 : memref<!tpu.dma_semaphore, #tpu.memory_space<semaphore_mem>>) src(%dma_wait3A_197 : memref<10240x128xf32, #tpu.memory_space<hbm>>) dst(%arg10 : memref<64x128xf32, #tpu.memory_space<vmem>>)
    %shift_right_logical3A_198 = arith.constant 159 : i32
    %shift_right_logical3A_199 = arith.constant 1 : i32
    %shift_right_logical3A_200 = arith.shrui %shift_right_logical3A_198, %shift_right_logical3A_199 : i32
    %and3A_201 = arith.constant 159 : i32
    %and3A_202 = arith.constant 1 : i32
    %and3A_203 = arith.andi %and3A_201, %and3A_202 : i32
    %mul3A_204 = arith.constant 64 : i32
    %mul3A_205 = arith.muli %and3A_203, %mul3A_204 : i32
    %add3A_206 = arith.constant 0 : i32
    %add3A_207 = arith.addi %mul3A_205, %add3A_206 : i32
    %get3A_208 = arith.index_cast %shift_right_logical3A_200 : i32 to index
    %get3A_209 = arith.index_cast %add3A_207 : i32 to index
    %get3A_210 = tpu.vector_load %arg5[%get3A_208, %get3A_209] {strides = array<i32>} : memref<80x128xi32, #tpu.memory_space<vmem>>, vector<1x16xi32>,
    %get3A_211 = vector.shape_cast %get3A_210 : vector<1x16xi32> to vector<16xi32>
    %shift_right_logical3A_212 = arith.constant 16 : i32
    %shift_right_logical3A_213 = vector.broadcast %shift_right_logical3A_212 : i32 to vector<16xi32>
    %shift_right_logical3A_214 = arith.shrui %get3A_211, %shift_right_logical3A_213 : vector<16xi32>
    %swap3A_215 = arith.constant 0 : index
    %swap3A_216 = tpu.vector_load %arg9[%swap3A_215] {strides = array<i32>} : memref<64xi32, #tpu.memory_space<vmem>>, vector<16xi32>,
    %swap3A_217 = vector.shape_cast %swap3A_216 : vector<16xi32> to vector<16xi32>
    %swap3A_218 = vector.shape_cast %shift_right_logical3A_214 : vector<16xi32> to vector<16xi32>
    tpu.vector_store %arg9[%swap3A_215], %swap3A_218 {strides = array<i32>} : memref<64xi32, #tpu.memory_space<vmem>>, vector<16xi32>,
    %add3A_219 = arith.constant 16 : i32
    %add3A_220 = arith.addi %mul3A_205, %add3A_219 : i32
    %get3A_221 = arith.index_cast %shift_right_logical3A_200 : i32 to index
    %get3A_222 = arith.index_cast %add3A_220 : i32 to index
    %get3A_223 = tpu.vector_load %arg5[%get3A_221, %get3A_222] {strides = array<i32>} : memref<80x128xi32, #tpu.memory_space<vmem>>, vector<1x16xi32>,
    %get3A_224 = vector.shape_cast %get3A_223 : vector<1x16xi32> to vector<16xi32>
    %shift_right_logical3A_225 = arith.constant 16 : i32
    %shift_right_logical3A_226 = vector.broadcast %shift_right_logical3A_225 : i32 to vector<16xi32>
    %shift_right_logical3A_227 = arith.shrui %get3A_224, %shift_right_logical3A_226 : vector<16xi32>
    %swap3A_228 = arith.constant 16 : index
    %swap3A_229 = tpu.vector_load %arg9[%swap3A_228] {strides = array<i32>} : memref<64xi32, #tpu.memory_space<vmem>>, vector<16xi32>,
    %swap3A_230 = vector.shape_cast %swap3A_229 : vector<16xi32> to vector<16xi32>
    %swap3A_231 = vector.shape_cast %shift_right_logical3A_227 : vector<16xi32> to vector<16xi32>
    tpu.vector_store %arg9[%swap3A_228], %swap3A_231 {strides = array<i32>} : memref<64xi32, #tpu.memory_space<vmem>>, vector<16xi32>,
    %add3A_232 = arith.constant 32 : i32
    %add3A_233 = arith.addi %mul3A_205, %add3A_232 : i32
    %get3A_234 = arith.index_cast %shift_right_logical3A_200 : i32 to index
    %get3A_235 = arith.index_cast %add3A_233 : i32 to index
    %get3A_236 = tpu.vector_load %arg5[%get3A_234, %get3A_235] {strides = array<i32>} : memref<80x128xi32, #tpu.memory_space<vmem>>, vector<1x16xi32>,
    %get3A_237 = vector.shape_cast %get3A_236 : vector<1x16xi32> to vector<16xi32>
    %shift_right_logical3A_238 = arith.constant 16 : i32
    %shift_right_logical3A_239 = vector.broadcast %shift_right_logical3A_238 : i32 to vector<16xi32>
    %shift_right_logical3A_240 = arith.shrui %get3A_237, %shift_right_logical3A_239 : vector<16xi32>
    %swap3A_241 = arith.constant 32 : index
    %swap3A_242 = tpu.vector_load %arg9[%swap3A_241] {strides = array<i32>} : memref<64xi32, #tpu.memory_space<vmem>>, vector<16xi32>,
    %swap3A_243 = vector.shape_cast %swap3A_242 : vector<16xi32> to vector<16xi32>
    %swap3A_244 = vector.shape_cast %shift_right_logical3A_240 : vector<16xi32> to vector<16xi32>
    tpu.vector_store %arg9[%swap3A_241], %swap3A_244 {strides = array<i32>} : memref<64xi32, #tpu.memory_space<vmem>>, vector<16xi32>,
    %add3A_245 = arith.constant 48 : i32
    %add3A_246 = arith.addi %mul3A_205, %add3A_245 : i32
    %get3A_247 = arith.index_cast %shift_right_logical3A_200 : i32 to index
    %get3A_248 = arith.index_cast %add3A_246 : i32 to index
    %get3A_249 = tpu.vector_load %arg5[%get3A_247, %get3A_248] {strides = array<i32>} : memref<80x128xi32, #tpu.memory_space<vmem>>, vector<1x16xi32>,
    %get3A_250 = vector.shape_cast %get3A_249 : vector<1x16xi32> to vector<16xi32>
    %shift_right_logical3A_251 = arith.constant 16 : i32
    %shift_right_logical3A_252 = vector.broadcast %shift_right_logical3A_251 : i32 to vector<16xi32>
    %shift_right_logical3A_253 = arith.shrui %get3A_250, %shift_right_logical3A_252 : vector<16xi32>
    %swap3A_254 = arith.constant 48 : index
    %swap3A_255 = tpu.vector_load %arg9[%swap3A_254] {strides = array<i32>} : memref<64xi32, #tpu.memory_space<vmem>>, vector<16xi32>,
    %swap3A_256 = vector.shape_cast %swap3A_255 : vector<16xi32> to vector<16xi32>
    %swap3A_257 = vector.shape_cast %shift_right_logical3A_253 : vector<16xi32> to vector<16xi32>
    tpu.vector_store %arg9[%swap3A_254], %swap3A_257 {strides = array<i32>} : memref<64xi32, #tpu.memory_space<vmem>>, vector<16xi32>,
    "tpu.region"() ({
      %run_scoped3A = tpu.sem_alloc : memref<!tpu.dma_semaphore, #tpu.memory_space<semaphore_mem>>
      %dma_start3A_263 = arith.constant 0 : i32
      %dma_start3A_264 = arith.constant 0 : i32
      %dma_start3A_265 = tpu.memref_slice %arg13[%dma_start3A_263, %dma_start3A_264] : memref<10240x128xf32, #tpu.memory_space<vmem_shared>> -> memref<10240x128xf32, #tpu.memory_space<vmem_shared>>
      tpu.enqueue_indirect_dma source(%arg10 : memref<64x128xf32, #tpu.memory_space<vmem>>) target(%dma_start3A_265 : memref<10240x128xf32, #tpu.memory_space<vmem_shared>>) offsets(%arg9 : memref<64xi32, #tpu.memory_space<vmem>>) semaphore(%run_scoped3A : memref<!tpu.dma_semaphore, #tpu.memory_space<semaphore_mem>>) {add = true}
      %dma_wait3A_266 = arith.constant 0 : i32
      %dma_wait3A_267 = arith.constant 0 : i32
      %dma_wait3A_268 = tpu.memref_slice %arg13[%dma_wait3A_266, %dma_wait3A_267] : memref<10240x128xf32, #tpu.memory_space<vmem_shared>> -> memref<10240x128xf32, #tpu.memory_space<vmem_shared>>
      tpu.wait_indirect_dma semaphore(%run_scoped3A : memref<!tpu.dma_semaphore, #tpu.memory_space<semaphore_mem>>) src(%arg10 : memref<64x128xf32, #tpu.memory_space<vmem>>) dst(%dma_wait3A_268 : memref<10240x128xf32, #tpu.memory_space<vmem_shared>>)
      tpu.yield
    }) : () -> ()
    %barrier3A_258 = arith.constant 0 : index
    tpu.barrier barrier_id(%barrier3A_258)
    %mul3A_259 = arith.constant 640 : i32
    %mul3A_260 = arith.muli %arg1, %mul3A_259 : i32
    %mul3A_261 = arith.constant 640 : i32
    %mul3A_262 = arith.muli %arg1, %mul3A_261 : i32
    "tpu.region"() ({
      %run_scoped3A = tpu.sem_alloc : memref<!tpu.dma_semaphore, #tpu.memory_space<semaphore_mem>>
      %dma_start3A_263 = arith.constant 0 : i32
      %dma_start3A_264 = tpu.memref_slice %arg4[%arg0, %mul3A_262, %dma_start3A_263] : memref<2x10240x128xf32, #tpu.memory_space<hbm>> -> memref<1x640x128xf32, #tpu.memory_space<hbm>>
      %dma_start3A_265 = tpu.memref_squeeze %dma_start3A_264 : memref<1x640x128xf32, #tpu.memory_space<hbm>> -> memref<640x128xf32, #tpu.memory_space<hbm>>
      %dma_start3A_266 = arith.constant 0 : i32
      %dma_start3A_267 = tpu.memref_slice %arg13[%mul3A_260, %dma_start3A_266] : memref<10240x128xf32, #tpu.memory_space<vmem_shared>> -> memref<640x128xf32, #tpu.memory_space<vmem_shared>>
      tpu.enqueue_dma source(%dma_start3A_267 : memref<640x128xf32, #tpu.memory_space<vmem_shared>>) target(%dma_start3A_265 : memref<640x128xf32, #tpu.memory_space<hbm>>) target_semaphore(%run_scoped3A : memref<!tpu.dma_semaphore, #tpu.memory_space<semaphore_mem>>)
      %dma_wait3A_268 = arith.constant 0 : i32
      %dma_wait3A_269 = tpu.memref_slice %arg4[%arg0, %mul3A_262, %dma_wait3A_268] : memref<2x10240x128xf32, #tpu.memory_space<hbm>> -> memref<1x640x128xf32, #tpu.memory_space<hbm>>
      %dma_wait3A_270 = tpu.memref_squeeze %dma_wait3A_269 : memref<1x640x128xf32, #tpu.memory_space<hbm>> -> memref<640x128xf32, #tpu.memory_space<hbm>>
      %dma_wait3A_271 = arith.constant 0 : i32
      %dma_wait3A_272 = tpu.memref_slice %arg13[%mul3A_260, %dma_wait3A_271] : memref<10240x128xf32, #tpu.memory_space<vmem_shared>> -> memref<640x128xf32, #tpu.memory_space<vmem_shared>>
      tpu.wait_dma2 semaphore(%run_scoped3A : memref<!tpu.dma_semaphore, #tpu.memory_space<semaphore_mem>>) src(%dma_wait3A_272 : memref<640x128xf32, #tpu.memory_space<vmem_shared>>) dst(%dma_wait3A_270 : memref<640x128xf32, #tpu.memory_space<hbm>>)
      tpu.yield
    }) : () -> ()
    return
  }
}

#map = affine_map<(d0, d1) -> (0, 0)>
#map1 = affine_map<(d0, d1) -> (0, 0, 0)>
module attributes {stable_mosaic.version = 14 : i64} {
  func.func @_spmm_body(%arg0: i32, %arg1: i32, %arg2: memref<10240x128xf32, #tpu.memory_space<hbm>>, %arg3: memref<2560x128xi32, #tpu.memory_space<hbm>>, %arg4: memref<2x10240x128xf32, #tpu.memory_space<hbm>>, %arg5: memref<80x128xi32, #tpu.memory_space<vmem>>, %arg6: memref<64xi32, #tpu.memory_space<vmem>>, %arg7: memref<64xi32, #tpu.memory_space<vmem>>, %arg8: memref<64xi32, #tpu.memory_space<vmem>>, %arg9: memref<64xi32, #tpu.memory_space<vmem>>, %arg10: memref<64x128xf32, #tpu.memory_space<vmem>>, %arg11: memref<64x128xf32, #tpu.memory_space<vmem>>, %arg12: memref<64x128xf32, #tpu.memory_space<vmem>>, %arg13: memref<10240x128xf32, #tpu.memory_space<vmem_shared>>, %arg14: memref<!tpu.dma_semaphore, #tpu.memory_space<semaphore_mem>>, %arg15: memref<!tpu.dma_semaphore, #tpu.memory_space<semaphore_mem>>, %arg16: memref<!tpu.dma_semaphore, #tpu.memory_space<semaphore_mem>>) attributes {dimension_semantics = [#tpu.dimension_semantics<core_parallel>, #tpu.dimension_semantics<subcore_parallel>], iteration_bounds = array<i64: 2, 16>, scalar_prefetch = 0 : i64, scratch_operands = 12 : i64, tpu.core_type = #tpu.core_type<sc_vector_subcore>, window_params = [{transform_indices = #map}, {transform_indices = #map}, {transform_indices = #map1}]} {
    %mul3A = arith.constant 16 : i32
    %mul3A_0 = arith.muli %arg0, %mul3A : i32
    %add3A = arith.addi %mul3A_0, %arg1 : i32
    %mul3A_1 = arith.constant 80 : i32
    %mul3A_2 = arith.muli %add3A, %mul3A_1 : i32
    "tpu.region"() ({
      %run_scoped3A = tpu.sem_alloc : memref<!tpu.dma_semaphore, #tpu.memory_space<semaphore_mem>>
      %dma_start3A_263 = arith.constant 0 : i32
      %dma_start3A_264 = tpu.memref_slice %arg3[%mul3A_2, %dma_start3A_263] : memref<2560x128xi32, #tpu.memory_space<hbm>> -> memref<80x128xi32, #tpu.memory_space<hbm>>
      %dma_start3A_265 = arith.constant 0 : i32
      %dma_start3A_266 = tpu.memref_slice %arg3[%mul3A_2, %dma_start3A_265] : memref<2560x128xi32, #tpu.memory_space<hbm>> -> memref<80x128xi32, #tpu.memory_space<hbm>>
      tpu.enqueue_dma source(%dma_start3A_266 : memref<80x128xi32, #tpu.memory_space<hbm>>) target(%arg5 : memref<80x128xi32, #tpu.memory_space<vmem>>) target_semaphore(%run_scoped3A : memref<!tpu.dma_semaphore, #tpu.memory_space<semaphore_mem>>)
      %dma_wait3A_267 = arith.constant 0 : i32
      %dma_wait3A_268 = tpu.memref_slice %arg3[%mul3A_2, %dma_wait3A_267] : memref<2560x128xi32, #tpu.memory_space<hbm>> -> memref<80x128xi32, #tpu.memory_space<hbm>>
      %dma_wait3A_269 = arith.constant 0 : i32
      %dma_wait3A_270 = tpu.memref_slice %arg3[%mul3A_2, %dma_wait3A_269] : memref<2560x128xi32, #tpu.memory_space<hbm>> -> memref<80x128xi32, #tpu.memory_space<hbm>>
      tpu.wait_dma2 semaphore(%run_scoped3A : memref<!tpu.dma_semaphore, #tpu.memory_space<semaphore_mem>>) src(%dma_wait3A_270 : memref<80x128xi32, #tpu.memory_space<hbm>>) dst(%arg5 : memref<80x128xi32, #tpu.memory_space<vmem>>)
      tpu.yield
    }) : () -> ()
    %shift_right_logical3A = arith.constant 0 : i32
    %shift_right_logical3A_3 = arith.constant 1 : i32
    %shift_right_logical3A_4 = arith.shrui %shift_right_logical3A, %shift_right_logical3A_3 : i32
    %and3A = arith.constant 0 : i32
    %and3A_5 = arith.constant 1 : i32
    %and3A_6 = arith.andi %and3A, %and3A_5 : i32
    %mul3A_7 = arith.constant 64 : i32
    %mul3A_8 = arith.muli %and3A_6, %mul3A_7 : i32
    %add3A_9 = arith.constant 0 : i32
    %add3A_10 = arith.addi %mul3A_8, %add3A_9 : i32
    %get3A = arith.index_cast %shift_right_logical3A_4 : i32 to index
    %get3A_11 = arith.index_cast %add3A_10 : i32 to index
    %get3A_12 = tpu.vector_load %arg5[%get3A, %get3A_11] {strides = array<i32>} : memref<80x128xi32, #tpu.memory_space<vmem>>, vector<1x16xi32>,
    %get3A_13 = vector.shape_cast %get3A_12 : vector<1x16xi32> to vector<16xi32>
    %and3A_14 = arith.constant 65535 : i32
    %and3A_15 = vector.broadcast %and3A_14 : i32 to vector<16xi32>
    %and3A_16 = arith.andi %get3A_13, %and3A_15 : vector<16xi32>
    %swap3A = arith.constant 0 : index
    %swap3A_17 = tpu.vector_load %arg6[%swap3A] {strides = array<i32>} : memref<64xi32, #tpu.memory_space<vmem>>, vector<16xi32>,
    %swap3A_18 = vector.shape_cast %swap3A_17 : vector<16xi32> to vector<16xi32>
    %swap3A_19 = vector.shape_cast %and3A_16 : vector<16xi32> to vector<16xi32>
    tpu.vector_store %arg6[%swap3A], %swap3A_19 {strides = array<i32>} : memref<64xi32, #tpu.memory_space<vmem>>, vector<16xi32>,
    %add3A_20 = arith.constant 16 : i32
    %add3A_21 = arith.addi %mul3A_8, %add3A_20 : i32
    %get3A_22 = arith.index_cast %shift_right_logical3A_4 : i32 to index
    %get3A_23 = arith.index_cast %add3A_21 : i32 to index
    %get3A_24 = tpu.vector_load %arg5[%get3A_22, %get3A_23] {strides = array<i32>} : memref<80x128xi32, #tpu.memory_space<vmem>>, vector<1x16xi32>,
    %get3A_25 = vector.shape_cast %get3A_24 : vector<1x16xi32> to vector<16xi32>
    %and3A_26 = arith.constant 65535 : i32
    %and3A_27 = vector.broadcast %and3A_26 : i32 to vector<16xi32>
    %and3A_28 = arith.andi %get3A_25, %and3A_27 : vector<16xi32>
    %swap3A_29 = arith.constant 16 : index
    %swap3A_30 = tpu.vector_load %arg6[%swap3A_29] {strides = array<i32>} : memref<64xi32, #tpu.memory_space<vmem>>, vector<16xi32>,
    %swap3A_31 = vector.shape_cast %swap3A_30 : vector<16xi32> to vector<16xi32>
    %swap3A_32 = vector.shape_cast %and3A_28 : vector<16xi32> to vector<16xi32>
    tpu.vector_store %arg6[%swap3A_29], %swap3A_32 {strides = array<i32>} : memref<64xi32, #tpu.memory_space<vmem>>, vector<16xi32>,
    %add3A_33 = arith.constant 32 : i32
    %add3A_34 = arith.addi %mul3A_8, %add3A_33 : i32
    %get3A_35 = arith.index_cast %shift_right_logical3A_4 : i32 to index
    %get3A_36 = arith.index_cast %add3A_34 : i32 to index
    %get3A_37 = tpu.vector_load %arg5[%get3A_35, %get3A_36] {strides = array<i32>} : memref<80x128xi32, #tpu.memory_space<vmem>>, vector<1x16xi32>,
    %get3A_38 = vector.shape_cast %get3A_37 : vector<1x16xi32> to vector<16xi32>
    %and3A_39 = arith.constant 65535 : i32
    %and3A_40 = vector.broadcast %and3A_39 : i32 to vector<16xi32>
    %and3A_41 = arith.andi %get3A_38, %and3A_40 : vector<16xi32>
    %swap3A_42 = arith.constant 32 : index
    %swap3A_43 = tpu.vector_load %arg6[%swap3A_42] {strides = array<i32>} : memref<64xi32, #tpu.memory_space<vmem>>, vector<16xi32>,
    %swap3A_44 = vector.shape_cast %swap3A_43 : vector<16xi32> to vector<16xi32>
    %swap3A_45 = vector.shape_cast %and3A_41 : vector<16xi32> to vector<16xi32>
    tpu.vector_store %arg6[%swap3A_42], %swap3A_45 {strides = array<i32>} : memref<64xi32, #tpu.memory_space<vmem>>, vector<16xi32>,
    %add3A_46 = arith.constant 48 : i32
    %add3A_47 = arith.addi %mul3A_8, %add3A_46 : i32
    %get3A_48 = arith.index_cast %shift_right_logical3A_4 : i32 to index
    %get3A_49 = arith.index_cast %add3A_47 : i32 to index
    %get3A_50 = tpu.vector_load %arg5[%get3A_48, %get3A_49] {strides = array<i32>} : memref<80x128xi32, #tpu.memory_space<vmem>>, vector<1x16xi32>,
    %get3A_51 = vector.shape_cast %get3A_50 : vector<1x16xi32> to vector<16xi32>
    %and3A_52 = arith.constant 65535 : i32
    %and3A_53 = vector.broadcast %and3A_52 : i32 to vector<16xi32>
    %and3A_54 = arith.andi %get3A_51, %and3A_53 : vector<16xi32>
    %swap3A_55 = arith.constant 48 : index
    %swap3A_56 = tpu.vector_load %arg6[%swap3A_55] {strides = array<i32>} : memref<64xi32, #tpu.memory_space<vmem>>, vector<16xi32>,
    %swap3A_57 = vector.shape_cast %swap3A_56 : vector<16xi32> to vector<16xi32>
    %swap3A_58 = vector.shape_cast %and3A_54 : vector<16xi32> to vector<16xi32>
    tpu.vector_store %arg6[%swap3A_55], %swap3A_58 {strides = array<i32>} : memref<64xi32, #tpu.memory_space<vmem>>, vector<16xi32>,
    %dma_start3A = arith.constant 0 : i32
    %dma_start3A_59 = arith.constant 0 : i32
    %dma_start3A_60 = tpu.memref_slice %arg2[%dma_start3A, %dma_start3A_59] : memref<10240x128xf32, #tpu.memory_space<hbm>> -> memref<10240x128xf32, #tpu.memory_space<hbm>>
    tpu.enqueue_indirect_dma source(%dma_start3A_60 : memref<10240x128xf32, #tpu.memory_space<hbm>>) target(%arg10 : memref<64x128xf32, #tpu.memory_space<vmem>>) offsets(%arg6 : memref<64xi32, #tpu.memory_space<vmem>>) semaphore(%arg14 : memref<!tpu.dma_semaphore, #tpu.memory_space<semaphore_mem>>)
    %shift_right_logical3A_61 = arith.constant 1 : i32
    %shift_right_logical3A_62 = arith.constant 1 : i32
    %shift_right_logical3A_63 = arith.shrui %shift_right_logical3A_61, %shift_right_logical3A_62 : i32
    %and3A_64 = arith.constant 1 : i32
    %and3A_65 = arith.constant 1 : i32
    %and3A_66 = arith.andi %and3A_64, %and3A_65 : i32
    %mul3A_67 = arith.constant 64 : i32
    %mul3A_68 = arith.muli %and3A_66, %mul3A_67 : i32
    %add3A_69 = arith.constant 0 : i32
    %add3A_70 = arith.addi %mul3A_68, %add3A_69 : i32
    %get3A_71 = arith.index_cast %shift_right_logical3A_63 : i32 to index
    %get3A_72 = arith.index_cast %add3A_70 : i32 to index
    %get3A_73 = tpu.vector_load %arg5[%get3A_71, %get3A_72] {strides = array<i32>} : memref<80x128xi32, #tpu.memory_space<vmem>>, vector<1x16xi32>,
    %get3A_74 = vector.shape_cast %get3A_73 : vector<1x16xi32> to vector<16xi32>
    %and3A_75 = arith.constant 65535 : i32
    %and3A_76 = vector.broadcast %and3A_75 : i32 to vector<16xi32>
    %and3A_77 = arith.andi %get3A_74, %and3A_76 : vector<16xi32>
    %swap3A_78 = arith.constant 0 : index
    %swap3A_79 = tpu.vector_load %arg7[%swap3A_78] {strides = array<i32>} : memref<64xi32, #tpu.memory_space<vmem>>, vector<16xi32>,
    %swap3A_80 = vector.shape_cast %swap3A_79 : vector<16xi32> to vector<16xi32>
    %swap3A_81 = vector.shape_cast %and3A_77 : vector<16xi32> to vector<16xi32>
    tpu.vector_store %arg7[%swap3A_78], %swap3A_81 {strides = array<i32>} : memref<64xi32, #tpu.memory_space<vmem>>, vector<16xi32>,
    %add3A_82 = arith.constant 16 : i32
    %add3A_83 = arith.addi %mul3A_68, %add3A_82 : i32
    %get3A_84 = arith.index_cast %shift_right_logical3A_63 : i32 to index
    %get3A_85 = arith.index_cast %add3A_83 : i32 to index
    %get3A_86 = tpu.vector_load %arg5[%get3A_84, %get3A_85] {strides = array<i32>} : memref<80x128xi32, #tpu.memory_space<vmem>>, vector<1x16xi32>,
    %get3A_87 = vector.shape_cast %get3A_86 : vector<1x16xi32> to vector<16xi32>
    %and3A_88 = arith.constant 65535 : i32
    %and3A_89 = vector.broadcast %and3A_88 : i32 to vector<16xi32>
    %and3A_90 = arith.andi %get3A_87, %and3A_89 : vector<16xi32>
    %swap3A_91 = arith.constant 16 : index
    %swap3A_92 = tpu.vector_load %arg7[%swap3A_91] {strides = array<i32>} : memref<64xi32, #tpu.memory_space<vmem>>, vector<16xi32>,
    %swap3A_93 = vector.shape_cast %swap3A_92 : vector<16xi32> to vector<16xi32>
    %swap3A_94 = vector.shape_cast %and3A_90 : vector<16xi32> to vector<16xi32>
    tpu.vector_store %arg7[%swap3A_91], %swap3A_94 {strides = array<i32>} : memref<64xi32, #tpu.memory_space<vmem>>, vector<16xi32>,
    %add3A_95 = arith.constant 32 : i32
    %add3A_96 = arith.addi %mul3A_68, %add3A_95 : i32
    %get3A_97 = arith.index_cast %shift_right_logical3A_63 : i32 to index
    %get3A_98 = arith.index_cast %add3A_96 : i32 to index
    %get3A_99 = tpu.vector_load %arg5[%get3A_97, %get3A_98] {strides = array<i32>} : memref<80x128xi32, #tpu.memory_space<vmem>>, vector<1x16xi32>,
    %get3A_100 = vector.shape_cast %get3A_99 : vector<1x16xi32> to vector<16xi32>
    %and3A_101 = arith.constant 65535 : i32
    %and3A_102 = vector.broadcast %and3A_101 : i32 to vector<16xi32>
    %and3A_103 = arith.andi %get3A_100, %and3A_102 : vector<16xi32>
    %swap3A_104 = arith.constant 32 : index
    %swap3A_105 = tpu.vector_load %arg7[%swap3A_104] {strides = array<i32>} : memref<64xi32, #tpu.memory_space<vmem>>, vector<16xi32>,
    %swap3A_106 = vector.shape_cast %swap3A_105 : vector<16xi32> to vector<16xi32>
    %swap3A_107 = vector.shape_cast %and3A_103 : vector<16xi32> to vector<16xi32>
    tpu.vector_store %arg7[%swap3A_104], %swap3A_107 {strides = array<i32>} : memref<64xi32, #tpu.memory_space<vmem>>, vector<16xi32>,
    %add3A_108 = arith.constant 48 : i32
    %add3A_109 = arith.addi %mul3A_68, %add3A_108 : i32
    %get3A_110 = arith.index_cast %shift_right_logical3A_63 : i32 to index
    %get3A_111 = arith.index_cast %add3A_109 : i32 to index
    %get3A_112 = tpu.vector_load %arg5[%get3A_110, %get3A_111] {strides = array<i32>} : memref<80x128xi32, #tpu.memory_space<vmem>>, vector<1x16xi32>,
    %get3A_113 = vector.shape_cast %get3A_112 : vector<1x16xi32> to vector<16xi32>
    %and3A_114 = arith.constant 65535 : i32
    %and3A_115 = vector.broadcast %and3A_114 : i32 to vector<16xi32>
    %and3A_116 = arith.andi %get3A_113, %and3A_115 : vector<16xi32>
    %swap3A_117 = arith.constant 48 : index
    %swap3A_118 = tpu.vector_load %arg7[%swap3A_117] {strides = array<i32>} : memref<64xi32, #tpu.memory_space<vmem>>, vector<16xi32>,
    %swap3A_119 = vector.shape_cast %swap3A_118 : vector<16xi32> to vector<16xi32>
    %swap3A_120 = vector.shape_cast %and3A_116 : vector<16xi32> to vector<16xi32>
    tpu.vector_store %arg7[%swap3A_117], %swap3A_120 {strides = array<i32>} : memref<64xi32, #tpu.memory_space<vmem>>, vector<16xi32>,
    %dma_start3A_121 = arith.constant 0 : i32
    %dma_start3A_122 = arith.constant 0 : i32
    %dma_start3A_123 = tpu.memref_slice %arg2[%dma_start3A_121, %dma_start3A_122] : memref<10240x128xf32, #tpu.memory_space<hbm>> -> memref<10240x128xf32, #tpu.memory_space<hbm>>
    tpu.enqueue_indirect_dma source(%dma_start3A_123 : memref<10240x128xf32, #tpu.memory_space<hbm>>) target(%arg11 : memref<64x128xf32, #tpu.memory_space<vmem>>) offsets(%arg7 : memref<64xi32, #tpu.memory_space<vmem>>) semaphore(%arg15 : memref<!tpu.dma_semaphore, #tpu.memory_space<semaphore_mem>>)
    %shift_right_logical3A_124 = arith.constant 2 : i32
    %shift_right_logical3A_125 = arith.constant 1 : i32
    %shift_right_logical3A_126 = arith.shrui %shift_right_logical3A_124, %shift_right_logical3A_125 : i32
    %and3A_127 = arith.constant 2 : i32
    %and3A_128 = arith.constant 1 : i32
    %and3A_129 = arith.andi %and3A_127, %and3A_128 : i32
    %mul3A_130 = arith.constant 64 : i32
    %mul3A_131 = arith.muli %and3A_129, %mul3A_130 : i32
    %add3A_132 = arith.constant 0 : i32
    %add3A_133 = arith.addi %mul3A_131, %add3A_132 : i32
    %get3A_134 = arith.index_cast %shift_right_logical3A_126 : i32 to index
    %get3A_135 = arith.index_cast %add3A_133 : i32 to index
    %get3A_136 = tpu.vector_load %arg5[%get3A_134, %get3A_135] {strides = array<i32>} : memref<80x128xi32, #tpu.memory_space<vmem>>, vector<1x16xi32>,
    %get3A_137 = vector.shape_cast %get3A_136 : vector<1x16xi32> to vector<16xi32>
    %and3A_138 = arith.constant 65535 : i32
    %and3A_139 = vector.broadcast %and3A_138 : i32 to vector<16xi32>
    %and3A_140 = arith.andi %get3A_137, %and3A_139 : vector<16xi32>
    %swap3A_141 = arith.constant 0 : index
    %swap3A_142 = tpu.vector_load %arg8[%swap3A_141] {strides = array<i32>} : memref<64xi32, #tpu.memory_space<vmem>>, vector<16xi32>,
    %swap3A_143 = vector.shape_cast %swap3A_142 : vector<16xi32> to vector<16xi32>
    %swap3A_144 = vector.shape_cast %and3A_140 : vector<16xi32> to vector<16xi32>
    tpu.vector_store %arg8[%swap3A_141], %swap3A_144 {strides = array<i32>} : memref<64xi32, #tpu.memory_space<vmem>>, vector<16xi32>,
    %add3A_145 = arith.constant 16 : i32
    %add3A_146 = arith.addi %mul3A_131, %add3A_145 : i32
    %get3A_147 = arith.index_cast %shift_right_logical3A_126 : i32 to index
    %get3A_148 = arith.index_cast %add3A_146 : i32 to index
    %get3A_149 = tpu.vector_load %arg5[%get3A_147, %get3A_148] {strides = array<i32>} : memref<80x128xi32, #tpu.memory_space<vmem>>, vector<1x16xi32>,
    %get3A_150 = vector.shape_cast %get3A_149 : vector<1x16xi32> to vector<16xi32>
    %and3A_151 = arith.constant 65535 : i32
    %and3A_152 = vector.broadcast %and3A_151 : i32 to vector<16xi32>
    %and3A_153 = arith.andi %get3A_150, %and3A_152 : vector<16xi32>
    %swap3A_154 = arith.constant 16 : index
    %swap3A_155 = tpu.vector_load %arg8[%swap3A_154] {strides = array<i32>} : memref<64xi32, #tpu.memory_space<vmem>>, vector<16xi32>,
    %swap3A_156 = vector.shape_cast %swap3A_155 : vector<16xi32> to vector<16xi32>
    %swap3A_157 = vector.shape_cast %and3A_153 : vector<16xi32> to vector<16xi32>
    tpu.vector_store %arg8[%swap3A_154], %swap3A_157 {strides = array<i32>} : memref<64xi32, #tpu.memory_space<vmem>>, vector<16xi32>,
    %add3A_158 = arith.constant 32 : i32
    %add3A_159 = arith.addi %mul3A_131, %add3A_158 : i32
    %get3A_160 = arith.index_cast %shift_right_logical3A_126 : i32 to index
    %get3A_161 = arith.index_cast %add3A_159 : i32 to index
    %get3A_162 = tpu.vector_load %arg5[%get3A_160, %get3A_161] {strides = array<i32>} : memref<80x128xi32, #tpu.memory_space<vmem>>, vector<1x16xi32>,
    %get3A_163 = vector.shape_cast %get3A_162 : vector<1x16xi32> to vector<16xi32>
    %and3A_164 = arith.constant 65535 : i32
    %and3A_165 = vector.broadcast %and3A_164 : i32 to vector<16xi32>
    %and3A_166 = arith.andi %get3A_163, %and3A_165 : vector<16xi32>
    %swap3A_167 = arith.constant 32 : index
    %swap3A_168 = tpu.vector_load %arg8[%swap3A_167] {strides = array<i32>} : memref<64xi32, #tpu.memory_space<vmem>>, vector<16xi32>,
    %swap3A_169 = vector.shape_cast %swap3A_168 : vector<16xi32> to vector<16xi32>
    %swap3A_170 = vector.shape_cast %and3A_166 : vector<16xi32> to vector<16xi32>
    tpu.vector_store %arg8[%swap3A_167], %swap3A_170 {strides = array<i32>} : memref<64xi32, #tpu.memory_space<vmem>>, vector<16xi32>,
    %add3A_171 = arith.constant 48 : i32
    %add3A_172 = arith.addi %mul3A_131, %add3A_171 : i32
    %get3A_173 = arith.index_cast %shift_right_logical3A_126 : i32 to index
    %get3A_174 = arith.index_cast %add3A_172 : i32 to index
    %get3A_175 = tpu.vector_load %arg5[%get3A_173, %get3A_174] {strides = array<i32>} : memref<80x128xi32, #tpu.memory_space<vmem>>, vector<1x16xi32>,
    %get3A_176 = vector.shape_cast %get3A_175 : vector<1x16xi32> to vector<16xi32>
    %and3A_177 = arith.constant 65535 : i32
    %and3A_178 = vector.broadcast %and3A_177 : i32 to vector<16xi32>
    %and3A_179 = arith.andi %get3A_176, %and3A_178 : vector<16xi32>
    %swap3A_180 = arith.constant 48 : index
    %swap3A_181 = tpu.vector_load %arg8[%swap3A_180] {strides = array<i32>} : memref<64xi32, #tpu.memory_space<vmem>>, vector<16xi32>,
    %swap3A_182 = vector.shape_cast %swap3A_181 : vector<16xi32> to vector<16xi32>
    %swap3A_183 = vector.shape_cast %and3A_179 : vector<16xi32> to vector<16xi32>
    tpu.vector_store %arg8[%swap3A_180], %swap3A_183 {strides = array<i32>} : memref<64xi32, #tpu.memory_space<vmem>>, vector<16xi32>,
    %dma_start3A_184 = arith.constant 0 : i32
    %dma_start3A_185 = arith.constant 0 : i32
    %dma_start3A_186 = tpu.memref_slice %arg2[%dma_start3A_184, %dma_start3A_185] : memref<10240x128xf32, #tpu.memory_space<hbm>> -> memref<10240x128xf32, #tpu.memory_space<hbm>>
    tpu.enqueue_indirect_dma source(%dma_start3A_186 : memref<10240x128xf32, #tpu.memory_space<hbm>>) target(%arg12 : memref<64x128xf32, #tpu.memory_space<vmem>>) offsets(%arg8 : memref<64xi32, #tpu.memory_space<vmem>>) semaphore(%arg16 : memref<!tpu.dma_semaphore, #tpu.memory_space<semaphore_mem>>)
    %mul3A_187 = arith.constant 640 : i32
    %mul3A_188 = arith.muli %arg1, %mul3A_187 : i32
    %mul3A_189 = arith.constant 640 : i32
    %mul3A_190 = arith.muli %arg1, %mul3A_189 : i32
    "tpu.region"() ({
      %run_scoped3A = tpu.sem_alloc : memref<!tpu.dma_semaphore, #tpu.memory_space<semaphore_mem>>
      %dma_start3A_263 = arith.constant 0 : i32
      %dma_start3A_264 = tpu.memref_slice %arg13[%mul3A_190, %dma_start3A_263] : memref<10240x128xf32, #tpu.memory_space<vmem_shared>> -> memref<640x128xf32, #tpu.memory_space<vmem_shared>>
      %dma_start3A_265 = arith.constant 0 : i32
      %dma_start3A_266 = tpu.memref_slice %arg2[%mul3A_188, %dma_start3A_265] : memref<10240x128xf32, #tpu.memory_space<hbm>> -> memref<640x128xf32, #tpu.memory_space<hbm>>
      tpu.enqueue_dma source(%dma_start3A_266 : memref<640x128xf32, #tpu.memory_space<hbm>>) target(%dma_start3A_264 : memref<640x128xf32, #tpu.memory_space<vmem_shared>>) target_semaphore(%run_scoped3A : memref<!tpu.dma_semaphore, #tpu.memory_space<semaphore_mem>>)
      %dma_wait3A_267 = arith.constant 0 : i32
      %dma_wait3A_268 = tpu.memref_slice %arg13[%mul3A_190, %dma_wait3A_267] : memref<10240x128xf32, #tpu.memory_space<vmem_shared>> -> memref<640x128xf32, #tpu.memory_space<vmem_shared>>
      %dma_wait3A_269 = arith.constant 0 : i32
      %dma_wait3A_270 = tpu.memref_slice %arg2[%mul3A_188, %dma_wait3A_269] : memref<10240x128xf32, #tpu.memory_space<hbm>> -> memref<640x128xf32, #tpu.memory_space<hbm>>
      tpu.wait_dma2 semaphore(%run_scoped3A : memref<!tpu.dma_semaphore, #tpu.memory_space<semaphore_mem>>) src(%dma_wait3A_270 : memref<640x128xf32, #tpu.memory_space<hbm>>) dst(%dma_wait3A_268 : memref<640x128xf32, #tpu.memory_space<vmem_shared>>)
      tpu.yield
    }) : () -> ()
    %barrier3A = arith.constant 0 : index
    tpu.barrier barrier_id(%barrier3A)
    %scan3A = arith.constant 0 : i32
    %scan3A_191 = arith.constant 0 : i32
    %scan3A_192 = arith.constant 53 : i32
    %scan3A_193 = arith.addi %scan3A_191, %scan3A_192 : i32
    %scan3A_194 = arith.constant 1 : i32
    scf.for %scan3A_263 = %scan3A_191 to %scan3A_193 step %scan3A_194  : i32 {
      %mul3A_264 = arith.constant 3 : i32
      %mul3A_265 = arith.muli %mul3A_264, %scan3A_263 : i32
      %add3A_266 = arith.constant 0 : i32
      %add3A_267 = arith.addi %mul3A_265, %add3A_266 : i32
      %dma_wait3A_268 = arith.constant 0 : i32
      %dma_wait3A_269 = arith.constant 0 : i32
      %dma_wait3A_270 = tpu.memref_slice %arg2[%dma_wait3A_268, %dma_wait3A_269] : memref<10240x128xf32, #tpu.memory_space<hbm>> -> memref<10240x128xf32, #tpu.memory_space<hbm>>
      tpu.wait_indirect_dma semaphore(%arg14 : memref<!tpu.dma_semaphore, #tpu.memory_space<semaphore_mem>>) src(%dma_wait3A_270 : memref<10240x128xf32, #tpu.memory_space<hbm>>) dst(%arg10 : memref<64x128xf32, #tpu.memory_space<vmem>>)
      %shift_right_logical3A_271 = arith.constant 1 : i32
      %shift_right_logical3A_272 = arith.shrui %add3A_267, %shift_right_logical3A_271 : i32
      %and3A_273 = arith.constant 1 : i32
      %and3A_274 = arith.andi %add3A_267, %and3A_273 : i32
      %mul3A_275 = arith.constant 64 : i32
      %mul3A_276 = arith.muli %and3A_274, %mul3A_275 : i32
      %add3A_277 = arith.constant 0 : i32
      %add3A_278 = arith.addi %mul3A_276, %add3A_277 : i32
      %get3A_279 = arith.index_cast %shift_right_logical3A_272 : i32 to index
      %get3A_280 = arith.index_cast %add3A_278 : i32 to index
      %get3A_281 = tpu.vector_load %arg5[%get3A_279, %get3A_280] {strides = array<i32>} : memref<80x128xi32, #tpu.memory_space<vmem>>, vector<1x16xi32>,
      %get3A_282 = vector.shape_cast %get3A_281 : vector<1x16xi32> to vector<16xi32>
      %shift_right_logical3A_283 = arith.constant 16 : i32
      %shift_right_logical3A_284 = vector.broadcast %shift_right_logical3A_283 : i32 to vector<16xi32>
      %shift_right_logical3A_285 = arith.shrui %get3A_282, %shift_right_logical3A_284 : vector<16xi32>
      %swap3A_286 = arith.constant 0 : index
      %swap3A_287 = tpu.vector_load %arg9[%swap3A_286] {strides = array<i32>} : memref<64xi32, #tpu.memory_space<vmem>>, vector<16xi32>,
      %swap3A_288 = vector.shape_cast %swap3A_287 : vector<16xi32> to vector<16xi32>
      %swap3A_289 = vector.shape_cast %shift_right_logical3A_285 : vector<16xi32> to vector<16xi32>
      tpu.vector_store %arg9[%swap3A_286], %swap3A_289 {strides = array<i32>} : memref<64xi32, #tpu.memory_space<vmem>>, vector<16xi32>,
      %add3A_290 = arith.constant 16 : i32
      %add3A_291 = arith.addi %mul3A_276, %add3A_290 : i32
      %get3A_292 = arith.index_cast %shift_right_logical3A_272 : i32 to index
      %get3A_293 = arith.index_cast %add3A_291 : i32 to index
      %get3A_294 = tpu.vector_load %arg5[%get3A_292, %get3A_293] {strides = array<i32>} : memref<80x128xi32, #tpu.memory_space<vmem>>, vector<1x16xi32>,
      %get3A_295 = vector.shape_cast %get3A_294 : vector<1x16xi32> to vector<16xi32>
      %shift_right_logical3A_296 = arith.constant 16 : i32
      %shift_right_logical3A_297 = vector.broadcast %shift_right_logical3A_296 : i32 to vector<16xi32>
      %shift_right_logical3A_298 = arith.shrui %get3A_295, %shift_right_logical3A_297 : vector<16xi32>
      %swap3A_299 = arith.constant 16 : index
      %swap3A_300 = tpu.vector_load %arg9[%swap3A_299] {strides = array<i32>} : memref<64xi32, #tpu.memory_space<vmem>>, vector<16xi32>,
      %swap3A_301 = vector.shape_cast %swap3A_300 : vector<16xi32> to vector<16xi32>
      %swap3A_302 = vector.shape_cast %shift_right_logical3A_298 : vector<16xi32> to vector<16xi32>
      tpu.vector_store %arg9[%swap3A_299], %swap3A_302 {strides = array<i32>} : memref<64xi32, #tpu.memory_space<vmem>>, vector<16xi32>,
      %add3A_303 = arith.constant 32 : i32
      %add3A_304 = arith.addi %mul3A_276, %add3A_303 : i32
      %get3A_305 = arith.index_cast %shift_right_logical3A_272 : i32 to index
      %get3A_306 = arith.index_cast %add3A_304 : i32 to index
      %get3A_307 = tpu.vector_load %arg5[%get3A_305, %get3A_306] {strides = array<i32>} : memref<80x128xi32, #tpu.memory_space<vmem>>, vector<1x16xi32>,
      %get3A_308 = vector.shape_cast %get3A_307 : vector<1x16xi32> to vector<16xi32>
      %shift_right_logical3A_309 = arith.constant 16 : i32
      %shift_right_logical3A_310 = vector.broadcast %shift_right_logical3A_309 : i32 to vector<16xi32>
      %shift_right_logical3A_311 = arith.shrui %get3A_308, %shift_right_logical3A_310 : vector<16xi32>
      %swap3A_312 = arith.constant 32 : index
      %swap3A_313 = tpu.vector_load %arg9[%swap3A_312] {strides = array<i32>} : memref<64xi32, #tpu.memory_space<vmem>>, vector<16xi32>,
      %swap3A_314 = vector.shape_cast %swap3A_313 : vector<16xi32> to vector<16xi32>
      %swap3A_315 = vector.shape_cast %shift_right_logical3A_311 : vector<16xi32> to vector<16xi32>
      tpu.vector_store %arg9[%swap3A_312], %swap3A_315 {strides = array<i32>} : memref<64xi32, #tpu.memory_space<vmem>>, vector<16xi32>,
      %add3A_316 = arith.constant 48 : i32
      %add3A_317 = arith.addi %mul3A_276, %add3A_316 : i32
      %get3A_318 = arith.index_cast %shift_right_logical3A_272 : i32 to index
      %get3A_319 = arith.index_cast %add3A_317 : i32 to index
      %get3A_320 = tpu.vector_load %arg5[%get3A_318, %get3A_319] {strides = array<i32>} : memref<80x128xi32, #tpu.memory_space<vmem>>, vector<1x16xi32>,
      %get3A_321 = vector.shape_cast %get3A_320 : vector<1x16xi32> to vector<16xi32>
      %shift_right_logical3A_322 = arith.constant 16 : i32
      %shift_right_logical3A_323 = vector.broadcast %shift_right_logical3A_322 : i32 to vector<16xi32>
      %shift_right_logical3A_324 = arith.shrui %get3A_321, %shift_right_logical3A_323 : vector<16xi32>
      %swap3A_325 = arith.constant 48 : index
      %swap3A_326 = tpu.vector_load %arg9[%swap3A_325] {strides = array<i32>} : memref<64xi32, #tpu.memory_space<vmem>>, vector<16xi32>,
      %swap3A_327 = vector.shape_cast %swap3A_326 : vector<16xi32> to vector<16xi32>
      %swap3A_328 = vector.shape_cast %shift_right_logical3A_324 : vector<16xi32> to vector<16xi32>
      tpu.vector_store %arg9[%swap3A_325], %swap3A_328 {strides = array<i32>} : memref<64xi32, #tpu.memory_space<vmem>>, vector<16xi32>,
      "tpu.region"() ({
        %run_scoped3A = tpu.sem_alloc : memref<!tpu.dma_semaphore, #tpu.memory_space<semaphore_mem>>
        %dma_start3A_473 = arith.constant 0 : i32
        %dma_start3A_474 = arith.constant 0 : i32
        %dma_start3A_475 = tpu.memref_slice %arg13[%dma_start3A_473, %dma_start3A_474] : memref<10240x128xf32, #tpu.memory_space<vmem_shared>> -> memref<10240x128xf32, #tpu.memory_space<vmem_shared>>
        tpu.enqueue_indirect_dma source(%arg10 : memref<64x128xf32, #tpu.memory_space<vmem>>) target(%dma_start3A_475 : memref<10240x128xf32, #tpu.memory_space<vmem_shared>>) offsets(%arg9 : memref<64xi32, #tpu.memory_space<vmem>>) semaphore(%run_scoped3A : memref<!tpu.dma_semaphore, #tpu.memory_space<semaphore_mem>>) {add = true}
        %dma_wait3A_476 = arith.constant 0 : i32
        %dma_wait3A_477 = arith.constant 0 : i32
        %dma_wait3A_478 = tpu.memref_slice %arg13[%dma_wait3A_476, %dma_wait3A_477] : memref<10240x128xf32, #tpu.memory_space<vmem_shared>> -> memref<10240x128xf32, #tpu.memory_space<vmem_shared>>
        tpu.wait_indirect_dma semaphore(%run_scoped3A : memref<!tpu.dma_semaphore, #tpu.memory_space<semaphore_mem>>) src(%arg10 : memref<64x128xf32, #tpu.memory_space<vmem>>) dst(%dma_wait3A_478 : memref<10240x128xf32, #tpu.memory_space<vmem_shared>>)
        tpu.yield
      }) : () -> ()
      %add3A_329 = arith.constant 3 : i32
      %add3A_330 = arith.addi %add3A_267, %add3A_329 : i32
      %lt3A = arith.constant 160 : i32
      %lt3A_331 = arith.cmpi slt, %add3A_330, %lt3A : i32
      %convert_element_type3A = arith.extui %lt3A_331 : i1 to i32
      %cond3A = arith.constant 0 : i32
      %cond3A_332 = arith.cmpi ne, %convert_element_type3A, %cond3A : i32
      scf.if %cond3A_332 {
        %shift_right_logical3A_473 = arith.constant 1 : i32
        %shift_right_logical3A_474 = arith.shrui %add3A_330, %shift_right_logical3A_473 : i32
        %and3A_475 = arith.constant 1 : i32
        %and3A_476 = arith.andi %add3A_330, %and3A_475 : i32
        %mul3A_477 = arith.constant 64 : i32
        %mul3A_478 = arith.muli %and3A_476, %mul3A_477 : i32
        %add3A_479 = arith.constant 0 : i32
        %add3A_480 = arith.addi %mul3A_478, %add3A_479 : i32
        %get3A_481 = arith.index_cast %shift_right_logical3A_474 : i32 to index
        %get3A_482 = arith.index_cast %add3A_480 : i32 to index
        %get3A_483 = tpu.vector_load %arg5[%get3A_481, %get3A_482] {strides = array<i32>} : memref<80x128xi32, #tpu.memory_space<vmem>>, vector<1x16xi32>,
        %get3A_484 = vector.shape_cast %get3A_483 : vector<1x16xi32> to vector<16xi32>
        %and3A_485 = arith.constant 65535 : i32
        %and3A_486 = vector.broadcast %and3A_485 : i32 to vector<16xi32>
        %and3A_487 = arith.andi %get3A_484, %and3A_486 : vector<16xi32>
        %swap3A_488 = arith.constant 0 : index
        %swap3A_489 = tpu.vector_load %arg6[%swap3A_488] {strides = array<i32>} : memref<64xi32, #tpu.memory_space<vmem>>, vector<16xi32>,
        %swap3A_490 = vector.shape_cast %swap3A_489 : vector<16xi32> to vector<16xi32>
        %swap3A_491 = vector.shape_cast %and3A_487 : vector<16xi32> to vector<16xi32>
        tpu.vector_store %arg6[%swap3A_488], %swap3A_491 {strides = array<i32>} : memref<64xi32, #tpu.memory_space<vmem>>, vector<16xi32>,
        %add3A_492 = arith.constant 16 : i32
        %add3A_493 = arith.addi %mul3A_478, %add3A_492 : i32
        %get3A_494 = arith.index_cast %shift_right_logical3A_474 : i32 to index
        %get3A_495 = arith.index_cast %add3A_493 : i32 to index
        %get3A_496 = tpu.vector_load %arg5[%get3A_494, %get3A_495] {strides = array<i32>} : memref<80x128xi32, #tpu.memory_space<vmem>>, vector<1x16xi32>,
        %get3A_497 = vector.shape_cast %get3A_496 : vector<1x16xi32> to vector<16xi32>
        %and3A_498 = arith.constant 65535 : i32
        %and3A_499 = vector.broadcast %and3A_498 : i32 to vector<16xi32>
        %and3A_500 = arith.andi %get3A_497, %and3A_499 : vector<16xi32>
        %swap3A_501 = arith.constant 16 : index
        %swap3A_502 = tpu.vector_load %arg6[%swap3A_501] {strides = array<i32>} : memref<64xi32, #tpu.memory_space<vmem>>, vector<16xi32>,
        %swap3A_503 = vector.shape_cast %swap3A_502 : vector<16xi32> to vector<16xi32>
        %swap3A_504 = vector.shape_cast %and3A_500 : vector<16xi32> to vector<16xi32>
        tpu.vector_store %arg6[%swap3A_501], %swap3A_504 {strides = array<i32>} : memref<64xi32, #tpu.memory_space<vmem>>, vector<16xi32>,
        %add3A_505 = arith.constant 32 : i32
        %add3A_506 = arith.addi %mul3A_478, %add3A_505 : i32
        %get3A_507 = arith.index_cast %shift_right_logical3A_474 : i32 to index
        %get3A_508 = arith.index_cast %add3A_506 : i32 to index
        %get3A_509 = tpu.vector_load %arg5[%get3A_507, %get3A_508] {strides = array<i32>} : memref<80x128xi32, #tpu.memory_space<vmem>>, vector<1x16xi32>,
        %get3A_510 = vector.shape_cast %get3A_509 : vector<1x16xi32> to vector<16xi32>
        %and3A_511 = arith.constant 65535 : i32
        %and3A_512 = vector.broadcast %and3A_511 : i32 to vector<16xi32>
        %and3A_513 = arith.andi %get3A_510, %and3A_512 : vector<16xi32>
        %swap3A_514 = arith.constant 32 : index
        %swap3A_515 = tpu.vector_load %arg6[%swap3A_514] {strides = array<i32>} : memref<64xi32, #tpu.memory_space<vmem>>, vector<16xi32>,
        %swap3A_516 = vector.shape_cast %swap3A_515 : vector<16xi32> to vector<16xi32>
        %swap3A_517 = vector.shape_cast %and3A_513 : vector<16xi32> to vector<16xi32>
        tpu.vector_store %arg6[%swap3A_514], %swap3A_517 {strides = array<i32>} : memref<64xi32, #tpu.memory_space<vmem>>, vector<16xi32>,
        %add3A_518 = arith.constant 48 : i32
        %add3A_519 = arith.addi %mul3A_478, %add3A_518 : i32
        %get3A_520 = arith.index_cast %shift_right_logical3A_474 : i32 to index
        %get3A_521 = arith.index_cast %add3A_519 : i32 to index
        %get3A_522 = tpu.vector_load %arg5[%get3A_520, %get3A_521] {strides = array<i32>} : memref<80x128xi32, #tpu.memory_space<vmem>>, vector<1x16xi32>,
        %get3A_523 = vector.shape_cast %get3A_522 : vector<1x16xi32> to vector<16xi32>
        %and3A_524 = arith.constant 65535 : i32
        %and3A_525 = vector.broadcast %and3A_524 : i32 to vector<16xi32>
        %and3A_526 = arith.andi %get3A_523, %and3A_525 : vector<16xi32>
        %swap3A_527 = arith.constant 48 : index
        %swap3A_528 = tpu.vector_load %arg6[%swap3A_527] {strides = array<i32>} : memref<64xi32, #tpu.memory_space<vmem>>, vector<16xi32>,
        %swap3A_529 = vector.shape_cast %swap3A_528 : vector<16xi32> to vector<16xi32>
        %swap3A_530 = vector.shape_cast %and3A_526 : vector<16xi32> to vector<16xi32>
        tpu.vector_store %arg6[%swap3A_527], %swap3A_530 {strides = array<i32>} : memref<64xi32, #tpu.memory_space<vmem>>, vector<16xi32>,
        %dma_start3A_531 = arith.constant 0 : i32
        %dma_start3A_532 = arith.constant 0 : i32
        %dma_start3A_533 = tpu.memref_slice %arg2[%dma_start3A_531, %dma_start3A_532] : memref<10240x128xf32, #tpu.memory_space<hbm>> -> memref<10240x128xf32, #tpu.memory_space<hbm>>
        tpu.enqueue_indirect_dma source(%dma_start3A_533 : memref<10240x128xf32, #tpu.memory_space<hbm>>) target(%arg10 : memref<64x128xf32, #tpu.memory_space<vmem>>) offsets(%arg6 : memref<64xi32, #tpu.memory_space<vmem>>) semaphore(%arg14 : memref<!tpu.dma_semaphore, #tpu.memory_space<semaphore_mem>>)
      } else {
      }
      %add3A_333 = arith.constant 1 : i32
      %add3A_334 = arith.addi %mul3A_265, %add3A_333 : i32
      %dma_wait3A_335 = arith.constant 0 : i32
      %dma_wait3A_336 = arith.constant 0 : i32
      %dma_wait3A_337 = tpu.memref_slice %arg2[%dma_wait3A_335, %dma_wait3A_336] : memref<10240x128xf32, #tpu.memory_space<hbm>> -> memref<10240x128xf32, #tpu.memory_space<hbm>>
      tpu.wait_indirect_dma semaphore(%arg15 : memref<!tpu.dma_semaphore, #tpu.memory_space<semaphore_mem>>) src(%dma_wait3A_337 : memref<10240x128xf32, #tpu.memory_space<hbm>>) dst(%arg11 : memref<64x128xf32, #tpu.memory_space<vmem>>)
      %shift_right_logical3A_338 = arith.constant 1 : i32
      %shift_right_logical3A_339 = arith.shrui %add3A_334, %shift_right_logical3A_338 : i32
      %and3A_340 = arith.constant 1 : i32
      %and3A_341 = arith.andi %add3A_334, %and3A_340 : i32
      %mul3A_342 = arith.constant 64 : i32
      %mul3A_343 = arith.muli %and3A_341, %mul3A_342 : i32
      %add3A_344 = arith.constant 0 : i32
      %add3A_345 = arith.addi %mul3A_343, %add3A_344 : i32
      %get3A_346 = arith.index_cast %shift_right_logical3A_339 : i32 to index
      %get3A_347 = arith.index_cast %add3A_345 : i32 to index
      %get3A_348 = tpu.vector_load %arg5[%get3A_346, %get3A_347] {strides = array<i32>} : memref<80x128xi32, #tpu.memory_space<vmem>>, vector<1x16xi32>,
      %get3A_349 = vector.shape_cast %get3A_348 : vector<1x16xi32> to vector<16xi32>
      %shift_right_logical3A_350 = arith.constant 16 : i32
      %shift_right_logical3A_351 = vector.broadcast %shift_right_logical3A_350 : i32 to vector<16xi32>
      %shift_right_logical3A_352 = arith.shrui %get3A_349, %shift_right_logical3A_351 : vector<16xi32>
      %swap3A_353 = arith.constant 0 : index
      %swap3A_354 = tpu.vector_load %arg9[%swap3A_353] {strides = array<i32>} : memref<64xi32, #tpu.memory_space<vmem>>, vector<16xi32>,
      %swap3A_355 = vector.shape_cast %swap3A_354 : vector<16xi32> to vector<16xi32>
      %swap3A_356 = vector.shape_cast %shift_right_logical3A_352 : vector<16xi32> to vector<16xi32>
      tpu.vector_store %arg9[%swap3A_353], %swap3A_356 {strides = array<i32>} : memref<64xi32, #tpu.memory_space<vmem>>, vector<16xi32>,
      %add3A_357 = arith.constant 16 : i32
      %add3A_358 = arith.addi %mul3A_343, %add3A_357 : i32
      %get3A_359 = arith.index_cast %shift_right_logical3A_339 : i32 to index
      %get3A_360 = arith.index_cast %add3A_358 : i32 to index
      %get3A_361 = tpu.vector_load %arg5[%get3A_359, %get3A_360] {strides = array<i32>} : memref<80x128xi32, #tpu.memory_space<vmem>>, vector<1x16xi32>,
      %get3A_362 = vector.shape_cast %get3A_361 : vector<1x16xi32> to vector<16xi32>
      %shift_right_logical3A_363 = arith.constant 16 : i32
      %shift_right_logical3A_364 = vector.broadcast %shift_right_logical3A_363 : i32 to vector<16xi32>
      %shift_right_logical3A_365 = arith.shrui %get3A_362, %shift_right_logical3A_364 : vector<16xi32>
      %swap3A_366 = arith.constant 16 : index
      %swap3A_367 = tpu.vector_load %arg9[%swap3A_366] {strides = array<i32>} : memref<64xi32, #tpu.memory_space<vmem>>, vector<16xi32>,
      %swap3A_368 = vector.shape_cast %swap3A_367 : vector<16xi32> to vector<16xi32>
      %swap3A_369 = vector.shape_cast %shift_right_logical3A_365 : vector<16xi32> to vector<16xi32>
      tpu.vector_store %arg9[%swap3A_366], %swap3A_369 {strides = array<i32>} : memref<64xi32, #tpu.memory_space<vmem>>, vector<16xi32>,
      %add3A_370 = arith.constant 32 : i32
      %add3A_371 = arith.addi %mul3A_343, %add3A_370 : i32
      %get3A_372 = arith.index_cast %shift_right_logical3A_339 : i32 to index
      %get3A_373 = arith.index_cast %add3A_371 : i32 to index
      %get3A_374 = tpu.vector_load %arg5[%get3A_372, %get3A_373] {strides = array<i32>} : memref<80x128xi32, #tpu.memory_space<vmem>>, vector<1x16xi32>,
      %get3A_375 = vector.shape_cast %get3A_374 : vector<1x16xi32> to vector<16xi32>
      %shift_right_logical3A_376 = arith.constant 16 : i32
      %shift_right_logical3A_377 = vector.broadcast %shift_right_logical3A_376 : i32 to vector<16xi32>
      %shift_right_logical3A_378 = arith.shrui %get3A_375, %shift_right_logical3A_377 : vector<16xi32>
      %swap3A_379 = arith.constant 32 : index
      %swap3A_380 = tpu.vector_load %arg9[%swap3A_379] {strides = array<i32>} : memref<64xi32, #tpu.memory_space<vmem>>, vector<16xi32>,
      %swap3A_381 = vector.shape_cast %swap3A_380 : vector<16xi32> to vector<16xi32>
      %swap3A_382 = vector.shape_cast %shift_right_logical3A_378 : vector<16xi32> to vector<16xi32>
      tpu.vector_store %arg9[%swap3A_379], %swap3A_382 {strides = array<i32>} : memref<64xi32, #tpu.memory_space<vmem>>, vector<16xi32>,
      %add3A_383 = arith.constant 48 : i32
      %add3A_384 = arith.addi %mul3A_343, %add3A_383 : i32
      %get3A_385 = arith.index_cast %shift_right_logical3A_339 : i32 to index
      %get3A_386 = arith.index_cast %add3A_384 : i32 to index
      %get3A_387 = tpu.vector_load %arg5[%get3A_385, %get3A_386] {strides = array<i32>} : memref<80x128xi32, #tpu.memory_space<vmem>>, vector<1x16xi32>,
      %get3A_388 = vector.shape_cast %get3A_387 : vector<1x16xi32> to vector<16xi32>
      %shift_right_logical3A_389 = arith.constant 16 : i32
      %shift_right_logical3A_390 = vector.broadcast %shift_right_logical3A_389 : i32 to vector<16xi32>
      %shift_right_logical3A_391 = arith.shrui %get3A_388, %shift_right_logical3A_390 : vector<16xi32>
      %swap3A_392 = arith.constant 48 : index
      %swap3A_393 = tpu.vector_load %arg9[%swap3A_392] {strides = array<i32>} : memref<64xi32, #tpu.memory_space<vmem>>, vector<16xi32>,
      %swap3A_394 = vector.shape_cast %swap3A_393 : vector<16xi32> to vector<16xi32>
      %swap3A_395 = vector.shape_cast %shift_right_logical3A_391 : vector<16xi32> to vector<16xi32>
      tpu.vector_store %arg9[%swap3A_392], %swap3A_395 {strides = array<i32>} : memref<64xi32, #tpu.memory_space<vmem>>, vector<16xi32>,
      "tpu.region"() ({
        %run_scoped3A = tpu.sem_alloc : memref<!tpu.dma_semaphore, #tpu.memory_space<semaphore_mem>>
        %dma_start3A_473 = arith.constant 0 : i32
        %dma_start3A_474 = arith.constant 0 : i32
        %dma_start3A_475 = tpu.memref_slice %arg13[%dma_start3A_473, %dma_start3A_474] : memref<10240x128xf32, #tpu.memory_space<vmem_shared>> -> memref<10240x128xf32, #tpu.memory_space<vmem_shared>>
        tpu.enqueue_indirect_dma source(%arg11 : memref<64x128xf32, #tpu.memory_space<vmem>>) target(%dma_start3A_475 : memref<10240x128xf32, #tpu.memory_space<vmem_shared>>) offsets(%arg9 : memref<64xi32, #tpu.memory_space<vmem>>) semaphore(%run_scoped3A : memref<!tpu.dma_semaphore, #tpu.memory_space<semaphore_mem>>) {add = true}
        %dma_wait3A_476 = arith.constant 0 : i32
        %dma_wait3A_477 = arith.constant 0 : i32
        %dma_wait3A_478 = tpu.memref_slice %arg13[%dma_wait3A_476, %dma_wait3A_477] : memref<10240x128xf32, #tpu.memory_space<vmem_shared>> -> memref<10240x128xf32, #tpu.memory_space<vmem_shared>>
        tpu.wait_indirect_dma semaphore(%run_scoped3A : memref<!tpu.dma_semaphore, #tpu.memory_space<semaphore_mem>>) src(%arg11 : memref<64x128xf32, #tpu.memory_space<vmem>>) dst(%dma_wait3A_478 : memref<10240x128xf32, #tpu.memory_space<vmem_shared>>)
        tpu.yield
      }) : () -> ()
      %add3A_396 = arith.constant 3 : i32
      %add3A_397 = arith.addi %add3A_334, %add3A_396 : i32
      %lt3A_398 = arith.constant 160 : i32
      %lt3A_399 = arith.cmpi slt, %add3A_397, %lt3A_398 : i32
      %convert_element_type3A_400 = arith.extui %lt3A_399 : i1 to i32
      %cond3A_401 = arith.constant 0 : i32
      %cond3A_402 = arith.cmpi ne, %convert_element_type3A_400, %cond3A_401 : i32
      scf.if %cond3A_402 {
        %shift_right_logical3A_473 = arith.constant 1 : i32
        %shift_right_logical3A_474 = arith.shrui %add3A_397, %shift_right_logical3A_473 : i32
        %and3A_475 = arith.constant 1 : i32
        %and3A_476 = arith.andi %add3A_397, %and3A_475 : i32
        %mul3A_477 = arith.constant 64 : i32
        %mul3A_478 = arith.muli %and3A_476, %mul3A_477 : i32
        %add3A_479 = arith.constant 0 : i32
        %add3A_480 = arith.addi %mul3A_478, %add3A_479 : i32
        %get3A_481 = arith.index_cast %shift_right_logical3A_474 : i32 to index
        %get3A_482 = arith.index_cast %add3A_480 : i32 to index
        %get3A_483 = tpu.vector_load %arg5[%get3A_481, %get3A_482] {strides = array<i32>} : memref<80x128xi32, #tpu.memory_space<vmem>>, vector<1x16xi32>,
        %get3A_484 = vector.shape_cast %get3A_483 : vector<1x16xi32> to vector<16xi32>
        %and3A_485 = arith.constant 65535 : i32
        %and3A_486 = vector.broadcast %and3A_485 : i32 to vector<16xi32>
        %and3A_487 = arith.andi %get3A_484, %and3A_486 : vector<16xi32>
        %swap3A_488 = arith.constant 0 : index
        %swap3A_489 = tpu.vector_load %arg7[%swap3A_488] {strides = array<i32>} : memref<64xi32, #tpu.memory_space<vmem>>, vector<16xi32>,
        %swap3A_490 = vector.shape_cast %swap3A_489 : vector<16xi32> to vector<16xi32>
        %swap3A_491 = vector.shape_cast %and3A_487 : vector<16xi32> to vector<16xi32>
        tpu.vector_store %arg7[%swap3A_488], %swap3A_491 {strides = array<i32>} : memref<64xi32, #tpu.memory_space<vmem>>, vector<16xi32>,
        %add3A_492 = arith.constant 16 : i32
        %add3A_493 = arith.addi %mul3A_478, %add3A_492 : i32
        %get3A_494 = arith.index_cast %shift_right_logical3A_474 : i32 to index
        %get3A_495 = arith.index_cast %add3A_493 : i32 to index
        %get3A_496 = tpu.vector_load %arg5[%get3A_494, %get3A_495] {strides = array<i32>} : memref<80x128xi32, #tpu.memory_space<vmem>>, vector<1x16xi32>,
        %get3A_497 = vector.shape_cast %get3A_496 : vector<1x16xi32> to vector<16xi32>
        %and3A_498 = arith.constant 65535 : i32
        %and3A_499 = vector.broadcast %and3A_498 : i32 to vector<16xi32>
        %and3A_500 = arith.andi %get3A_497, %and3A_499 : vector<16xi32>
        %swap3A_501 = arith.constant 16 : index
        %swap3A_502 = tpu.vector_load %arg7[%swap3A_501] {strides = array<i32>} : memref<64xi32, #tpu.memory_space<vmem>>, vector<16xi32>,
        %swap3A_503 = vector.shape_cast %swap3A_502 : vector<16xi32> to vector<16xi32>
        %swap3A_504 = vector.shape_cast %and3A_500 : vector<16xi32> to vector<16xi32>
        tpu.vector_store %arg7[%swap3A_501], %swap3A_504 {strides = array<i32>} : memref<64xi32, #tpu.memory_space<vmem>>, vector<16xi32>,
        %add3A_505 = arith.constant 32 : i32
        %add3A_506 = arith.addi %mul3A_478, %add3A_505 : i32
        %get3A_507 = arith.index_cast %shift_right_logical3A_474 : i32 to index
        %get3A_508 = arith.index_cast %add3A_506 : i32 to index
        %get3A_509 = tpu.vector_load %arg5[%get3A_507, %get3A_508] {strides = array<i32>} : memref<80x128xi32, #tpu.memory_space<vmem>>, vector<1x16xi32>,
        %get3A_510 = vector.shape_cast %get3A_509 : vector<1x16xi32> to vector<16xi32>
        %and3A_511 = arith.constant 65535 : i32
        %and3A_512 = vector.broadcast %and3A_511 : i32 to vector<16xi32>
        %and3A_513 = arith.andi %get3A_510, %and3A_512 : vector<16xi32>
        %swap3A_514 = arith.constant 32 : index
        %swap3A_515 = tpu.vector_load %arg7[%swap3A_514] {strides = array<i32>} : memref<64xi32, #tpu.memory_space<vmem>>, vector<16xi32>,
        %swap3A_516 = vector.shape_cast %swap3A_515 : vector<16xi32> to vector<16xi32>
        %swap3A_517 = vector.shape_cast %and3A_513 : vector<16xi32> to vector<16xi32>
        tpu.vector_store %arg7[%swap3A_514], %swap3A_517 {strides = array<i32>} : memref<64xi32, #tpu.memory_space<vmem>>, vector<16xi32>,
        %add3A_518 = arith.constant 48 : i32
        %add3A_519 = arith.addi %mul3A_478, %add3A_518 : i32
        %get3A_520 = arith.index_cast %shift_right_logical3A_474 : i32 to index
        %get3A_521 = arith.index_cast %add3A_519 : i32 to index
        %get3A_522 = tpu.vector_load %arg5[%get3A_520, %get3A_521] {strides = array<i32>} : memref<80x128xi32, #tpu.memory_space<vmem>>, vector<1x16xi32>,
        %get3A_523 = vector.shape_cast %get3A_522 : vector<1x16xi32> to vector<16xi32>
        %and3A_524 = arith.constant 65535 : i32
        %and3A_525 = vector.broadcast %and3A_524 : i32 to vector<16xi32>
        %and3A_526 = arith.andi %get3A_523, %and3A_525 : vector<16xi32>
        %swap3A_527 = arith.constant 48 : index
        %swap3A_528 = tpu.vector_load %arg7[%swap3A_527] {strides = array<i32>} : memref<64xi32, #tpu.memory_space<vmem>>, vector<16xi32>,
        %swap3A_529 = vector.shape_cast %swap3A_528 : vector<16xi32> to vector<16xi32>
        %swap3A_530 = vector.shape_cast %and3A_526 : vector<16xi32> to vector<16xi32>
        tpu.vector_store %arg7[%swap3A_527], %swap3A_530 {strides = array<i32>} : memref<64xi32, #tpu.memory_space<vmem>>, vector<16xi32>,
        %dma_start3A_531 = arith.constant 0 : i32
        %dma_start3A_532 = arith.constant 0 : i32
        %dma_start3A_533 = tpu.memref_slice %arg2[%dma_start3A_531, %dma_start3A_532] : memref<10240x128xf32, #tpu.memory_space<hbm>> -> memref<10240x128xf32, #tpu.memory_space<hbm>>
        tpu.enqueue_indirect_dma source(%dma_start3A_533 : memref<10240x128xf32, #tpu.memory_space<hbm>>) target(%arg11 : memref<64x128xf32, #tpu.memory_space<vmem>>) offsets(%arg7 : memref<64xi32, #tpu.memory_space<vmem>>) semaphore(%arg15 : memref<!tpu.dma_semaphore, #tpu.memory_space<semaphore_mem>>)
      } else {
      }
      %add3A_403 = arith.constant 2 : i32
      %add3A_404 = arith.addi %mul3A_265, %add3A_403 : i32
      %dma_wait3A_405 = arith.constant 0 : i32
      %dma_wait3A_406 = arith.constant 0 : i32
      %dma_wait3A_407 = tpu.memref_slice %arg2[%dma_wait3A_405, %dma_wait3A_406] : memref<10240x128xf32, #tpu.memory_space<hbm>> -> memref<10240x128xf32, #tpu.memory_space<hbm>>
      tpu.wait_indirect_dma semaphore(%arg16 : memref<!tpu.dma_semaphore, #tpu.memory_space<semaphore_mem>>) src(%dma_wait3A_407 : memref<10240x128xf32, #tpu.memory_space<hbm>>) dst(%arg12 : memref<64x128xf32, #tpu.memory_space<vmem>>)
      %shift_right_logical3A_408 = arith.constant 1 : i32
      %shift_right_logical3A_409 = arith.shrui %add3A_404, %shift_right_logical3A_408 : i32
      %and3A_410 = arith.constant 1 : i32
      %and3A_411 = arith.andi %add3A_404, %and3A_410 : i32
      %mul3A_412 = arith.constant 64 : i32
      %mul3A_413 = arith.muli %and3A_411, %mul3A_412 : i32
      %add3A_414 = arith.constant 0 : i32
      %add3A_415 = arith.addi %mul3A_413, %add3A_414 : i32
      %get3A_416 = arith.index_cast %shift_right_logical3A_409 : i32 to index
      %get3A_417 = arith.index_cast %add3A_415 : i32 to index
      %get3A_418 = tpu.vector_load %arg5[%get3A_416, %get3A_417] {strides = array<i32>} : memref<80x128xi32, #tpu.memory_space<vmem>>, vector<1x16xi32>,
      %get3A_419 = vector.shape_cast %get3A_418 : vector<1x16xi32> to vector<16xi32>
      %shift_right_logical3A_420 = arith.constant 16 : i32
      %shift_right_logical3A_421 = vector.broadcast %shift_right_logical3A_420 : i32 to vector<16xi32>
      %shift_right_logical3A_422 = arith.shrui %get3A_419, %shift_right_logical3A_421 : vector<16xi32>
      %swap3A_423 = arith.constant 0 : index
      %swap3A_424 = tpu.vector_load %arg9[%swap3A_423] {strides = array<i32>} : memref<64xi32, #tpu.memory_space<vmem>>, vector<16xi32>,
      %swap3A_425 = vector.shape_cast %swap3A_424 : vector<16xi32> to vector<16xi32>
      %swap3A_426 = vector.shape_cast %shift_right_logical3A_422 : vector<16xi32> to vector<16xi32>
      tpu.vector_store %arg9[%swap3A_423], %swap3A_426 {strides = array<i32>} : memref<64xi32, #tpu.memory_space<vmem>>, vector<16xi32>,
      %add3A_427 = arith.constant 16 : i32
      %add3A_428 = arith.addi %mul3A_413, %add3A_427 : i32
      %get3A_429 = arith.index_cast %shift_right_logical3A_409 : i32 to index
      %get3A_430 = arith.index_cast %add3A_428 : i32 to index
      %get3A_431 = tpu.vector_load %arg5[%get3A_429, %get3A_430] {strides = array<i32>} : memref<80x128xi32, #tpu.memory_space<vmem>>, vector<1x16xi32>,
      %get3A_432 = vector.shape_cast %get3A_431 : vector<1x16xi32> to vector<16xi32>
      %shift_right_logical3A_433 = arith.constant 16 : i32
      %shift_right_logical3A_434 = vector.broadcast %shift_right_logical3A_433 : i32 to vector<16xi32>
      %shift_right_logical3A_435 = arith.shrui %get3A_432, %shift_right_logical3A_434 : vector<16xi32>
      %swap3A_436 = arith.constant 16 : index
      %swap3A_437 = tpu.vector_load %arg9[%swap3A_436] {strides = array<i32>} : memref<64xi32, #tpu.memory_space<vmem>>, vector<16xi32>,
      %swap3A_438 = vector.shape_cast %swap3A_437 : vector<16xi32> to vector<16xi32>
      %swap3A_439 = vector.shape_cast %shift_right_logical3A_435 : vector<16xi32> to vector<16xi32>
      tpu.vector_store %arg9[%swap3A_436], %swap3A_439 {strides = array<i32>} : memref<64xi32, #tpu.memory_space<vmem>>, vector<16xi32>,
      %add3A_440 = arith.constant 32 : i32
      %add3A_441 = arith.addi %mul3A_413, %add3A_440 : i32
      %get3A_442 = arith.index_cast %shift_right_logical3A_409 : i32 to index
      %get3A_443 = arith.index_cast %add3A_441 : i32 to index
      %get3A_444 = tpu.vector_load %arg5[%get3A_442, %get3A_443] {strides = array<i32>} : memref<80x128xi32, #tpu.memory_space<vmem>>, vector<1x16xi32>,
      %get3A_445 = vector.shape_cast %get3A_444 : vector<1x16xi32> to vector<16xi32>
      %shift_right_logical3A_446 = arith.constant 16 : i32
      %shift_right_logical3A_447 = vector.broadcast %shift_right_logical3A_446 : i32 to vector<16xi32>
      %shift_right_logical3A_448 = arith.shrui %get3A_445, %shift_right_logical3A_447 : vector<16xi32>
      %swap3A_449 = arith.constant 32 : index
      %swap3A_450 = tpu.vector_load %arg9[%swap3A_449] {strides = array<i32>} : memref<64xi32, #tpu.memory_space<vmem>>, vector<16xi32>,
      %swap3A_451 = vector.shape_cast %swap3A_450 : vector<16xi32> to vector<16xi32>
      %swap3A_452 = vector.shape_cast %shift_right_logical3A_448 : vector<16xi32> to vector<16xi32>
      tpu.vector_store %arg9[%swap3A_449], %swap3A_452 {strides = array<i32>} : memref<64xi32, #tpu.memory_space<vmem>>, vector<16xi32>,
      %add3A_453 = arith.constant 48 : i32
      %add3A_454 = arith.addi %mul3A_413, %add3A_453 : i32
      %get3A_455 = arith.index_cast %shift_right_logical3A_409 : i32 to index
      %get3A_456 = arith.index_cast %add3A_454 : i32 to index
      %get3A_457 = tpu.vector_load %arg5[%get3A_455, %get3A_456] {strides = array<i32>} : memref<80x128xi32, #tpu.memory_space<vmem>>, vector<1x16xi32>,
      %get3A_458 = vector.shape_cast %get3A_457 : vector<1x16xi32> to vector<16xi32>
      %shift_right_logical3A_459 = arith.constant 16 : i32
      %shift_right_logical3A_460 = vector.broadcast %shift_right_logical3A_459 : i32 to vector<16xi32>
      %shift_right_logical3A_461 = arith.shrui %get3A_458, %shift_right_logical3A_460 : vector<16xi32>
      %swap3A_462 = arith.constant 48 : index
      %swap3A_463 = tpu.vector_load %arg9[%swap3A_462] {strides = array<i32>} : memref<64xi32, #tpu.memory_space<vmem>>, vector<16xi32>,
      %swap3A_464 = vector.shape_cast %swap3A_463 : vector<16xi32> to vector<16xi32>
      %swap3A_465 = vector.shape_cast %shift_right_logical3A_461 : vector<16xi32> to vector<16xi32>
      tpu.vector_store %arg9[%swap3A_462], %swap3A_465 {strides = array<i32>} : memref<64xi32, #tpu.memory_space<vmem>>, vector<16xi32>,
      "tpu.region"() ({
        %run_scoped3A = tpu.sem_alloc : memref<!tpu.dma_semaphore, #tpu.memory_space<semaphore_mem>>
        %dma_start3A_473 = arith.constant 0 : i32
        %dma_start3A_474 = arith.constant 0 : i32
        %dma_start3A_475 = tpu.memref_slice %arg13[%dma_start3A_473, %dma_start3A_474] : memref<10240x128xf32, #tpu.memory_space<vmem_shared>> -> memref<10240x128xf32, #tpu.memory_space<vmem_shared>>
        tpu.enqueue_indirect_dma source(%arg12 : memref<64x128xf32, #tpu.memory_space<vmem>>) target(%dma_start3A_475 : memref<10240x128xf32, #tpu.memory_space<vmem_shared>>) offsets(%arg9 : memref<64xi32, #tpu.memory_space<vmem>>) semaphore(%run_scoped3A : memref<!tpu.dma_semaphore, #tpu.memory_space<semaphore_mem>>) {add = true}
        %dma_wait3A_476 = arith.constant 0 : i32
        %dma_wait3A_477 = arith.constant 0 : i32
        %dma_wait3A_478 = tpu.memref_slice %arg13[%dma_wait3A_476, %dma_wait3A_477] : memref<10240x128xf32, #tpu.memory_space<vmem_shared>> -> memref<10240x128xf32, #tpu.memory_space<vmem_shared>>
        tpu.wait_indirect_dma semaphore(%run_scoped3A : memref<!tpu.dma_semaphore, #tpu.memory_space<semaphore_mem>>) src(%arg12 : memref<64x128xf32, #tpu.memory_space<vmem>>) dst(%dma_wait3A_478 : memref<10240x128xf32, #tpu.memory_space<vmem_shared>>)
        tpu.yield
      }) : () -> ()
      %add3A_466 = arith.constant 3 : i32
      %add3A_467 = arith.addi %add3A_404, %add3A_466 : i32
      %lt3A_468 = arith.constant 160 : i32
      %lt3A_469 = arith.cmpi slt, %add3A_467, %lt3A_468 : i32
      %convert_element_type3A_470 = arith.extui %lt3A_469 : i1 to i32
      %cond3A_471 = arith.constant 0 : i32
      %cond3A_472 = arith.cmpi ne, %convert_element_type3A_470, %cond3A_471 : i32
      scf.if %cond3A_472 {
        %shift_right_logical3A_473 = arith.constant 1 : i32
        %shift_right_logical3A_474 = arith.shrui %add3A_467, %shift_right_logical3A_473 : i32
        %and3A_475 = arith.constant 1 : i32
        %and3A_476 = arith.andi %add3A_467, %and3A_475 : i32
        %mul3A_477 = arith.constant 64 : i32
        %mul3A_478 = arith.muli %and3A_476, %mul3A_477 : i32
        %add3A_479 = arith.constant 0 : i32
        %add3A_480 = arith.addi %mul3A_478, %add3A_479 : i32
        %get3A_481 = arith.index_cast %shift_right_logical3A_474 : i32 to index
        %get3A_482 = arith.index_cast %add3A_480 : i32 to index
        %get3A_483 = tpu.vector_load %arg5[%get3A_481, %get3A_482] {strides = array<i32>} : memref<80x128xi32, #tpu.memory_space<vmem>>, vector<1x16xi32>,
        %get3A_484 = vector.shape_cast %get3A_483 : vector<1x16xi32> to vector<16xi32>
        %and3A_485 = arith.constant 65535 : i32
        %and3A_486 = vector.broadcast %and3A_485 : i32 to vector<16xi32>
        %and3A_487 = arith.andi %get3A_484, %and3A_486 : vector<16xi32>
        %swap3A_488 = arith.constant 0 : index
        %swap3A_489 = tpu.vector_load %arg8[%swap3A_488] {strides = array<i32>} : memref<64xi32, #tpu.memory_space<vmem>>, vector<16xi32>,
        %swap3A_490 = vector.shape_cast %swap3A_489 : vector<16xi32> to vector<16xi32>
        %swap3A_491 = vector.shape_cast %and3A_487 : vector<16xi32> to vector<16xi32>
        tpu.vector_store %arg8[%swap3A_488], %swap3A_491 {strides = array<i32>} : memref<64xi32, #tpu.memory_space<vmem>>, vector<16xi32>,
        %add3A_492 = arith.constant 16 : i32
        %add3A_493 = arith.addi %mul3A_478, %add3A_492 : i32
        %get3A_494 = arith.index_cast %shift_right_logical3A_474 : i32 to index
        %get3A_495 = arith.index_cast %add3A_493 : i32 to index
        %get3A_496 = tpu.vector_load %arg5[%get3A_494, %get3A_495] {strides = array<i32>} : memref<80x128xi32, #tpu.memory_space<vmem>>, vector<1x16xi32>,
        %get3A_497 = vector.shape_cast %get3A_496 : vector<1x16xi32> to vector<16xi32>
        %and3A_498 = arith.constant 65535 : i32
        %and3A_499 = vector.broadcast %and3A_498 : i32 to vector<16xi32>
        %and3A_500 = arith.andi %get3A_497, %and3A_499 : vector<16xi32>
        %swap3A_501 = arith.constant 16 : index
        %swap3A_502 = tpu.vector_load %arg8[%swap3A_501] {strides = array<i32>} : memref<64xi32, #tpu.memory_space<vmem>>, vector<16xi32>,
        %swap3A_503 = vector.shape_cast %swap3A_502 : vector<16xi32> to vector<16xi32>
        %swap3A_504 = vector.shape_cast %and3A_500 : vector<16xi32> to vector<16xi32>
        tpu.vector_store %arg8[%swap3A_501], %swap3A_504 {strides = array<i32>} : memref<64xi32, #tpu.memory_space<vmem>>, vector<16xi32>,
        %add3A_505 = arith.constant 32 : i32
        %add3A_506 = arith.addi %mul3A_478, %add3A_505 : i32
        %get3A_507 = arith.index_cast %shift_right_logical3A_474 : i32 to index
        %get3A_508 = arith.index_cast %add3A_506 : i32 to index
        %get3A_509 = tpu.vector_load %arg5[%get3A_507, %get3A_508] {strides = array<i32>} : memref<80x128xi32, #tpu.memory_space<vmem>>, vector<1x16xi32>,
        %get3A_510 = vector.shape_cast %get3A_509 : vector<1x16xi32> to vector<16xi32>
        %and3A_511 = arith.constant 65535 : i32
        %and3A_512 = vector.broadcast %and3A_511 : i32 to vector<16xi32>
        %and3A_513 = arith.andi %get3A_510, %and3A_512 : vector<16xi32>
        %swap3A_514 = arith.constant 32 : index
        %swap3A_515 = tpu.vector_load %arg8[%swap3A_514] {strides = array<i32>} : memref<64xi32, #tpu.memory_space<vmem>>, vector<16xi32>,
        %swap3A_516 = vector.shape_cast %swap3A_515 : vector<16xi32> to vector<16xi32>
        %swap3A_517 = vector.shape_cast %and3A_513 : vector<16xi32> to vector<16xi32>
        tpu.vector_store %arg8[%swap3A_514], %swap3A_517 {strides = array<i32>} : memref<64xi32, #tpu.memory_space<vmem>>, vector<16xi32>,
        %add3A_518 = arith.constant 48 : i32
        %add3A_519 = arith.addi %mul3A_478, %add3A_518 : i32
        %get3A_520 = arith.index_cast %shift_right_logical3A_474 : i32 to index
        %get3A_521 = arith.index_cast %add3A_519 : i32 to index
        %get3A_522 = tpu.vector_load %arg5[%get3A_520, %get3A_521] {strides = array<i32>} : memref<80x128xi32, #tpu.memory_space<vmem>>, vector<1x16xi32>,
        %get3A_523 = vector.shape_cast %get3A_522 : vector<1x16xi32> to vector<16xi32>
        %and3A_524 = arith.constant 65535 : i32
        %and3A_525 = vector.broadcast %and3A_524 : i32 to vector<16xi32>
        %and3A_526 = arith.andi %get3A_523, %and3A_525 : vector<16xi32>
        %swap3A_527 = arith.constant 48 : index
        %swap3A_528 = tpu.vector_load %arg8[%swap3A_527] {strides = array<i32>} : memref<64xi32, #tpu.memory_space<vmem>>, vector<16xi32>,
        %swap3A_529 = vector.shape_cast %swap3A_528 : vector<16xi32> to vector<16xi32>
        %swap3A_530 = vector.shape_cast %and3A_526 : vector<16xi32> to vector<16xi32>
        tpu.vector_store %arg8[%swap3A_527], %swap3A_530 {strides = array<i32>} : memref<64xi32, #tpu.memory_space<vmem>>, vector<16xi32>,
        %dma_start3A_531 = arith.constant 0 : i32
        %dma_start3A_532 = arith.constant 0 : i32
        %dma_start3A_533 = tpu.memref_slice %arg2[%dma_start3A_531, %dma_start3A_532] : memref<10240x128xf32, #tpu.memory_space<hbm>> -> memref<10240x128xf32, #tpu.memory_space<hbm>>
        tpu.enqueue_indirect_dma source(%dma_start3A_533 : memref<10240x128xf32, #tpu.memory_space<hbm>>) target(%arg12 : memref<64x128xf32, #tpu.memory_space<vmem>>) offsets(%arg8 : memref<64xi32, #tpu.memory_space<vmem>>) semaphore(%arg16 : memref<!tpu.dma_semaphore, #tpu.memory_space<semaphore_mem>>)
      } else {
      }
    }
    %scan3A_195 = arith.constant 53 : i32
    %dma_wait3A = arith.constant 0 : i32
    %dma_wait3A_196 = arith.constant 0 : i32
    %dma_wait3A_197 = tpu.memref_slice %arg2[%dma_wait3A, %dma_wait3A_196] : memref<10240x128xf32, #tpu.memory_space<hbm>> -> memref<10240x128xf32, #tpu.memory_space<hbm>>
    tpu.wait_indirect_dma semaphore(%arg14 : memref<!tpu.dma_semaphore, #tpu.memory_space<semaphore_mem>>) src(%dma_wait3A_197 : memref<10240x128xf32, #tpu.memory_space<hbm>>) dst(%arg10 : memref<64x128xf32, #tpu.memory_space<vmem>>)
    %shift_right_logical3A_198 = arith.constant 159 : i32
    %shift_right_logical3A_199 = arith.constant 1 : i32
    %shift_right_logical3A_200 = arith.shrui %shift_right_logical3A_198, %shift_right_logical3A_199 : i32
    %and3A_201 = arith.constant 159 : i32
    %and3A_202 = arith.constant 1 : i32
    %and3A_203 = arith.andi %and3A_201, %and3A_202 : i32
    %mul3A_204 = arith.constant 64 : i32
    %mul3A_205 = arith.muli %and3A_203, %mul3A_204 : i32
    %add3A_206 = arith.constant 0 : i32
    %add3A_207 = arith.addi %mul3A_205, %add3A_206 : i32
    %get3A_208 = arith.index_cast %shift_right_logical3A_200 : i32 to index
    %get3A_209 = arith.index_cast %add3A_207 : i32 to index
    %get3A_210 = tpu.vector_load %arg5[%get3A_208, %get3A_209] {strides = array<i32>} : memref<80x128xi32, #tpu.memory_space<vmem>>, vector<1x16xi32>,
    %get3A_211 = vector.shape_cast %get3A_210 : vector<1x16xi32> to vector<16xi32>
    %shift_right_logical3A_212 = arith.constant 16 : i32
    %shift_right_logical3A_213 = vector.broadcast %shift_right_logical3A_212 : i32 to vector<16xi32>
    %shift_right_logical3A_214 = arith.shrui %get3A_211, %shift_right_logical3A_213 : vector<16xi32>
    %swap3A_215 = arith.constant 0 : index
    %swap3A_216 = tpu.vector_load %arg9[%swap3A_215] {strides = array<i32>} : memref<64xi32, #tpu.memory_space<vmem>>, vector<16xi32>,
    %swap3A_217 = vector.shape_cast %swap3A_216 : vector<16xi32> to vector<16xi32>
    %swap3A_218 = vector.shape_cast %shift_right_logical3A_214 : vector<16xi32> to vector<16xi32>
    tpu.vector_store %arg9[%swap3A_215], %swap3A_218 {strides = array<i32>} : memref<64xi32, #tpu.memory_space<vmem>>, vector<16xi32>,
    %add3A_219 = arith.constant 16 : i32
    %add3A_220 = arith.addi %mul3A_205, %add3A_219 : i32
    %get3A_221 = arith.index_cast %shift_right_logical3A_200 : i32 to index
    %get3A_222 = arith.index_cast %add3A_220 : i32 to index
    %get3A_223 = tpu.vector_load %arg5[%get3A_221, %get3A_222] {strides = array<i32>} : memref<80x128xi32, #tpu.memory_space<vmem>>, vector<1x16xi32>,
    %get3A_224 = vector.shape_cast %get3A_223 : vector<1x16xi32> to vector<16xi32>
    %shift_right_logical3A_225 = arith.constant 16 : i32
    %shift_right_logical3A_226 = vector.broadcast %shift_right_logical3A_225 : i32 to vector<16xi32>
    %shift_right_logical3A_227 = arith.shrui %get3A_224, %shift_right_logical3A_226 : vector<16xi32>
    %swap3A_228 = arith.constant 16 : index
    %swap3A_229 = tpu.vector_load %arg9[%swap3A_228] {strides = array<i32>} : memref<64xi32, #tpu.memory_space<vmem>>, vector<16xi32>,
    %swap3A_230 = vector.shape_cast %swap3A_229 : vector<16xi32> to vector<16xi32>
    %swap3A_231 = vector.shape_cast %shift_right_logical3A_227 : vector<16xi32> to vector<16xi32>
    tpu.vector_store %arg9[%swap3A_228], %swap3A_231 {strides = array<i32>} : memref<64xi32, #tpu.memory_space<vmem>>, vector<16xi32>,
    %add3A_232 = arith.constant 32 : i32
    %add3A_233 = arith.addi %mul3A_205, %add3A_232 : i32
    %get3A_234 = arith.index_cast %shift_right_logical3A_200 : i32 to index
    %get3A_235 = arith.index_cast %add3A_233 : i32 to index
    %get3A_236 = tpu.vector_load %arg5[%get3A_234, %get3A_235] {strides = array<i32>} : memref<80x128xi32, #tpu.memory_space<vmem>>, vector<1x16xi32>,
    %get3A_237 = vector.shape_cast %get3A_236 : vector<1x16xi32> to vector<16xi32>
    %shift_right_logical3A_238 = arith.constant 16 : i32
    %shift_right_logical3A_239 = vector.broadcast %shift_right_logical3A_238 : i32 to vector<16xi32>
    %shift_right_logical3A_240 = arith.shrui %get3A_237, %shift_right_logical3A_239 : vector<16xi32>
    %swap3A_241 = arith.constant 32 : index
    %swap3A_242 = tpu.vector_load %arg9[%swap3A_241] {strides = array<i32>} : memref<64xi32, #tpu.memory_space<vmem>>, vector<16xi32>,
    %swap3A_243 = vector.shape_cast %swap3A_242 : vector<16xi32> to vector<16xi32>
    %swap3A_244 = vector.shape_cast %shift_right_logical3A_240 : vector<16xi32> to vector<16xi32>
    tpu.vector_store %arg9[%swap3A_241], %swap3A_244 {strides = array<i32>} : memref<64xi32, #tpu.memory_space<vmem>>, vector<16xi32>,
    %add3A_245 = arith.constant 48 : i32
    %add3A_246 = arith.addi %mul3A_205, %add3A_245 : i32
    %get3A_247 = arith.index_cast %shift_right_logical3A_200 : i32 to index
    %get3A_248 = arith.index_cast %add3A_246 : i32 to index
    %get3A_249 = tpu.vector_load %arg5[%get3A_247, %get3A_248] {strides = array<i32>} : memref<80x128xi32, #tpu.memory_space<vmem>>, vector<1x16xi32>,
    %get3A_250 = vector.shape_cast %get3A_249 : vector<1x16xi32> to vector<16xi32>
    %shift_right_logical3A_251 = arith.constant 16 : i32
    %shift_right_logical3A_252 = vector.broadcast %shift_right_logical3A_251 : i32 to vector<16xi32>
    %shift_right_logical3A_253 = arith.shrui %get3A_250, %shift_right_logical3A_252 : vector<16xi32>
    %swap3A_254 = arith.constant 48 : index
    %swap3A_255 = tpu.vector_load %arg9[%swap3A_254] {strides = array<i32>} : memref<64xi32, #tpu.memory_space<vmem>>, vector<16xi32>,
    %swap3A_256 = vector.shape_cast %swap3A_255 : vector<16xi32> to vector<16xi32>
    %swap3A_257 = vector.shape_cast %shift_right_logical3A_253 : vector<16xi32> to vector<16xi32>
    tpu.vector_store %arg9[%swap3A_254], %swap3A_257 {strides = array<i32>} : memref<64xi32, #tpu.memory_space<vmem>>, vector<16xi32>,
    "tpu.region"() ({
      %run_scoped3A = tpu.sem_alloc : memref<!tpu.dma_semaphore, #tpu.memory_space<semaphore_mem>>
      %dma_start3A_263 = arith.constant 0 : i32
      %dma_start3A_264 = arith.constant 0 : i32
      %dma_start3A_265 = tpu.memref_slice %arg13[%dma_start3A_263, %dma_start3A_264] : memref<10240x128xf32, #tpu.memory_space<vmem_shared>> -> memref<10240x128xf32, #tpu.memory_space<vmem_shared>>
      tpu.enqueue_indirect_dma source(%arg10 : memref<64x128xf32, #tpu.memory_space<vmem>>) target(%dma_start3A_265 : memref<10240x128xf32, #tpu.memory_space<vmem_shared>>) offsets(%arg9 : memref<64xi32, #tpu.memory_space<vmem>>) semaphore(%run_scoped3A : memref<!tpu.dma_semaphore, #tpu.memory_space<semaphore_mem>>) {add = true}
      %dma_wait3A_266 = arith.constant 0 : i32
      %dma_wait3A_267 = arith.constant 0 : i32
      %dma_wait3A_268 = tpu.memref_slice %arg13[%dma_wait3A_266, %dma_wait3A_267] : memref<10240x128xf32, #tpu.memory_space<vmem_shared>> -> memref<10240x128xf32, #tpu.memory_space<vmem_shared>>
      tpu.wait_indirect_dma semaphore(%run_scoped3A : memref<!tpu.dma_semaphore, #tpu.memory_space<semaphore_mem>>) src(%arg10 : memref<64x128xf32, #tpu.memory_space<vmem>>) dst(%dma_wait3A_268 : memref<10240x128xf32, #tpu.memory_space<vmem_shared>>)
      tpu.yield
    }) : () -> ()
    %barrier3A_258 = arith.constant 0 : index
    tpu.barrier barrier_id(%barrier3A_258)
    %mul3A_259 = arith.constant 640 : i32
    %mul3A_260 = arith.muli %arg1, %mul3A_259 : i32
    %mul3A_261 = arith.constant 640 : i32
    %mul3A_262 = arith.muli %arg1, %mul3A_261 : i32
    "tpu.region"() ({
      %run_scoped3A = tpu.sem_alloc : memref<!tpu.dma_semaphore, #tpu.memory_space<semaphore_mem>>
      %dma_start3A_263 = arith.constant 0 : i32
      %dma_start3A_264 = tpu.memref_slice %arg4[%arg0, %mul3A_262, %dma_start3A_263] : memref<2x10240x128xf32, #tpu.memory_space<hbm>> -> memref<1x640x128xf32, #tpu.memory_space<hbm>>
      %dma_start3A_265 = tpu.memref_squeeze %dma_start3A_264 : memref<1x640x128xf32, #tpu.memory_space<hbm>> -> memref<640x128xf32, #tpu.memory_space<hbm>>
      %dma_start3A_266 = arith.constant 0 : i32
      %dma_start3A_267 = tpu.memref_slice %arg13[%mul3A_260, %dma_start3A_266] : memref<10240x128xf32, #tpu.memory_space<vmem_shared>> -> memref<640x128xf32, #tpu.memory_space<vmem_shared>>
      tpu.enqueue_dma source(%dma_start3A_267 : memref<640x128xf32, #tpu.memory_space<vmem_shared>>) target(%dma_start3A_265 : memref<640x128xf32, #tpu.memory_space<hbm>>) target_semaphore(%run_scoped3A : memref<!tpu.dma_semaphore, #tpu.memory_space<semaphore_mem>>)
      %dma_wait3A_268 = arith.constant 0 : i32
      %dma_wait3A_269 = tpu.memref_slice %arg4[%arg0, %mul3A_262, %dma_wait3A_268] : memref<2x10240x128xf32, #tpu.memory_space<hbm>> -> memref<1x640x128xf32, #tpu.memory_space<hbm>>
      %dma_wait3A_270 = tpu.memref_squeeze %dma_wait3A_269 : memref<1x640x128xf32, #tpu.memory_space<hbm>> -> memref<640x128xf32, #tpu.memory_space<hbm>>
      %dma_wait3A_271 = arith.constant 0 : i32
      %dma_wait3A_272 = tpu.memref_slice %arg13[%mul3A_260, %dma_wait3A_271] : memref<10240x128xf32, #tpu.memory_space<vmem_shared>> -> memref<640x128xf32, #tpu.memory_space<vmem_shared>>
      tpu.wait_dma2 semaphore(%run_scoped3A : memref<!tpu.dma_semaphore, #tpu.memory_space<semaphore_mem>>) src(%dma_wait3A_272 : memref<640x128xf32, #tpu.memory_space<vmem_shared>>) dst(%dma_wait3A_270 : memref<640x128xf32, #tpu.memory_space<hbm>>)
      tpu.yield
    }) : () -> ()
    return
  }
}

module attributes {stable_mosaic.version = 14 : i64} {
  func.func @_xw_body(%arg0: i32, %arg1: memref<2560x128xf32, #tpu.memory_space<vmem>>, %arg2: memref<128x128xf32, #tpu.memory_space<vmem>>, %arg3: memref<2x2560xf32, #tpu.memory_space<vmem>>, %arg4: memref<2560x128xf32, #tpu.memory_space<vmem>>) attributes {dimension_semantics = [#tpu.dimension_semantics<arbitrary>], iteration_bounds = array<i64: 4>, scalar_prefetch = 0 : i64, scratch_operands = 0 : i64, tpu.core_type = #tpu.core_type<tc>, window_params = [{transform_indices = @transform_0, window_bounds = array<i64: 2560, 128>}, {pipeline_mode = #tpu.pipeline_mode<synchronous>, transform_indices = @transform_1, window_bounds = array<i64: 128, 128>}, {transform_indices = @transform_2, window_bounds = array<i64: 2, 2560>}, {transform_indices = @transform_3, window_bounds = array<i64: 2560, 128>}]} {
    %get3A = arith.constant 0 : index
    %get3A_0 = arith.constant 0 : index
    %get3A_1 = vector.load %arg3[%get3A, %get3A_0] : memref<2x2560xf32, #tpu.memory_space<vmem>>, vector<1x2560xf32>
    %add3A = arith.constant 1.000000e+00 : f32
    %add3A_2 = vector.broadcast %add3A : f32 to vector<1x2560xf32>
    %add3A_3 = arith.addf %add3A_2, %get3A_1 : vector<1x2560xf32>
    %get3A_4 = arith.constant 1 : index
    %get3A_5 = arith.constant 0 : index
    %get3A_6 = vector.load %arg3[%get3A_4, %get3A_5] : memref<2x2560xf32, #tpu.memory_space<vmem>>, vector<1x2560xf32>
    %add3A_7 = arith.addf %add3A_3, %get3A_6 : vector<1x2560xf32>
    %rsqrt3A = math.rsqrt %add3A_7 : vector<1x2560xf32>
    %transpose3A = tpu.transpose %rsqrt3A, [1, 0] : vector<1x2560xf32> -> vector<2560x1xf32>
    %get3A_8 = arith.constant 0 : index
    %get3A_9 = arith.constant 0 : index
    %get3A_10 = vector.load %arg1[%get3A_8, %get3A_9] : memref<2560x128xf32, #tpu.memory_space<vmem>>, vector<2560x128xf32>
    %get3A_11 = arith.constant 0 : index
    %get3A_12 = arith.constant 0 : index
    %get3A_13 = vector.load %arg2[%get3A_11, %get3A_12] : memref<128x128xf32, #tpu.memory_space<vmem>>, vector<128x128xf32>
    %dot_general3A = arith.constant dense<0.000000e+00> : vector<2560x128xf32>
    %dot_general3A_14 = tpu.matmul %get3A_10, %get3A_13, %dot_general3A {dimension_numbers = #tpu.dot_dimension_numbers<[1], [0], [0], [1], [0, 0, 1, 1], [], []>, transpose_lhs_hint = false} : vector<2560x128xf32>, vector<128x128xf32>, vector<2560x128xf32> -> vector<2560x128xf32>
    %mul3A = vector.broadcast %transpose3A : vector<2560x1xf32> to vector<2560x128xf32>
    %mul3A_15 = arith.mulf %dot_general3A_14, %mul3A : vector<2560x128xf32>
    %swap3A = arith.constant 0 : index
    %swap3A_16 = arith.constant 0 : index
    %swap3A_17 = vector.load %arg4[%swap3A, %swap3A_16] : memref<2560x128xf32, #tpu.memory_space<vmem>>, vector<2560x128xf32>
    tpu.vector_store %arg4[%swap3A, %swap3A_16], %mul3A_15 {strides = array<i32>} : memref<2560x128xf32, #tpu.memory_space<vmem>>, vector<2560x128xf32>,
    return
  }
  func.func @transform_0(%arg0: i32) -> (i32, i32) {
    %c0_i32 = arith.constant 0 : i32
    %c0_i32_0 = arith.constant 0 : i32
    return %arg0, %c0_i32 : i32, i32
  }
  func.func @transform_1(%arg0: i32) -> (i32, i32) {
    %c0_i32 = arith.constant 0 : i32
    %c0_i32_0 = arith.constant 0 : i32
    %c0_i32_1 = arith.constant 0 : i32
    return %c0_i32, %c0_i32_0 : i32, i32
  }
  func.func @transform_2(%arg0: i32) -> (i32, i32) {
    %c0_i32 = arith.constant 0 : i32
    %c0_i32_0 = arith.constant 0 : i32
    return %c0_i32, %arg0 : i32, i32
  }
  func.func @transform_3(%arg0: i32) -> (i32, i32) {
    %c0_i32 = arith.constant 0 : i32
    %c0_i32_0 = arith.constant 0 : i32
    return %arg0, %c0_i32 : i32, i32
  }
}

module attributes {stable_mosaic.version = 14 : i64} {
  func.func @_mid_body(%arg0: i32, %arg1: memref<2x2560x128xf32, #tpu.memory_space<vmem>>, %arg2: memref<2560x128xf32, #tpu.memory_space<vmem>>, %arg3: memref<2x2560xf32, #tpu.memory_space<vmem>>, %arg4: memref<1x128xf32, #tpu.memory_space<vmem>>, %arg5: memref<128x128xf32, #tpu.memory_space<vmem>>, %arg6: memref<2560x128xf32, #tpu.memory_space<vmem>>) attributes {dimension_semantics = [#tpu.dimension_semantics<arbitrary>], iteration_bounds = array<i64: 4>, scalar_prefetch = 0 : i64, scratch_operands = 0 : i64, tpu.core_type = #tpu.core_type<tc>, window_params = [{transform_indices = @transform_0, window_bounds = array<i64: 2, 2560, 128>}, {transform_indices = @transform_1, window_bounds = array<i64: 2560, 128>}, {transform_indices = @transform_2, window_bounds = array<i64: 2, 2560>}, {pipeline_mode = #tpu.pipeline_mode<synchronous>, transform_indices = @transform_3, window_bounds = array<i64: 1, 128>}, {pipeline_mode = #tpu.pipeline_mode<synchronous>, transform_indices = @transform_4, window_bounds = array<i64: 128, 128>}, {transform_indices = @transform_5, window_bounds = array<i64: 2560, 128>}]} {
    %get3A = arith.constant 0 : index
    %get3A_0 = arith.constant 0 : index
    %get3A_1 = vector.load %arg3[%get3A, %get3A_0] : memref<2x2560xf32, #tpu.memory_space<vmem>>, vector<1x2560xf32>
    %add3A = arith.constant 1.000000e+00 : f32
    %add3A_2 = vector.broadcast %add3A : f32 to vector<1x2560xf32>
    %add3A_3 = arith.addf %add3A_2, %get3A_1 : vector<1x2560xf32>
    %get3A_4 = arith.constant 1 : index
    %get3A_5 = arith.constant 0 : index
    %get3A_6 = vector.load %arg3[%get3A_4, %get3A_5] : memref<2x2560xf32, #tpu.memory_space<vmem>>, vector<1x2560xf32>
    %add3A_7 = arith.addf %add3A_3, %get3A_6 : vector<1x2560xf32>
    %rsqrt3A = math.rsqrt %add3A_7 : vector<1x2560xf32>
    %transpose3A = tpu.transpose %rsqrt3A, [1, 0] : vector<1x2560xf32> -> vector<2560x1xf32>
    %get3A_8 = arith.constant 0 : index
    %get3A_9 = arith.constant 0 : index
    %get3A_10 = arith.constant 0 : index
    %get3A_11 = vector.load %arg1[%get3A_8, %get3A_9, %get3A_10] : memref<2x2560x128xf32, #tpu.memory_space<vmem>>, vector<1x2560x128xf32>
    %get3A_12 = vector.shape_cast %get3A_11 : vector<1x2560x128xf32> to vector<2560x128xf32>
    %get3A_13 = arith.constant 1 : index
    %get3A_14 = arith.constant 0 : index
    %get3A_15 = arith.constant 0 : index
    %get3A_16 = vector.load %arg1[%get3A_13, %get3A_14, %get3A_15] : memref<2x2560x128xf32, #tpu.memory_space<vmem>>, vector<1x2560x128xf32>
    %get3A_17 = vector.shape_cast %get3A_16 : vector<1x2560x128xf32> to vector<2560x128xf32>
    %add3A_18 = arith.addf %get3A_12, %get3A_17 : vector<2560x128xf32>
    %get3A_19 = arith.constant 0 : index
    %get3A_20 = arith.constant 0 : index
    %get3A_21 = vector.load %arg2[%get3A_19, %get3A_20] : memref<2560x128xf32, #tpu.memory_space<vmem>>, vector<2560x128xf32>
    %sub3A = arith.subf %add3A_18, %get3A_21 : vector<2560x128xf32>
    %mul3A = vector.broadcast %transpose3A : vector<2560x1xf32> to vector<2560x128xf32>
    %mul3A_22 = arith.mulf %sub3A, %mul3A : vector<2560x128xf32>
    %get3A_23 = arith.constant 0 : index
    %get3A_24 = arith.constant 0 : index
    %get3A_25 = vector.load %arg4[%get3A_23, %get3A_24] : memref<1x128xf32, #tpu.memory_space<vmem>>, vector<1x128xf32>
    %add3A_26 = vector.broadcast %get3A_25 : vector<1x128xf32> to vector<2560x128xf32>
    %add3A_27 = arith.addf %mul3A_22, %add3A_26 : vector<2560x128xf32>
    %gt3A = arith.constant 0.000000e+00 : f32
    %gt3A_28 = vector.broadcast %gt3A : f32 to vector<2560x128xf32>
    %gt3A_29 = arith.cmpf ogt, %add3A_27, %gt3A_28 : vector<2560x128xf32>
    %exp3A = math.exp %add3A_27 : vector<2560x128xf32>
    %sub3A_30 = arith.constant 1.000000e+00 : f32
    %sub3A_31 = vector.broadcast %sub3A_30 : f32 to vector<2560x128xf32>
    %sub3A_32 = arith.subf %exp3A, %sub3A_31 : vector<2560x128xf32>
    %select_n3A = arith.select %gt3A_29, %add3A_27, %sub3A_32 : vector<2560x128xi1>, vector<2560x128xf32>
    %get3A_33 = arith.constant 0 : index
    %get3A_34 = arith.constant 0 : index
    %get3A_35 = vector.load %arg5[%get3A_33, %get3A_34] : memref<128x128xf32, #tpu.memory_space<vmem>>, vector<128x128xf32>
    %dot_general3A = arith.constant dense<0.000000e+00> : vector<2560x128xf32>
    %dot_general3A_36 = tpu.matmul %select_n3A, %get3A_35, %dot_general3A {dimension_numbers = #tpu.dot_dimension_numbers<[1], [0], [0], [1], [0, 0, 1, 1], [], []>, transpose_lhs_hint = false} : vector<2560x128xf32>, vector<128x128xf32>, vector<2560x128xf32> -> vector<2560x128xf32>
    %mul3A_37 = vector.broadcast %transpose3A : vector<2560x1xf32> to vector<2560x128xf32>
    %mul3A_38 = arith.mulf %dot_general3A_36, %mul3A_37 : vector<2560x128xf32>
    %swap3A = arith.constant 0 : index
    %swap3A_39 = arith.constant 0 : index
    %swap3A_40 = vector.load %arg6[%swap3A, %swap3A_39] : memref<2560x128xf32, #tpu.memory_space<vmem>>, vector<2560x128xf32>
    tpu.vector_store %arg6[%swap3A, %swap3A_39], %mul3A_38 {strides = array<i32>} : memref<2560x128xf32, #tpu.memory_space<vmem>>, vector<2560x128xf32>,
    return
  }
  func.func @transform_0(%arg0: i32) -> (i32, i32, i32) {
    %c0_i32 = arith.constant 0 : i32
    %c0_i32_0 = arith.constant 0 : i32
    %c0_i32_1 = arith.constant 0 : i32
    return %c0_i32, %arg0, %c0_i32_0 : i32, i32, i32
  }
  func.func @transform_1(%arg0: i32) -> (i32, i32) {
    %c0_i32 = arith.constant 0 : i32
    %c0_i32_0 = arith.constant 0 : i32
    return %arg0, %c0_i32 : i32, i32
  }
  func.func @transform_2(%arg0: i32) -> (i32, i32) {
    %c0_i32 = arith.constant 0 : i32
    %c0_i32_0 = arith.constant 0 : i32
    return %c0_i32, %arg0 : i32, i32
  }
  func.func @transform_3(%arg0: i32) -> (i32, i32) {
    %c0_i32 = arith.constant 0 : i32
    %c0_i32_0 = arith.constant 0 : i32
    %c0_i32_1 = arith.constant 0 : i32
    return %c0_i32, %c0_i32_0 : i32, i32
  }
  func.func @transform_4(%arg0: i32) -> (i32, i32) {
    %c0_i32 = arith.constant 0 : i32
    %c0_i32_0 = arith.constant 0 : i32
    %c0_i32_1 = arith.constant 0 : i32
    return %c0_i32, %c0_i32_0 : i32, i32
  }
  func.func @transform_5(%arg0: i32) -> (i32, i32) {
    %c0_i32 = arith.constant 0 : i32
    %c0_i32_0 = arith.constant 0 : i32
    return %arg0, %c0_i32 : i32, i32
  }
}

module attributes {stable_mosaic.version = 14 : i64} {
  func.func @_prep_body(%arg0: i32, %arg1: memref<1x320x128xi32, #tpu.memory_space<vmem>>, %arg2: memref<1x320x128xi32, #tpu.memory_space<vmem>>, %arg3: memref<320x128xi32, #tpu.memory_space<vmem>>, %arg4: memref<320x128xi32, #tpu.memory_space<vmem>>) attributes {dimension_semantics = [#tpu.dimension_semantics<arbitrary>], iteration_bounds = array<i64: 8>, scalar_prefetch = 0 : i64, scratch_operands = 0 : i64, tpu.core_type = #tpu.core_type<tc>, window_params = [{transform_indices = @transform_0, window_bounds = array<i64: 1, 320, 128>}, {transform_indices = @transform_1, window_bounds = array<i64: 1, 320, 128>}, {transform_indices = @transform_2, window_bounds = array<i64: 320, 128>}, {transform_indices = @transform_3, window_bounds = array<i64: 320, 128>}]} {
    %iota3A = tpu.iota {dimensions = array<i32: 0>} : vector<320x128xi32>
    %mul3A = arith.constant 128 : i32
    %mul3A_0 = vector.broadcast %mul3A : i32 to vector<320x128xi32>
    %mul3A_1 = arith.muli %iota3A, %mul3A_0 : vector<320x128xi32>
    %iota3A_2 = tpu.iota {dimensions = array<i32: 1>} : vector<320x128xi32>
    %add3A = arith.addi %mul3A_1, %iota3A_2 : vector<320x128xi32>
    %mul3A_3 = arith.constant 320 : i32
    %mul3A_4 = arith.muli %arg0, %mul3A_3 : i32
    %mul3A_5 = arith.constant 128 : i32
    %mul3A_6 = arith.muli %mul3A_4, %mul3A_5 : i32
    %add3A_7 = vector.broadcast %mul3A_6 : i32 to vector<320x128xi32>
    %add3A_8 = arith.addi %add3A, %add3A_7 : vector<320x128xi32>
    %lt3A = arith.constant 320000 : i32
    %lt3A_9 = vector.broadcast %lt3A : i32 to vector<320x128xi32>
    %lt3A_10 = arith.cmpi slt, %add3A_8, %lt3A_9 : vector<320x128xi32>
    %jit3A = arith.constant 240 : i32
    %eq3A = arith.constant 0 : i32
    %eq3A_11 = arith.cmpi eq, %jit3A, %eq3A : i32
    %jit3A_12 = arith.constant 1 : i32
    %select_n3A = arith.select %eq3A_11, %jit3A_12, %jit3A : i32
    %rem3A = vector.broadcast %select_n3A : i32 to vector<320x128xi32>
    %rem3A_13 = arith.remsi %add3A_8, %rem3A : vector<320x128xi32>
    %ne3A = arith.constant 0 : i32
    %ne3A_14 = vector.broadcast %ne3A : i32 to vector<320x128xi32>
    %ne3A_15 = arith.cmpi ne, %rem3A_13, %ne3A_14 : vector<320x128xi32>
    %lt3A_16 = arith.constant 0 : i32
    %lt3A_17 = vector.broadcast %lt3A_16 : i32 to vector<320x128xi32>
    %lt3A_18 = arith.cmpi slt, %rem3A_13, %lt3A_17 : vector<320x128xi32>
    %lt3A_19 = arith.constant 0 : i32
    %lt3A_20 = arith.cmpi slt, %select_n3A, %lt3A_19 : i32
    %ne3A_21 = vector.broadcast %lt3A_20 : i1 to vector<320x128xi1>
    %ne3A_22 = vector.broadcast %ne3A_21 : vector<320x128xi1> to vector<320x128xi1>
    %ne3A_23 = arith.xori %lt3A_18, %ne3A_22 : vector<320x128xi1>
    %and3A = arith.andi %ne3A_23, %ne3A_15 : vector<320x128xi1>
    %add3A_24 = vector.broadcast %select_n3A : i32 to vector<320x128xi32>
    %add3A_25 = arith.addi %rem3A_13, %add3A_24 : vector<320x128xi32>
    %select_n3A_26 = arith.select %and3A, %add3A_25, %rem3A_13 : vector<320x128xi1>, vector<320x128xi32>
    %add3A_27 = arith.constant 10000 : i32
    %add3A_28 = vector.broadcast %add3A_27 : i32 to vector<320x128xi32>
    %add3A_29 = arith.addi %add3A_28, %select_n3A_26 : vector<320x128xi32>
    %get3A = arith.constant 0 : index
    %get3A_30 = arith.constant 0 : index
    %get3A_31 = arith.constant 0 : index
    %get3A_32 = vector.load %arg1[%get3A, %get3A_30, %get3A_31] : memref<1x320x128xi32, #tpu.memory_space<vmem>>, vector<1x320x128xi32>
    %get3A_33 = vector.shape_cast %get3A_32 : vector<1x320x128xi32> to vector<320x128xi32>
    %select_n3A_34 = arith.select %lt3A_10, %get3A_33, %add3A_29 : vector<320x128xi1>, vector<320x128xi32>
    %get3A_35 = arith.constant 0 : index
    %get3A_36 = arith.constant 0 : index
    %get3A_37 = arith.constant 0 : index
    %get3A_38 = vector.load %arg2[%get3A_35, %get3A_36, %get3A_37] : memref<1x320x128xi32, #tpu.memory_space<vmem>>, vector<1x320x128xi32>
    %get3A_39 = vector.shape_cast %get3A_38 : vector<1x320x128xi32> to vector<320x128xi32>
    %select_n3A_40 = arith.select %lt3A_10, %get3A_39, %add3A_29 : vector<320x128xi1>, vector<320x128xi32>
    %shift_left3A = arith.constant 16 : i32
    %shift_left3A_41 = vector.broadcast %shift_left3A : i32 to vector<320x128xi32>
    %shift_left3A_42 = arith.shli %select_n3A_40, %shift_left3A_41 : vector<320x128xi32>
    %or3A = arith.ori %select_n3A_34, %shift_left3A_42 : vector<320x128xi32>
    %swap3A = arith.constant 0 : index
    %swap3A_43 = arith.constant 0 : index
    %swap3A_44 = vector.load %arg3[%swap3A, %swap3A_43] : memref<320x128xi32, #tpu.memory_space<vmem>>, vector<320x128xi32>
    tpu.vector_store %arg3[%swap3A, %swap3A_43], %or3A {strides = array<i32>} : memref<320x128xi32, #tpu.memory_space<vmem>>, vector<320x128xi32>,
    %swap3A_45 = arith.constant 0 : index
    %swap3A_46 = arith.constant 0 : index
    %swap3A_47 = vector.load %arg4[%swap3A_45, %swap3A_46] : memref<320x128xi32, #tpu.memory_space<vmem>>, vector<320x128xi32>
    tpu.vector_store %arg4[%swap3A_45, %swap3A_46], %select_n3A_40 {strides = array<i32>} : memref<320x128xi32, #tpu.memory_space<vmem>>, vector<320x128xi32>,
    return
  }
  func.func @transform_0(%arg0: i32) -> (i32, i32, i32) {
    %c0_i32 = arith.constant 0 : i32
    %c0_i32_0 = arith.constant 0 : i32
    %c0_i32_1 = arith.constant 0 : i32
    return %c0_i32, %arg0, %c0_i32_0 : i32, i32, i32
  }
  func.func @transform_1(%arg0: i32) -> (i32, i32, i32) {
    %c1_i32 = arith.constant 1 : i32
    %c0_i32 = arith.constant 0 : i32
    %c0_i32_0 = arith.constant 0 : i32
    return %c1_i32, %arg0, %c0_i32 : i32, i32, i32
  }
  func.func @transform_2(%arg0: i32) -> (i32, i32) {
    %c0_i32 = arith.constant 0 : i32
    %c0_i32_0 = arith.constant 0 : i32
    return %arg0, %c0_i32 : i32, i32
  }
  func.func @transform_3(%arg0: i32) -> (i32, i32) {
    %c0_i32 = arith.constant 0 : i32
    %c0_i32_0 = arith.constant 0 : i32
    return %arg0, %c0_i32 : i32, i32
  }
}

module attributes {stable_mosaic.version = 14 : i64} {
  func.func @_pool_body(%arg0: i32, %arg1: memref<2x2560x128xf32, #tpu.memory_space<vmem>>, %arg2: memref<2560x128xf32, #tpu.memory_space<vmem>>, %arg3: memref<2x2560xf32, #tpu.memory_space<vmem>>, %arg4: memref<1x128xf32, #tpu.memory_space<vmem>>, %arg5: memref<2560x1xi32, #tpu.memory_space<vmem>>, %arg6: memref<16x128xf32, #tpu.memory_space<vmem>>, %arg7: memref<16x128xf32, #tpu.memory_space<vmem>>, %arg8: memref<16x1xf32, #tpu.memory_space<vmem>>) attributes {dimension_semantics = [#tpu.dimension_semantics<arbitrary>], iteration_bounds = array<i64: 4>, scalar_prefetch = 0 : i64, scratch_operands = 2 : i64, tpu.core_type = #tpu.core_type<tc>, window_params = [{transform_indices = @transform_0, window_bounds = array<i64: 2, 2560, 128>}, {transform_indices = @transform_1, window_bounds = array<i64: 2560, 128>}, {transform_indices = @transform_2, window_bounds = array<i64: 2, 2560>}, {pipeline_mode = #tpu.pipeline_mode<synchronous>, transform_indices = @transform_3, window_bounds = array<i64: 1, 128>}, {transform_indices = @transform_4, window_bounds = array<i64: 2560, 1>}, {pipeline_mode = #tpu.pipeline_mode<synchronous>, transform_indices = @transform_5, window_bounds = array<i64: 16, 128>}]} {
    %eq3A = arith.constant 0 : i32
    %eq3A_0 = arith.cmpi eq, %arg0, %eq3A : i32
    %convert_element_type3A = arith.extui %eq3A_0 : i1 to i32
    %cond3A = arith.constant 0 : i32
    %cond3A_1 = arith.cmpi ne, %convert_element_type3A, %cond3A : i32
    scf.if %cond3A_1 {
      %broadcast_in_dim3A = arith.constant 0.000000e+00 : f32
      %broadcast_in_dim3A_74 = vector.broadcast %broadcast_in_dim3A : f32 to vector<16x128xf32>
      %swap3A_75 = arith.constant 0 : index
      %swap3A_76 = arith.constant 0 : index
      %swap3A_77 = vector.load %arg7[%swap3A_75, %swap3A_76] : memref<16x128xf32, #tpu.memory_space<vmem>>, vector<16x128xf32>
      tpu.vector_store %arg7[%swap3A_75, %swap3A_76], %broadcast_in_dim3A_74 {strides = array<i32>} : memref<16x128xf32, #tpu.memory_space<vmem>>, vector<16x128xf32>,
      %broadcast_in_dim3A_78 = arith.constant 0.000000e+00 : f32
      %broadcast_in_dim3A_79 = vector.broadcast %broadcast_in_dim3A_78 : f32 to vector<16x1xf32>
      %swap3A_80 = arith.constant 0 : index
      %swap3A_81 = arith.constant 0 : index
      %swap3A_82 = vector.load %arg8[%swap3A_80, %swap3A_81] : memref<16x1xf32, #tpu.memory_space<vmem>>, vector<16x1xf32>
      tpu.vector_store %arg8[%swap3A_80, %swap3A_81], %broadcast_in_dim3A_79 {strides = array<i32>} : memref<16x1xf32, #tpu.memory_space<vmem>>, vector<16x1xf32>,
    } else {
    }
    %get3A = arith.constant 0 : index
    %get3A_2 = arith.constant 0 : index
    %get3A_3 = vector.load %arg3[%get3A, %get3A_2] : memref<2x2560xf32, #tpu.memory_space<vmem>>, vector<1x2560xf32>
    %add3A = arith.constant 1.000000e+00 : f32
    %add3A_4 = vector.broadcast %add3A : f32 to vector<1x2560xf32>
    %add3A_5 = arith.addf %add3A_4, %get3A_3 : vector<1x2560xf32>
    %get3A_6 = arith.constant 1 : index
    %get3A_7 = arith.constant 0 : index
    %get3A_8 = vector.load %arg3[%get3A_6, %get3A_7] : memref<2x2560xf32, #tpu.memory_space<vmem>>, vector<1x2560xf32>
    %add3A_9 = arith.addf %add3A_5, %get3A_8 : vector<1x2560xf32>
    %rsqrt3A = math.rsqrt %add3A_9 : vector<1x2560xf32>
    %transpose3A = tpu.transpose %rsqrt3A, [1, 0] : vector<1x2560xf32> -> vector<2560x1xf32>
    %get3A_10 = arith.constant 0 : index
    %get3A_11 = arith.constant 0 : index
    %get3A_12 = arith.constant 0 : index
    %get3A_13 = vector.load %arg1[%get3A_10, %get3A_11, %get3A_12] : memref<2x2560x128xf32, #tpu.memory_space<vmem>>, vector<1x2560x128xf32>
    %get3A_14 = vector.shape_cast %get3A_13 : vector<1x2560x128xf32> to vector<2560x128xf32>
    %get3A_15 = arith.constant 1 : index
    %get3A_16 = arith.constant 0 : index
    %get3A_17 = arith.constant 0 : index
    %get3A_18 = vector.load %arg1[%get3A_15, %get3A_16, %get3A_17] : memref<2x2560x128xf32, #tpu.memory_space<vmem>>, vector<1x2560x128xf32>
    %get3A_19 = vector.shape_cast %get3A_18 : vector<1x2560x128xf32> to vector<2560x128xf32>
    %add3A_20 = arith.addf %get3A_14, %get3A_19 : vector<2560x128xf32>
    %get3A_21 = arith.constant 0 : index
    %get3A_22 = arith.constant 0 : index
    %get3A_23 = vector.load %arg2[%get3A_21, %get3A_22] : memref<2560x128xf32, #tpu.memory_space<vmem>>, vector<2560x128xf32>
    %sub3A = arith.subf %add3A_20, %get3A_23 : vector<2560x128xf32>
    %mul3A = vector.broadcast %transpose3A : vector<2560x1xf32> to vector<2560x128xf32>
    %mul3A_24 = arith.mulf %sub3A, %mul3A : vector<2560x128xf32>
    %get3A_25 = arith.constant 0 : index
    %get3A_26 = arith.constant 0 : index
    %get3A_27 = vector.load %arg4[%get3A_25, %get3A_26] : memref<1x128xf32, #tpu.memory_space<vmem>>, vector<1x128xf32>
    %add3A_28 = vector.broadcast %get3A_27 : vector<1x128xf32> to vector<2560x128xf32>
    %add3A_29 = arith.addf %mul3A_24, %add3A_28 : vector<2560x128xf32>
    %gt3A = arith.constant 0.000000e+00 : f32
    %gt3A_30 = vector.broadcast %gt3A : f32 to vector<2560x128xf32>
    %gt3A_31 = arith.cmpf ogt, %add3A_29, %gt3A_30 : vector<2560x128xf32>
    %exp3A = math.exp %add3A_29 : vector<2560x128xf32>
    %sub3A_32 = arith.constant 1.000000e+00 : f32
    %sub3A_33 = vector.broadcast %sub3A_32 : f32 to vector<2560x128xf32>
    %sub3A_34 = arith.subf %exp3A, %sub3A_33 : vector<2560x128xf32>
    %select_n3A = arith.select %gt3A_31, %add3A_29, %sub3A_34 : vector<2560x128xi1>, vector<2560x128xf32>
    %iota3A = tpu.iota {dimensions = array<i32: 0>} : vector<2560x1xi32>
    %mul3A_35 = arith.constant 2560 : i32
    %mul3A_36 = arith.muli %arg0, %mul3A_35 : i32
    %add3A_37 = vector.broadcast %mul3A_36 : i32 to vector<2560x1xi32>
    %add3A_38 = arith.addi %iota3A, %add3A_37 : vector<2560x1xi32>
    %lt3A = arith.constant 10000 : i32
    %lt3A_39 = vector.broadcast %lt3A : i32 to vector<2560x1xi32>
    %lt3A_40 = arith.cmpi slt, %add3A_38, %lt3A_39 : vector<2560x1xi32>
    %convert_element_type3A_41 = arith.extui %lt3A_40 : vector<2560x1xi1> to vector<2560x1xi32>
    %convert_element_type3A_42 = arith.sitofp %convert_element_type3A_41 : vector<2560x1xi32> to vector<2560x1xf32>
    %mul3A_43 = vector.broadcast %convert_element_type3A_42 : vector<2560x1xf32> to vector<2560x128xf32>
    %mul3A_44 = arith.mulf %select_n3A, %mul3A_43 : vector<2560x128xf32>
    %get3A_45 = arith.constant 0 : index
    %get3A_46 = arith.constant 0 : index
    %get3A_47 = vector.load %arg5[%get3A_45, %get3A_46] : memref<2560x1xi32, #tpu.memory_space<vmem>>, vector<2560x1xi32>
    %iota3A_48 = tpu.iota {dimensions = array<i32: 1>} : vector<2560x16xi32>
    %eq3A_49 = vector.broadcast %get3A_47 : vector<2560x1xi32> to vector<2560x16xi32>
    %eq3A_50 = arith.cmpi eq, %eq3A_49, %iota3A_48 : vector<2560x16xi32>
    %convert_element_type3A_51 = arith.extui %eq3A_50 : vector<2560x16xi1> to vector<2560x16xi32>
    %convert_element_type3A_52 = arith.sitofp %convert_element_type3A_51 : vector<2560x16xi32> to vector<2560x16xf32>
    %get3A_53 = arith.constant 0 : index
    %get3A_54 = arith.constant 0 : index
    %get3A_55 = vector.load %arg7[%get3A_53, %get3A_54] : memref<16x128xf32, #tpu.memory_space<vmem>>, vector<16x128xf32>
    %dot_general3A = arith.constant dense<0.000000e+00> : vector<16x128xf32>
    %dot_general3A_56 = tpu.matmul %convert_element_type3A_52, %mul3A_44, %dot_general3A {dimension_numbers = #tpu.dot_dimension_numbers<[0], [0], [1], [1], [0, 1, 1, 1], [], []>, transpose_lhs_hint = false} : vector<2560x16xf32>, vector<2560x128xf32>, vector<16x128xf32> -> vector<16x128xf32>
    %add3A_57 = arith.addf %get3A_55, %dot_general3A_56 : vector<16x128xf32>
    %swap3A = arith.constant 0 : index
    %swap3A_58 = arith.constant 0 : index
    %swap3A_59 = vector.load %arg7[%swap3A, %swap3A_58] : memref<16x128xf32, #tpu.memory_space<vmem>>, vector<16x128xf32>
    tpu.vector_store %arg7[%swap3A, %swap3A_58], %add3A_57 {strides = array<i32>} : memref<16x128xf32, #tpu.memory_space<vmem>>, vector<16x128xf32>,
    %get3A_60 = arith.constant 0 : index
    %get3A_61 = arith.constant 0 : index
    %get3A_62 = vector.load %arg8[%get3A_60, %get3A_61] : memref<16x1xf32, #tpu.memory_space<vmem>>, vector<16x1xf32>
    %dot_general3A_63 = arith.constant dense<0.000000e+00> : vector<16x1xf32>
    %dot_general3A_64 = tpu.matmul %convert_element_type3A_52, %convert_element_type3A_42, %dot_general3A_63 {dimension_numbers = #tpu.dot_dimension_numbers<[0], [0], [1], [1], [0, 1, 1, 1], [], []>, transpose_lhs_hint = false} : vector<2560x16xf32>, vector<2560x1xf32>, vector<16x1xf32> -> vector<16x1xf32>
    %add3A_65 = arith.addf %get3A_62, %dot_general3A_64 : vector<16x1xf32>
    %swap3A_66 = arith.constant 0 : index
    %swap3A_67 = arith.constant 0 : index
    %swap3A_68 = vector.load %arg8[%swap3A_66, %swap3A_67] : memref<16x1xf32, #tpu.memory_space<vmem>>, vector<16x1xf32>
    tpu.vector_store %arg8[%swap3A_66, %swap3A_67], %add3A_65 {strides = array<i32>} : memref<16x1xf32, #tpu.memory_space<vmem>>, vector<16x1xf32>,
    %eq3A_69 = arith.constant 3 : i32
    %eq3A_70 = arith.cmpi eq, %arg0, %eq3A_69 : i32
    %convert_element_type3A_71 = arith.extui %eq3A_70 : i1 to i32
    %cond3A_72 = arith.constant 0 : i32
    %cond3A_73 = arith.cmpi ne, %convert_element_type3A_71, %cond3A_72 : i32
    scf.if %cond3A_73 {
      %get3A_74 = arith.constant 0 : index
      %get3A_75 = arith.constant 0 : index
      %get3A_76 = vector.load %arg7[%get3A_74, %get3A_75] : memref<16x128xf32, #tpu.memory_space<vmem>>, vector<16x128xf32>
      %get3A_77 = arith.constant 0 : index
      %get3A_78 = arith.constant 0 : index
      %get3A_79 = vector.load %arg8[%get3A_77, %get3A_78] : memref<16x1xf32, #tpu.memory_space<vmem>>, vector<16x1xf32>
      %max3A = arith.constant 1.000000e+00 : f32
      %max3A_80 = vector.broadcast %max3A : f32 to vector<16x1xf32>
      %max3A_81 = arith.maximumf %get3A_79, %max3A_80 : vector<16x1xf32>
      %div3A = vector.broadcast %max3A_81 : vector<16x1xf32> to vector<16x128xf32>
      %div3A_82 = arith.divf %get3A_76, %div3A : vector<16x128xf32>
      %swap3A_83 = arith.constant 0 : index
      %swap3A_84 = arith.constant 0 : index
      %swap3A_85 = vector.load %arg6[%swap3A_83, %swap3A_84] : memref<16x128xf32, #tpu.memory_space<vmem>>, vector<16x128xf32>
      tpu.vector_store %arg6[%swap3A_83, %swap3A_84], %div3A_82 {strides = array<i32>} : memref<16x128xf32, #tpu.memory_space<vmem>>, vector<16x128xf32>,
    } else {
    }
    return
  }
  func.func @transform_0(%arg0: i32) -> (i32, i32, i32) {
    %c0_i32 = arith.constant 0 : i32
    %c0_i32_0 = arith.constant 0 : i32
    %c0_i32_1 = arith.constant 0 : i32
    return %c0_i32, %arg0, %c0_i32_0 : i32, i32, i32
  }
  func.func @transform_1(%arg0: i32) -> (i32, i32) {
    %c0_i32 = arith.constant 0 : i32
    %c0_i32_0 = arith.constant 0 : i32
    return %arg0, %c0_i32 : i32, i32
  }
  func.func @transform_2(%arg0: i32) -> (i32, i32) {
    %c0_i32 = arith.constant 0 : i32
    %c0_i32_0 = arith.constant 0 : i32
    return %c0_i32, %arg0 : i32, i32
  }
  func.func @transform_3(%arg0: i32) -> (i32, i32) {
    %c0_i32 = arith.constant 0 : i32
    %c0_i32_0 = arith.constant 0 : i32
    %c0_i32_1 = arith.constant 0 : i32
    return %c0_i32, %c0_i32_0 : i32, i32
  }
  func.func @transform_4(%arg0: i32) -> (i32, i32) {
    %c0_i32 = arith.constant 0 : i32
    %c0_i32_0 = arith.constant 0 : i32
    return %arg0, %c0_i32 : i32, i32
  }
  func.func @transform_5(%arg0: i32) -> (i32, i32) {
    %c0_i32 = arith.constant 0 : i32
    %c0_i32_0 = arith.constant 0 : i32
    %c0_i32_1 = arith.constant 0 : i32
    return %c0_i32, %c0_i32_0 : i32, i32
  }
}

</mosaic_0001>

<sc_bundles>
// kernel: kernel.12.cloned.1.call-start
scs
__scs_entry_jumppad:
0x0: {  	(pc) =	sbr.rel $0x88, $3  }
0x1: {  	(tag) =	ssettag $0x0;
	lr =	simm.s32 $0x1  }
0x2: {  	[smem:$0x3F9A] =	sst lr;
	_ =	strace $0xD0000000  }
0x3: {  	_ = 	snop  }
0x4: {  	_ = 	snop  }
0x5: {  	_ = 	snop  }
0x6: {  	_ = 	snop  }
0x7: {  	_ = 	snop  }
__scs_overlays_trampoline_lowered:
0x8: {  	[smem:$0x3FA9] =	sst s0  }
0x9: {  	[smem:$0x3FAA] =	sst s1  }
0xa: {  	[smem:$0x3FAB] =	sst s2  }
0xb: {  	[smem:$0x3FAC] =	sst s3  }
0xc: {  	[smem:$0x3FAD] =	sst s4  }
0xd: {  	[smem:$0x3FAE] =	sst s5  }
0xe: {  	[smem:$0x3FAF] =	sst s6  }
0xf: {  	[smem:$0x3FB0] =	sst s7  }
0x10: {  	[smem:$0x3FB1] =	sst s8  }
0x11: {  	[smem:$0x3FB2] =	sst s9;
	s0 =	simm.s32 @!p0 $0x0  }
0x12: {  	s1 =	sld [smem:$0x3F98];
	s0 =	simm.s32 @p0 $0x1  }
0x13: {  	[smem:$0x3FB3] =	sst s0;
	s0 =	simm.s32 @!p1 $0x0  }
0x14: {  	s2 =	sld [smem:$0x3F97];
	s0 =	simm.s32 @p1 $0x1  }
0x15: {  	[smem:$0x3FB4] =	sst s0;
	s0 =	simm.s32 @!p2 $0x0  }
0x16: {  	s3 =	sld [smem:$0x3FDB];
	s0 =	simm.s32 @p2 $0x1  }
0x17: {  	s4 =	simm.s32 $0x1BF5;
	[smem:$0x3FB6] =	sst s0  }
0x18: {  	s0 =	sld [smem:$0x3F99];
	_ =	swait.ge [sflag:s4], $0x0  }
0x19: {  	s7 =	sld [smem:$0x3F9A]  }
0x1a: {  	s8 =	sadd.s32 $0xFFFFE003, lr  }
0x1b: {  	s9 =	sadd.s32 $0xFFFFFEF7, lr;
	s5 =	simm.s32 $0xFFFFFFFF;
	p2 =	slt.u32 s8, $0xFFFFF086  }
0x1c: {  	p1 =	slt.u32 s9, $0xF7A;
	s5 =	simm.s32 @!p2 $0x0  }
0x1d: {  	s5 =	simm.s32 @p1 $0x1;
	p0 =	seq.s32 s7, s2  }
0x1e: {  	s7 =	smul.u32 @!p0 $0xF7A, s2;
	p2 =	seq.s32 @!p0 s5, $0x0  }
0x1f: {  	s9 =	smul.u32 $0xF7A, s1;
	s8 =	simm.s32 @!p0 $0x1BF5;
	p2 =	por !p2, p0  }
0x20: {  	[sflag:s8] =	ssyncset.s32 @!p0 $0xFFFFF086;
	s6 =	sadd.s32 @!p0 s3, s7;
	s7 =	simm.s32 @!p0 $0x108  }
0x21: {  	s3 =	sadd.s32 s3, s9;
	s6 =	sadd.s32 @!p0 $0x88, s6;
	s7 =	simm.s32 @p2 $0x1082  }
0x22: {  	[simem:s7], [sflag:s8] =	dma.local @!p0 [hbm:s6], $0xF7A  }
0x23: {  	s9 =	sor.u32 $0xD0000000, s2;
	s6 =	simm.s32 $0x108;
	_ =	swait.ge @!p0 [sflag:s8], $0x0  }
0x24: {  	s3 =	sadd.s32 $0x88, s3;
	s6 =	simm.s32 @!p1 $0x1082;
	[sflag:s4] =	ssyncset.s32 $0xFFFFF086  }
0x25: {  	[simem:s6], [sflag:s4] =	dma.local [hbm:s3], $0xF7A  }
0x26: {  	[smem:$0x3F9A] =	sst s1;
	(tag) =	ssettag s2;
	_ =	strace s9  }
0x27: {  	s1 =	sld [smem:$0x3FAA]  }
0x28: {  	s2 =	sld [smem:$0x3FAB]  }
0x29: {  	s4 =	sld [smem:$0x3FAD]  }
0x2a: {  	p0 =	seq.s32 s5, $0x0;
	s5 =	sld [smem:$0x3FAE]  }
0x2b: {  	s6 =	sld [smem:$0x3FAF]  }
0x2c: {  	s7 =	sld [smem:$0x3FB0]  }
0x2d: {  	s3 =	simm.s32 $0x108;
	s8 =	sld [smem:$0x3FB1]  }
0x2e: {  	s3 =	simm.s32 @!p0 $0x1082;
	s9 =	sld [smem:$0x3FB2]  }
0x2f: {  	lr =	sadd.s32 s0, s3;
	s0 =	sld [smem:$0x3FA9]  }
0x30: {  	s3 =	sld [smem:$0x3FAC]  }
0x31: {  	[smem:$0x3FB5] =	sst s10  }
0x32: {  	s10 =	sld [smem:$0x3FB3];
	_ =	sdelay $0x3  }
0x33: {  	p0 =	seq.s32 s10, $0x1;
	s10 =	sld [smem:$0x3FB5];
	_ =	sdelay $0x3  }
0x34: {  	[smem:$0x3FB5] =	sst s10  }
0x35: {  	s10 =	sld [smem:$0x3FB4];
	_ =	sdelay $0x3  }
0x36: {  	p1 =	seq.s32 s10, $0x1;
	s10 =	sld [smem:$0x3FB5];
	_ =	sdelay $0x3  }
0x37: {  	[smem:$0x3FB5] =	sst s10  }
0x38: {  	s10 =	sld [smem:$0x3FB6]  }
0x39: {  	_ = 	snop;
	(pc) =	sbr.ind lr, $3  }
0x3a: {  	_ = 	snop  }
0x3b: {  	_ = 	snop  }
0x3c: {  	p2 =	seq.s32 s10, $0x1;
	s10 =	sld [smem:$0x3FB5]  }
0x3d: {  	_ =	shalt  }
0x3e: {  	_ =	shalt  }
0x3f: {  	_ =	shalt  }
0x40: {  	_ =	shalt  }
0x41: {  	_ =	shalt  }
0x42: {  	_ =	shalt  }
0x43: {  	_ =	shalt  }
0x44: {  	_ =	shalt  }
0x45: {  	_ =	shalt  }
0x46: {  	_ =	shalt  }
0x47: {  	_ =	shalt  }
0x48: {  	_ =	shalt  }
0x49: {  	_ =	shalt  }
0x4a: {  	_ =	shalt  }
0x4b: {  	_ =	shalt  }
0x4c: {  	_ =	shalt  }
0x4d: {  	_ =	shalt  }
0x4e: {  	_ =	shalt  }
0x4f: {  	_ =	shalt  }
0x50: {  	_ =	shalt  }
0x51: {  	_ =	shalt  }
0x52: {  	_ =	shalt  }
0x53: {  	_ =	shalt  }
0x54: {  	_ =	shalt  }
0x55: {  	_ =	shalt  }
0x56: {  	_ =	shalt  }
0x57: {  	_ =	shalt  }
0x58: {  	_ =	shalt  }
0x59: {  	_ =	shalt  }
0x5a: {  	_ =	shalt  }
0x5b: {  	_ =	shalt  }
0x5c: {  	_ =	shalt  }
0x5d: {  	_ =	shalt  }
0x5e: {  	_ =	shalt  }
0x5f: {  	_ =	shalt  }
0x60: {  	_ =	shalt  }
0x61: {  	_ =	shalt  }
0x62: {  	_ =	shalt  }
0x63: {  	_ =	shalt  }
0x64: {  	_ =	shalt  }
0x65: {  	_ =	shalt  }
0x66: {  	_ =	shalt  }
0x67: {  	_ =	shalt  }
0x68: {  	_ =	shalt  }
0x69: {  	_ =	shalt  }
0x6a: {  	_ =	shalt  }
0x6b: {  	_ =	shalt  }
0x6c: {  	_ =	shalt  }
0x6d: {  	_ =	shalt  }
0x6e: {  	_ =	shalt  }
0x6f: {  	_ =	shalt  }
0x70: {  	_ =	shalt  }
0x71: {  	_ =	shalt  }
0x72: {  	_ =	shalt  }
0x73: {  	_ =	shalt  }
0x74: {  	_ =	shalt  }
0x75: {  	_ =	shalt  }
0x76: {  	_ =	shalt  }
0x77: {  	_ =	shalt  }
0x78: {  	_ =	shalt  }
0x79: {  	_ =	shalt  }
0x7a: {  	_ =	shalt  }
0x7b: {  	_ =	shalt  }
0x7c: {  	_ =	shalt  }
0x7d: {  	_ =	shalt  }
0x7e: {  	_ =	shalt  }
0x7f: {  	_ =	shalt  }
0x80: {  	_ =	shalt  }
0x81: {  	_ =	shalt  }
0x82: {  	_ =	shalt  }
0x83: {  	_ =	shalt  }
0x84: {  	_ =	shalt  }
0x85: {  	_ =	shalt  }
0x86: {  	_ =	shalt  }
0x87: {  	_ =	shalt  }
.Lfunc_end0:
.L_simem_size_0:
called_computation.1_lowered:
.L_overlay_start_0:
0x88: {  	s2 =	sld [smem:$0x3FD9]  }
0x89: {  	s3 =	sld [smem:$0x3FFE];
	_ =	sdelay $0x1  }
0x8a: {  	s1 =	srdreg.scid  }
0x8b: {  	s0 =	sand.u32 $0x1, s1  }
0x8c: {  	s16 =	sshll.u32 s0, $0xA;
	s2 =	sadd.s32 s3, s2  }
0x8d: {  	s2 =	sadd.s32 s2, s16  }
0x8e: {  	[smem:$0x3FC1] =	sst s2  }
0x8f: {  	_ = 	snop  }
0x90: {  	(tm) =	ssettm $0x1  }
0x91: {  	s17 =	sld [smem:$0x3FFB];
	_ =	sdelay $0x3  }
0x92: {  	_ =	strace s17  }
0x93: {  	s2 =	sld [smem:$0x3FFC];
	_ =	sdelay $0x3  }
0x94: {  	_ =	strace s2  }
0x95: {  	s2 =	sld [smem:$0x3FFD];
	_ =	sdelay $0x3  }
0x96: {  	_ =	strace s2  }
0x97: {  	_ =	strace $0x8FFFFFFF  }
0x98: {  	s18 =	sld [smem:$0x3FDB];
	_ =	sdelay $0x1  }
0x99: {  	s19 =	simm.s32 $_scs_section_size  }
0x9a: {  	s4 =	simm.s32 $_size__tile_overlayer_lowered;
	s5 =	simm.s32 $_tile_overlayer_lowered  }
0x9b: {  	s22 =	simm.s32 $0x1BFF;
	s21 =	sshll.u32 s5, $0x1;
	s2 =	sadd.s32 s19, s18  }
0x9c: {  	s6 =	simm.s32 $0x0;
	s20 =	sshll.u32 s4, $0x1;
	s4 =	sadd.s32 s21, s2  }
0x9d: {  	[timem:s6], [sflag:s22] =	dma.local [hbm:s4], s20  }
0x9e: {  	_ =	swait.ge [sflag:s22], s20  }
0x9f: {  	s3 =	ssub.s32 $0x0, s20;
	[sflag:s22] =	ssyncset.done $0x0  }
0xa0: {  	[sflag:s22] =	ssyncadd.s32 s3;
	_ =	sdelay $0x1  }
0xa1: {  	s23 =	simm.s32 $0x1B8B  }
0xa2: {  	_ =	swait.ge [sflag:s23], $0x1  }
0xa3: {  	[sflag:s23] =	ssyncset.done $0x0  }
0xa4: {  	s25 =	simm.s32 $0x1B8E;
	s24 =	sld [smem:$0x3FFE];
	[sflag:s23] =	ssyncadd.s32 $0xFFFFFFFF  }
0xa5: {  	s26 =	simm.s32 $execute0_lowered;
	[smem:$0x3FD2] =	sst s25  }
0xa6: {  	s4 =	sshll.u32 s26, $0x1;
	_ =	strace $0x80000049;
	[dreg:$0x1] =	wrdreg $0xFFFFFFFF  }
0xa7: {  	s28 =	simm.s32 $_size_execute0_lowered;
	s2 =	sadd.s32 s2, s4;
	[dreg:$0x0] =	wrdreg $0x0  }
0xa8: {  	s4 =	sshll.u32 s28, $0x1;
	[dreg:$0x2] =	wrdreg s2  }
0xa9: {  	[dreg:$0x3] =	wrdreg s4  }
0xaa: {  	[dreg:$0x4] =	wrdreg $0xC0  }
0xab: {  	_ =	task [dreg:s6], $0x5FFFF  }
0xac: {  	[dreg:$0x1] =	wrdreg $0xFFFFFFFF  }
0xad: {  	[dreg:$0x0] =	wrdreg $0x60  }
0xae: {  	[dreg:$0x2] =	wrdreg s24  }
0xaf: {  	[dreg:$0x3] =	wrdreg $0x8A000  }
0xb0: {  	[dreg:$0x4] =	wrdreg $0x9  }
0xb1: {  	_ =	task.clear_ibuf [dreg:s6], $0x5FFFF;
	_ =	strace $0x90000049  }
0xb2: {  	s29 =	simm.s32 $0x9;
	_ =	strace $0x8000004B  }
0xb3: {  	_ =	swait.ge [sflag:s29], $0x1  }
0xb4: {  	[sflag:s29] =	ssyncadd.s32 $0xFFFFFFFF  }
0xb5: {  	_ =	strace $0x9000004B  }
0xb6: {  	_ =	sfence  }
0xb7: {  	s30 =	sld [smem:$0x0];
	_ =	sdelay $0x2  }
0xb8: {  	s31 =	sshll.u32 s1, $0xD;
	s1 =	sshrl.u32 s1, $0x2  }
0xb9: {  	s3 =	sand.u32 $0x4000, s31;
	s1 =	sadd.s32 s1, s30  }
0xba: {  	s0 =	sor.u32 s3, s0;
	s1 =	sshll.u32 s1, $0x11  }
0xbb: {  	s0 =	sor.u32 s1, s0  }
0xbc: {  	s0 =	sadd.s32 $0x8F2B, s0  }
0xbd: {  	[sflag:s0] =	ssyncadd.remote.s32 $0x1  }
0xbe: {  	_ =	sfence.sel $0xFFFF  }
0xbf: {  	[dreg:$0x0] =	wrdreg $0xFFFFFFFF;
	(pc) =	sbr.abs _section_cstart, $3  }
0xc0: {  	[dreg:$0x1] =	wrdreg $0xFFFFFFFF  }
0xc1: {  	_ =	task.clear_ibuf [dreg:s6], $0x2FFFF;
	_ =	strace $0x9FFFFFFF  }
0xc2: {  	(tm) =	ssettm $0x7FFFFFFF  }
0xc3: {  	_ =	shalt  }
tec
execute0_lowered:
.L_overlay_start_1:
0x0: {  	(tag) =	ssettag $0x1  }
0x1: {  	s5 =	rddreg [dreg:$0x0]  }
0x2: {  	s2 =	rddreg [dreg:$0x1]  }
0x3: {  	s0 =	rddreg [dreg:$0x2]  }
0x4: {  	s4 =	srdreg.scid;
	s1 =	stileid.u32  }
0x5: {  	s3 =	simm.s32 $0x0;
	s12 =	simm.s32 $0x2A00;
	s13 =	simm.s32 $0x2880  }
0x6: {  	s14 =	simm.s32 $0x4A00;
	s15 =	simm.s32 $0x2900;
	s16 =	simm.s32 $0x6A00  }
0x7: {  	s19 =	simm.s32 $0x1;
	s20 =	simm.s32 $0x2980;
	s21 =	simm.s32 $0x2  }
0x8: {  	s22 =	simm.s32 $0x3;
	s23 =	simm.s32 $0x0;
	s7 =	smul.u32 $0x14000, s1  }
0x9: {  	s6 =	sand.u32 $0x1, s4;
	[smem:$0x7FF] =	sst s3;
	s10 =	smul.u32 $0x50000, s1  }
0xa: {  	s17 =	sshll.u32 s1, $0x6;
	s4 =	sshll.u32 s6, $0x4;
	s8 =	smul.u32 $0x140000, s6  }
0xb: {  	_ =	strace $0x8000004A;
	s6 =	ssub.s32 $0x2, s6;
	s17 =	sor.u32 $0x1C04, s17  }
0xc: {  	s9 =	sor.u32 s1, s4;
	s4 =	sadd.s32 $0x17200, s5;
	s30 =	sshrl.u32 s6, $0x1  }
0xd: {  	s31 =	sshrl.u32 s10, $0x2;
	s10 =	simm.s32 $0x40;
	s9 =	smul.u32 $0x500, s9  }
.Ltmp0:
0xe: {  	s8 =	sadd.s32 s7, s8;
	s11 =	ssub.s32 s6, s30;
	(pc) =	sbr.rel .LBB2_1-.Ltmp0, $4  }
0xf: {  	s7 =	sshrl.u32 s7, $0x3;
	s18 =	sadd.s32 s31, s2;
	s8 =	sshrl.u32 s8, $0x3  }
0x10: {  	s6 =	sadd.s32 s4, s7;
	s9 =	sadd.s32 s9, s5;
	s8 =	sadd.s32 s8, s5  }
0x11: {  	s18 =	sshrl.u32 s18, $0x3;
	s5 =	sadd.s32 $0xD200, s9;
	s7 =	sadd.s32 $0x3F200, s8  }
0x12: {  	s8 =	smax.u32 s11, $0x1;
	s9 =	simm.s32 $0x4;
	s11 =	simm.s32 $0x2800  }
.LBB2_4:
0x13: {  	_ =	swait.ge [sflag:s19], $0x2000  }
0x14: {  	[sflag:s19] =	ssyncset.done $0x0  }
0x15: {  	[sflag:s19] =	ssyncadd.s32 $0xFFFFE000  }
0x16: {  	v0 =	vld [tilespmem:$0x27C0]  }
0x17: {  	v1 =	vld [tilespmem:$0x27D0]  }
0x18: {  	v2 =	vld [tilespmem:$0x27E0]  }
0x19: {  	v3 =	vld [tilespmem:$0x27F0];
	_ =	sdelay $0x1  }
0x1a: {  	v0 =	vshrl.u32 v0, $0x10  }
0x1b: {  	v61 =	vshrl.u32 v1, $0x10;
	[tilespmem:$0x2980] =	vst v0  }
0x1c: {  	v62 =	vshrl.u32 v2, $0x10;
	[tilespmem:$0x2990] =	vst v61  }
0x1d: {  	v63 =	vshrl.u32 v3, $0x10;
	[tilespmem:$0x29A0] =	vst v62  }
0x1e: {  	[tilespmem:$0x29B0] =	vst v63  }
0x1f: {  	[spmem:s2] =	stream.indirect.scatter.add.f32 [tilespmem:s12], [sflag:$0x4], $0x80, s20, s10, $0xb8;
	[tilespmem:$0x1CA00] =	vst v63  }
0x20: {  	_ =	swait.ge [sflag:s9], $0x2000  }
0x21: {  	s23 =	sadd.s32 $0x1, s23;
	[sflag:s9] =	ssyncset.done $0x0  }
0x22: {  	p0 =	sne.s32 s23, s8;
	[sflag:s9] =	ssyncadd.s32 $0xFFFFE000  }
.Ltmp1:
0x23: {  	[bflag:$0x0] =	sbarrier.arrive $0xFFFF;
	(pc) =	sbr.rel @!p0 .LBB2_5-.Ltmp1, $4  }
0x24: {  	[hbm:s7], [sflag:s17] =	dma.local [spmem:s18], $0x2800  }
0x25: {  	_ =	swait.ge [sflag:s9], $0x2800  }
0x26: {  	[sflag:s9] =	ssyncset.done $0x0  }
0x27: {  	[sflag:s9] =	ssyncadd.s32 $0xFFFFD800  }
.LBB2_1:
0x28: {  	[tilespmem:s3], [sflag:$0x4] =	stream.linear.gather [hbm4b:s5+s3], $0x2800, $0x38;
	[tilespmem:$0x1CA00] =	vst v63  }
0x29: {  	_ =	swait.ge [sflag:s9], $0x2800  }
0x2a: {  	[sflag:s9] =	ssyncset.done $0x0  }
0x2b: {  	[sflag:s9] =	ssyncadd.s32 $0xFFFFD800  }
0x2c: {  	v0 =	vld [tilespmem:$0x0]  }
0x2d: {  	v1 =	vld [tilespmem:$0x10]  }
0x2e: {  	v2 =	vld [tilespmem:$0x20]  }
0x2f: {  	v3 =	vld [tilespmem:$0x30];
	_ =	sdelay $0x1  }
0x30: {  	v0 =	vand.u32 $0xFFFF, v0  }
0x31: {  	v47 =	vand.u32 $0xFFFF, v1;
	[tilespmem:$0x2800] =	vst v0  }
0x32: {  	v48 =	vand.u32 $0xFFFF, v2;
	[tilespmem:$0x2810] =	vst v47  }
0x33: {  	v49 =	vand.u32 $0xFFFF, v3;
	[tilespmem:$0x2820] =	vst v48  }
0x34: {  	[tilespmem:$0x2830] =	vst v49  }
0x35: {  	[tilespmem:s12], [sflag:$0x1] =	stream.indirect.gather [hbm4b:s4+s10], $0x80, s11, s10, $0xb8;
	[tilespmem:$0x1CA00] =	vst v63  }
0x36: {  	v50 =	vld [tilespmem:$0x40]  }
0x37: {  	v51 =	vld [tilespmem:$0x50]  }
0x38: {  	v52 =	vld [tilespmem:$0x60]  }
0x39: {  	v53 =	vld [tilespmem:$0x70];
	_ =	sdelay $0x1  }
0x3a: {  	v0 =	vand.u32 $0xFFFF, v50  }
0x3b: {  	v54 =	vand.u32 $0xFFFF, v51;
	[tilespmem:$0x2880] =	vst v0  }
0x3c: {  	v55 =	vand.u32 $0xFFFF, v52;
	[tilespmem:$0x2890] =	vst v54  }
0x3d: {  	v56 =	vand.u32 $0xFFFF, v53;
	[tilespmem:$0x28A0] =	vst v55  }
0x3e: {  	[tilespmem:$0x28B0] =	vst v56  }
0x3f: {  	[tilespmem:s14], [sflag:$0x2] =	stream.indirect.gather [hbm4b:s4+s10], $0x80, s13, s10, $0xb8;
	[tilespmem:$0x1CA00] =	vst v63  }
0x40: {  	v57 =	vld [tilespmem:$0x80]  }
0x41: {  	v58 =	vld [tilespmem:$0x90]  }
0x42: {  	v59 =	vld [tilespmem:$0xA0]  }
0x43: {  	v60 =	vld [tilespmem:$0xB0];
	_ =	sdelay $0x1  }
0x44: {  	v0 =	vand.u32 $0xFFFF, v57  }
0x45: {  	v61 =	vand.u32 $0xFFFF, v58;
	[tilespmem:$0x2900] =	vst v0  }
0x46: {  	v62 =	vand.u32 $0xFFFF, v59;
	[tilespmem:$0x2910] =	vst v61  }
0x47: {  	v63 =	vand.u32 $0xFFFF, v60;
	[tilespmem:$0x2920] =	vst v62  }
0x48: {  	[tilespmem:$0x2930] =	vst v63  }
0x49: {  	[tilespmem:s16], [sflag:$0x3] =	stream.indirect.gather [hbm4b:s4+s10], $0x80, s15, s10, $0xb8;
	[tilespmem:$0x1CA00] =	vst v63  }
0x4a: {  	[spmem:s18], [sflag:s17] =	dma.local [hbm:s6], $0x2800  }
0x4b: {  	_ =	swait.ge [sflag:s9], $0x2800  }
0x4c: {  	[sflag:s9] =	ssyncset.done $0x0  }
0x4d: {  	[sflag:s9] =	ssyncadd.s32 $0xFFFFD800  }
0x4e: {  	s24 =	simm.s32 $0x140;
	s25 =	simm.s32 $0x0;
	[bflag:$0x0] =	sbarrier.arrive $0xFFFF  }
.LBB2_2:
0x4f: {  	_ =	swait.ge [sflag:s19], $0x2000;
	s28 =	sadd.s32 $0xFFFFFEC0, s24  }
0x50: {  	s26 =	sand.u32 $0x40, s25;
	[sflag:s19] =	ssyncset.done $0x0;
	s28 =	sand.u32 $0x3F80, s28  }
0x51: {  	[sflag:s19] =	ssyncadd.s32 $0xFFFFE000;
	s29 =	sor.u32 s26, s28  }
0x52: {  	v0 =	vld [tilespmem:s29+$0x0];
	_ =	sdelay $0x4  }
0x53: {  	v0 =	vshrl.u32 v0, $0x10  }
0x54: {  	[tilespmem:$0x2980] =	vst v0  }
0x55: {  	v0 =	vld [tilespmem:s29+$0x10];
	_ =	sdelay $0x4  }
0x56: {  	v0 =	vshrl.u32 v0, $0x10  }
0x57: {  	[tilespmem:$0x2990] =	vst v0  }
0x58: {  	v0 =	vld [tilespmem:s29+$0x20];
	_ =	sdelay $0x4  }
0x59: {  	v0 =	vshrl.u32 v0, $0x10  }
0x5a: {  	[tilespmem:$0x29A0] =	vst v0  }
0x5b: {  	v0 =	vld [tilespmem:s29+$0x30];
	_ =	sdelay $0x4  }
0x5c: {  	v0 =	vshrl.u32 v0, $0x10  }
0x5d: {  	[tilespmem:$0x29B0] =	vst v0  }
0x5e: {  	[spmem:s2] =	stream.indirect.scatter.add.f32 [tilespmem:s12], [sflag:$0x4], $0x80, s20, s10, $0xb8;
	[tilespmem:$0x1CA00] =	vst v63  }
0x5f: {  	_ =	swait.ge [sflag:s9], $0x2000  }
0x60: {  	s30 =	sadd.s32 $0xFFFFFF80, s24;
	[sflag:s9] =	ssyncset.done $0x0  }
0x61: {  	s29 =	sand.u32 $0x7FC0, s30;
	[sflag:s9] =	ssyncadd.s32 $0xFFFFE000  }
0x62: {  	v61 =	vld [tilespmem:s29+$0x0];
	_ =	sdelay $0x4  }
0x63: {  	v0 =	vand.u32 $0xFFFF, v61  }
0x64: {  	[tilespmem:$0x2800] =	vst v0  }
0x65: {  	v0 =	vld [tilespmem:s29+$0x10];
	_ =	sdelay $0x4  }
0x66: {  	v0 =	vand.u32 $0xFFFF, v0  }
0x67: {  	[tilespmem:$0x2810] =	vst v0  }
0x68: {  	v0 =	vld [tilespmem:s29+$0x20];
	_ =	sdelay $0x4  }
0x69: {  	v0 =	vand.u32 $0xFFFF, v0  }
0x6a: {  	[tilespmem:$0x2820] =	vst v0  }
0x6b: {  	v0 =	vld [tilespmem:s29+$0x30];
	_ =	sdelay $0x4  }
0x6c: {  	v0 =	vand.u32 $0xFFFF, v0  }
0x6d: {  	[tilespmem:$0x2830] =	vst v0  }
0x6e: {  	[tilespmem:s12], [sflag:$0x1] =	stream.indirect.gather [hbm4b:s4+s10], $0x80, s11, s10, $0xb8;
	[tilespmem:$0x1CA00] =	vst v63  }
0x6f: {  	_ =	swait.ge [sflag:s21], $0x2000  }
0x70: {  	s31 =	sadd.s32 $0xFFFFFF00, s24;
	[sflag:s21] =	ssyncset.done $0x0  }
0x71: {  	s29 =	sand.u32 $0x7FC0, s31;
	[sflag:s21] =	ssyncadd.s32 $0xFFFFE000  }
0x72: {  	v62 =	vld [tilespmem:s29+$0x0];
	_ =	sdelay $0x4  }
0x73: {  	v0 =	vshrl.u32 v62, $0x10  }
0x74: {  	[tilespmem:$0x2980] =	vst v0  }
0x75: {  	v0 =	vld [tilespmem:s29+$0x10];
	_ =	sdelay $0x4  }
0x76: {  	v0 =	vshrl.u32 v0, $0x10  }
0x77: {  	[tilespmem:$0x2990] =	vst v0  }
0x78: {  	v0 =	vld [tilespmem:s29+$0x20];
	_ =	sdelay $0x4  }
0x79: {  	v0 =	vshrl.u32 v0, $0x10  }
0x7a: {  	[tilespmem:$0x29A0] =	vst v0  }
0x7b: {  	v0 =	vld [tilespmem:s29+$0x30];
	_ =	sdelay $0x4  }
0x7c: {  	v0 =	vshrl.u32 v0, $0x10  }
0x7d: {  	p0 =	seq.s32 s25, $0xD00;
	[tilespmem:$0x29B0] =	vst v0  }
0x7e: {  	[spmem:s2] =	stream.indirect.scatter.add.f32 [tilespmem:s14], [sflag:$0x4], $0x80, s20, s10, $0xb8;
	[tilespmem:$0x1CA00] =	vst v63  }
0x7f: {  	s29 =	sadd.s32 @!p0 $0xFFFFFFC0, s24;
	_ =	swait.ge [sflag:s9], $0x2000  }
0x80: {  	s29 =	sand.u32 @!p0 $0x7F80, s29;
	[sflag:s9] =	ssyncset.done $0x0  }
0x81: {  	s29 =	sor.u32 @!p0 s26, s29;
	[sflag:s9] =	ssyncadd.s32 $0xFFFFE000  }
0x82: {  	v0 =	vld @!p0 [tilespmem:s29+$0x0];
	_ =	sdelay $0x4  }
0x83: {  	v0 =	vand.u32 @!p0 $0xFFFF, v0  }
0x84: {  	[tilespmem:$0x2880] =	vst @!p0 v0  }
0x85: {  	v0 =	vld @!p0 [tilespmem:s29+$0x10];
	_ =	sdelay $0x4  }
0x86: {  	v0 =	vand.u32 @!p0 $0xFFFF, v0  }
0x87: {  	[tilespmem:$0x2890] =	vst @!p0 v0  }
0x88: {  	v0 =	vld @!p0 [tilespmem:s29+$0x20];
	_ =	sdelay $0x4  }
0x89: {  	v0 =	vand.u32 @!p0 $0xFFFF, v0  }
0x8a: {  	[tilespmem:$0x28A0] =	vst @!p0 v0  }
0x8b: {  	v0 =	vld @!p0 [tilespmem:s29+$0x30];
	_ =	sdelay $0x4  }
0x8c: {  	v0 =	vand.u32 @!p0 $0xFFFF, v0  }
0x8d: {  	s30 =	simm.s32 @!p0 $0x2880;
	s31 =	simm.s32 @!p0 $0x4A00;
	s29 =	simm.s32 @!p0 $0x40;
	[tilespmem:$0x28B0] =	vst @!p0 v0  }
0x8e: {  	[tilespmem:s31], [sflag:$0x2] =	stream.indirect.gather @!p0 [hbm4b:s4+s29], $0x80, s30, s29, $0xb8;
	[tilespmem:$0x1CA00] =	vst v63  }
0x8f: {  	_ =	swait.ge [sflag:s22], $0x2000  }
0x90: {  	[sflag:s22] =	ssyncset.done $0x0  }
0x91: {  	s26 =	sadd.s32 s26, s28;
	[sflag:s22] =	ssyncadd.s32 $0xFFFFE000  }
0x92: {  	v63 =	vld [tilespmem:s26+$0x80];
	_ =	sdelay $0x4  }
0x93: {  	v0 =	vshrl.u32 v63, $0x10  }
0x94: {  	[tilespmem:$0x2980] =	vst v0  }
0x95: {  	v0 =	vld [tilespmem:s26+$0x90];
	_ =	sdelay $0x4  }
0x96: {  	v0 =	vshrl.u32 v0, $0x10  }
0x97: {  	[tilespmem:$0x2990] =	vst v0  }
0x98: {  	v0 =	vld [tilespmem:s26+$0xA0];
	_ =	sdelay $0x4  }
0x99: {  	v0 =	vshrl.u32 v0, $0x10  }
0x9a: {  	[tilespmem:$0x29A0] =	vst v0  }
0x9b: {  	v0 =	vld [tilespmem:s26+$0xB0];
	_ =	sdelay $0x4  }
0x9c: {  	v0 =	vshrl.u32 v0, $0x10  }
.Ltmp2:
0x9d: {  	[tilespmem:$0x29B0] =	vst v0;
	(pc) =	sbr.rel @p0 .LBB2_4-.Ltmp2, $4  }
0x9e: {  	[spmem:s2] =	stream.indirect.scatter.add.f32 [tilespmem:s16], [sflag:$0x4], $0x80, s20, s10, $0xb8;
	[tilespmem:$0x1CA00] =	vst v63  }
0x9f: {  	_ =	swait.ge [sflag:s9], $0x2000  }
0xa0: {  	[sflag:s9] =	ssyncset.done $0x0  }
0xa1: {  	[sflag:s9] =	ssyncadd.s32 $0xFFFFE000  }
0xa2: {  	s26 =	sand.u32 $0x7FC0, s24  }
0xa3: {  	v0 =	vld [tilespmem:s26+$0x0];
	_ =	sdelay $0x4  }
0xa4: {  	v0 =	vand.u32 $0xFFFF, v0  }
0xa5: {  	[tilespmem:$0x2900] =	vst v0  }
0xa6: {  	v0 =	vld [tilespmem:s26+$0x10];
	_ =	sdelay $0x4  }
0xa7: {  	v0 =	vand.u32 $0xFFFF, v0  }
0xa8: {  	[tilespmem:$0x2910] =	vst v0  }
0xa9: {  	v0 =	vld [tilespmem:s26+$0x20];
	_ =	sdelay $0x4  }
0xaa: {  	v0 =	vand.u32 $0xFFFF, v0  }
0xab: {  	[tilespmem:$0x2920] =	vst v0  }
0xac: {  	v0 =	vld [tilespmem:s26+$0x30];
	_ =	sdelay $0x2  }
.Ltmp3:
0xad: {  	_ = 	snop;
	(pc) =	sbr.rel .LBB2_2-.Ltmp3, $4  }
0xae: {  	_ = 	snop  }
0xaf: {  	v0 =	vand.u32 $0xFFFF, v0  }
0xb0: {  	s24 =	sadd.s32 $0xC0, s24;
	s25 =	sadd.s32 $0x40, s25;
	[tilespmem:$0x2930] =	vst v0  }
0xb1: {  	[tilespmem:s16], [sflag:$0x3] =	stream.indirect.gather [hbm4b:s4+s10], $0x80, s15, s10, $0xb8;
	[tilespmem:$0x1CA00] =	vst v63  }
.LBB2_5:
0xb2: {  	_ =	sfence.sel $0x180000  }
0xb3: {  	[bflag:$0x0] =	sbarrier.arrive $0xFFFF  }
0xb4: {  	p0 =	sne.s32 s1, $0x0;
	_ =	strace $0x9000004A  }
0xb5: {  	s0 =	sadd.s32 @!p0 $0x100000, s0;
	[bflag:$0x2] =	sbarrier.arrive $0xFFFF  }
0xb6: {  	[sflag:s0] =	ssyncadd.tile.s32 @!p0 $0x1;
	_ =	shalt  }
.Lfunc_end2:
_tile_overlayer_lowered:
.L_overlay_start_2:
0xb7: {  	(tag) =	ssettag $0x2  }
0xb8: {  	s0 =	rddreg [dreg:$0x0];
	s2 =	stileid.u32  }
0xb9: {  	s1 =	rddreg [dreg:$0x1];
	p0 =	sne.s32 s2, $0x0  }
0xba: {  	s3 =	rddreg [dreg:$0x2];
	[bflag:$0x3] =	sbarrier.arrive $0xFFFF;
	s2 =	simm.s32 @!p0 $0x1C04  }
0xbb: {  	[timem:s3], [sflag:s2] =	dma.local @!p0 [hbm:s0], s1  }
0xbc: {  	s0 =	simm.s32 @!p0 $0x4  }
0xbd: {  	_ =	swait.ge @!p0 [sflag:s0], s1  }
0xbe: {  	s1 =	ssub.s32 @!p0 $0x0, s1;
	[sflag:s0] =	ssyncset.done @!p0 $0x0  }
0xbf: {  	[sflag:s0] =	ssyncadd.s32 @!p0 s1  }
0xc0: {  	[bflag:$0x3] =	sbarrier.arrive $0xFFFF  }
0xc1: {  	_ =	shalt  }

// kernel: kernel.15.cloned.1.call-start
scs
__scs_entry_jumppad:
0x0: {  	(pc) =	sbr.rel $0x88, $3  }
0x1: {  	(tag) =	ssettag $0x0;
	lr =	simm.s32 $0x1  }
0x2: {  	[smem:$0x3F9A] =	sst lr;
	_ =	strace $0xD0000000  }
0x3: {  	_ = 	snop  }
0x4: {  	_ = 	snop  }
0x5: {  	_ = 	snop  }
0x6: {  	_ = 	snop  }
0x7: {  	_ = 	snop  }
__scs_overlays_trampoline_lowered:
0x8: {  	[smem:$0x3FA9] =	sst s0  }
0x9: {  	[smem:$0x3FAA] =	sst s1  }
0xa: {  	[smem:$0x3FAB] =	sst s2  }
0xb: {  	[smem:$0x3FAC] =	sst s3  }
0xc: {  	[smem:$0x3FAD] =	sst s4  }
0xd: {  	[smem:$0x3FAE] =	sst s5  }
0xe: {  	[smem:$0x3FAF] =	sst s6  }
0xf: {  	[smem:$0x3FB0] =	sst s7  }
0x10: {  	[smem:$0x3FB1] =	sst s8  }
0x11: {  	[smem:$0x3FB2] =	sst s9;
	s0 =	simm.s32 @!p0 $0x0  }
0x12: {  	s1 =	sld [smem:$0x3F98];
	s0 =	simm.s32 @p0 $0x1  }
0x13: {  	[smem:$0x3FB3] =	sst s0;
	s0 =	simm.s32 @!p1 $0x0  }
0x14: {  	s2 =	sld [smem:$0x3F97];
	s0 =	simm.s32 @p1 $0x1  }
0x15: {  	[smem:$0x3FB4] =	sst s0;
	s0 =	simm.s32 @!p2 $0x0  }
0x16: {  	s3 =	sld [smem:$0x3FDB];
	s0 =	simm.s32 @p2 $0x1  }
0x17: {  	s4 =	simm.s32 $0x1BF5;
	[smem:$0x3FB6] =	sst s0  }
0x18: {  	s0 =	sld [smem:$0x3F99];
	_ =	swait.ge [sflag:s4], $0x0  }
0x19: {  	s7 =	sld [smem:$0x3F9A]  }
0x1a: {  	s8 =	sadd.s32 $0xFFFFE003, lr  }
0x1b: {  	s9 =	sadd.s32 $0xFFFFFEF7, lr;
	s5 =	simm.s32 $0xFFFFFFFF;
	p2 =	slt.u32 s8, $0xFFFFF086  }
0x1c: {  	p1 =	slt.u32 s9, $0xF7A;
	s5 =	simm.s32 @!p2 $0x0  }
0x1d: {  	s5 =	simm.s32 @p1 $0x1;
	p0 =	seq.s32 s7, s2  }
0x1e: {  	s7 =	smul.u32 @!p0 $0xF7A, s2;
	p2 =	seq.s32 @!p0 s5, $0x0  }
0x1f: {  	s9 =	smul.u32 $0xF7A, s1;
	s8 =	simm.s32 @!p0 $0x1BF5;
	p2 =	por !p2, p0  }
0x20: {  	[sflag:s8] =	ssyncset.s32 @!p0 $0xFFFFF086;
	s6 =	sadd.s32 @!p0 s3, s7;
	s7 =	simm.s32 @!p0 $0x108  }
0x21: {  	s3 =	sadd.s32 s3, s9;
	s6 =	sadd.s32 @!p0 $0x88, s6;
	s7 =	simm.s32 @p2 $0x1082  }
0x22: {  	[simem:s7], [sflag:s8] =	dma.local @!p0 [hbm:s6], $0xF7A  }
0x23: {  	s9 =	sor.u32 $0xD0000000, s2;
	s6 =	simm.s32 $0x108;
	_ =	swait.ge @!p0 [sflag:s8], $0x0  }
0x24: {  	s3 =	sadd.s32 $0x88, s3;
	s6 =	simm.s32 @!p1 $0x1082;
	[sflag:s4] =	ssyncset.s32 $0xFFFFF086  }
0x25: {  	[simem:s6], [sflag:s4] =	dma.local [hbm:s3], $0xF7A  }
0x26: {  	[smem:$0x3F9A] =	sst s1;
	(tag) =	ssettag s2;
	_ =	strace s9  }
0x27: {  	s1 =	sld [smem:$0x3FAA]  }
0x28: {  	s2 =	sld [smem:$0x3FAB]  }
0x29: {  	s4 =	sld [smem:$0x3FAD]  }
0x2a: {  	p0 =	seq.s32 s5, $0x0;
	s5 =	sld [smem:$0x3FAE]  }
0x2b: {  	s6 =	sld [smem:$0x3FAF]  }
0x2c: {  	s7 =	sld [smem:$0x3FB0]  }
0x2d: {  	s3 =	simm.s32 $0x108;
	s8 =	sld [smem:$0x3FB1]  }
0x2e: {  	s3 =	simm.s32 @!p0 $0x1082;
	s9 =	sld [smem:$0x3FB2]  }
0x2f: {  	lr =	sadd.s32 s0, s3;
	s0 =	sld [smem:$0x3FA9]  }
0x30: {  	s3 =	sld [smem:$0x3FAC]  }
0x31: {  	[smem:$0x3FB5] =	sst s10  }
0x32: {  	s10 =	sld [smem:$0x3FB3];
	_ =	sdelay $0x3  }
0x33: {  	p0 =	seq.s32 s10, $0x1;
	s10 =	sld [smem:$0x3FB5];
	_ =	sdelay $0x3  }
0x34: {  	[smem:$0x3FB5] =	sst s10  }
0x35: {  	s10 =	sld [smem:$0x3FB4];
	_ =	sdelay $0x3  }
0x36: {  	p1 =	seq.s32 s10, $0x1;
	s10 =	sld [smem:$0x3FB5];
	_ =	sdelay $0x3  }
0x37: {  	[smem:$0x3FB5] =	sst s10  }
0x38: {  	s10 =	sld [smem:$0x3FB6]  }
0x39: {  	_ = 	snop;
	(pc) =	sbr.ind lr, $3  }
0x3a: {  	_ = 	snop  }
0x3b: {  	_ = 	snop  }
0x3c: {  	p2 =	seq.s32 s10, $0x1;
	s10 =	sld [smem:$0x3FB5]  }
0x3d: {  	_ =	shalt  }
0x3e: {  	_ =	shalt  }
0x3f: {  	_ =	shalt  }
0x40: {  	_ =	shalt  }
0x41: {  	_ =	shalt  }
0x42: {  	_ =	shalt  }
0x43: {  	_ =	shalt  }
0x44: {  	_ =	shalt  }
0x45: {  	_ =	shalt  }
0x46: {  	_ =	shalt  }
0x47: {  	_ =	shalt  }
0x48: {  	_ =	shalt  }
0x49: {  	_ =	shalt  }
0x4a: {  	_ =	shalt  }
0x4b: {  	_ =	shalt  }
0x4c: {  	_ =	shalt  }
0x4d: {  	_ =	shalt  }
0x4e: {  	_ =	shalt  }
0x4f: {  	_ =	shalt  }
0x50: {  	_ =	shalt  }
0x51: {  	_ =	shalt  }
0x52: {  	_ =	shalt  }
0x53: {  	_ =	shalt  }
0x54: {  	_ =	shalt  }
0x55: {  	_ =	shalt  }
0x56: {  	_ =	shalt  }
0x57: {  	_ =	shalt  }
0x58: {  	_ =	shalt  }
0x59: {  	_ =	shalt  }
0x5a: {  	_ =	shalt  }
0x5b: {  	_ =	shalt  }
0x5c: {  	_ =	shalt  }
0x5d: {  	_ =	shalt  }
0x5e: {  	_ =	shalt  }
0x5f: {  	_ =	shalt  }
0x60: {  	_ =	shalt  }
0x61: {  	_ =	shalt  }
0x62: {  	_ =	shalt  }
0x63: {  	_ =	shalt  }
0x64: {  	_ =	shalt  }
0x65: {  	_ =	shalt  }
0x66: {  	_ =	shalt  }
0x67: {  	_ =	shalt  }
0x68: {  	_ =	shalt  }
0x69: {  	_ =	shalt  }
0x6a: {  	_ =	shalt  }
0x6b: {  	_ =	shalt  }
0x6c: {  	_ =	shalt  }
0x6d: {  	_ =	shalt  }
0x6e: {  	_ =	shalt  }
0x6f: {  	_ =	shalt  }
0x70: {  	_ =	shalt  }
0x71: {  	_ =	shalt  }
0x72: {  	_ =	shalt  }
0x73: {  	_ =	shalt  }
0x74: {  	_ =	shalt  }
0x75: {  	_ =	shalt  }
0x76: {  	_ =	shalt  }
0x77: {  	_ =	shalt  }
0x78: {  	_ =	shalt  }
0x79: {  	_ =	shalt  }
0x7a: {  	_ =	shalt  }
0x7b: {  	_ =	shalt  }
0x7c: {  	_ =	shalt  }
0x7d: {  	_ =	shalt  }
0x7e: {  	_ =	shalt  }
0x7f: {  	_ =	shalt  }
0x80: {  	_ =	shalt  }
0x81: {  	_ =	shalt  }
0x82: {  	_ =	shalt  }
0x83: {  	_ =	shalt  }
0x84: {  	_ =	shalt  }
0x85: {  	_ =	shalt  }
0x86: {  	_ =	shalt  }
0x87: {  	_ =	shalt  }
.Lfunc_end0:
.L_simem_size_0:
called_computation.2_lowered:
.L_overlay_start_0:
0x88: {  	s2 =	sld [smem:$0x3FD9]  }
0x89: {  	s3 =	sld [smem:$0x3FFE];
	_ =	sdelay $0x1  }
0x8a: {  	s1 =	srdreg.scid  }
0x8b: {  	s0 =	sand.u32 $0x1, s1  }
0x8c: {  	s16 =	sshll.u32 s0, $0xA;
	s2 =	sadd.s32 s3, s2  }
0x8d: {  	s2 =	sadd.s32 s2, s16  }
0x8e: {  	[smem:$0x3FC1] =	sst s2  }
0x8f: {  	_ = 	snop  }
0x90: {  	(tm) =	ssettm $0x1  }
0x91: {  	s17 =	sld [smem:$0x3FFB];
	_ =	sdelay $0x3  }
0x92: {  	_ =	strace s17  }
0x93: {  	s2 =	sld [smem:$0x3FFC];
	_ =	sdelay $0x3  }
0x94: {  	_ =	strace s2  }
0x95: {  	s2 =	sld [smem:$0x3FFD];
	_ =	sdelay $0x3  }
0x96: {  	_ =	strace s2  }
0x97: {  	_ =	strace $0x8FFFFFFF  }
0x98: {  	s18 =	sld [smem:$0x3FDB];
	_ =	sdelay $0x1  }
0x99: {  	s19 =	simm.s32 $_scs_section_size  }
0x9a: {  	s4 =	simm.s32 $_size__tile_overlayer_lowered;
	s5 =	simm.s32 $_tile_overlayer_lowered  }
0x9b: {  	s22 =	simm.s32 $0x1BFF;
	s21 =	sshll.u32 s5, $0x1;
	s2 =	sadd.s32 s19, s18  }
0x9c: {  	s6 =	simm.s32 $0x0;
	s20 =	sshll.u32 s4, $0x1;
	s4 =	sadd.s32 s21, s2  }
0x9d: {  	[timem:s6], [sflag:s22] =	dma.local [hbm:s4], s20  }
0x9e: {  	_ =	swait.ge [sflag:s22], s20  }
0x9f: {  	s3 =	ssub.s32 $0x0, s20;
	[sflag:s22] =	ssyncset.done $0x0  }
0xa0: {  	[sflag:s22] =	ssyncadd.s32 s3;
	_ =	sdelay $0x1  }
0xa1: {  	s23 =	simm.s32 $0x1B8B  }
0xa2: {  	_ =	swait.ge [sflag:s23], $0x1  }
0xa3: {  	[sflag:s23] =	ssyncset.done $0x0  }
0xa4: {  	s25 =	simm.s32 $0x1B8E;
	s24 =	sld [smem:$0x3FFE];
	[sflag:s23] =	ssyncadd.s32 $0xFFFFFFFF  }
0xa5: {  	s26 =	simm.s32 $execute0_lowered;
	[smem:$0x3FD2] =	sst s25  }
0xa6: {  	s4 =	sshll.u32 s26, $0x1;
	_ =	strace $0x8000004C;
	[dreg:$0x1] =	wrdreg $0xFFFFFFFF  }
0xa7: {  	s28 =	simm.s32 $_size_execute0_lowered;
	s2 =	sadd.s32 s2, s4;
	[dreg:$0x0] =	wrdreg $0x0  }
0xa8: {  	s4 =	sshll.u32 s28, $0x1;
	[dreg:$0x2] =	wrdreg s2  }
0xa9: {  	[dreg:$0x3] =	wrdreg s4  }
0xaa: {  	[dreg:$0x4] =	wrdreg $0xC0  }
0xab: {  	_ =	task [dreg:s6], $0x5FFFF  }
0xac: {  	[dreg:$0x1] =	wrdreg $0xFFFFFFFF  }
0xad: {  	[dreg:$0x0] =	wrdreg $0x60  }
0xae: {  	[dreg:$0x2] =	wrdreg s24  }
0xaf: {  	[dreg:$0x3] =	wrdreg $0x8A000  }
0xb0: {  	[dreg:$0x4] =	wrdreg $0x9  }
0xb1: {  	_ =	task.clear_ibuf [dreg:s6], $0x5FFFF;
	_ =	strace $0x9000004C  }
0xb2: {  	s29 =	simm.s32 $0x9;
	_ =	strace $0x8000004E  }
0xb3: {  	_ =	swait.ge [sflag:s29], $0x1  }
0xb4: {  	[sflag:s29] =	ssyncadd.s32 $0xFFFFFFFF  }
0xb5: {  	_ =	strace $0x9000004E  }
0xb6: {  	_ =	sfence  }
0xb7: {  	s30 =	sld [smem:$0x0];
	_ =	sdelay $0x2  }
0xb8: {  	s31 =	sshll.u32 s1, $0xD;
	s1 =	sshrl.u32 s1, $0x2  }
0xb9: {  	s3 =	sand.u32 $0x4000, s31;
	s1 =	sadd.s32 s1, s30  }
0xba: {  	s0 =	sor.u32 s3, s0;
	s1 =	sshll.u32 s1, $0x11  }
0xbb: {  	s0 =	sor.u32 s1, s0  }
0xbc: {  	s0 =	sadd.s32 $0x8F2B, s0  }
0xbd: {  	[sflag:s0] =	ssyncadd.remote.s32 $0x1  }
0xbe: {  	_ =	sfence.sel $0xFFFF  }
0xbf: {  	[dreg:$0x0] =	wrdreg $0xFFFFFFFF;
	(pc) =	sbr.abs _section_cstart, $3  }
0xc0: {  	[dreg:$0x1] =	wrdreg $0xFFFFFFFF  }
0xc1: {  	_ =	task.clear_ibuf [dreg:s6], $0x2FFFF;
	_ =	strace $0x9FFFFFFF  }
0xc2: {  	(tm) =	ssettm $0x7FFFFFFF  }
0xc3: {  	_ =	shalt  }
tec
execute0_lowered:
.L_overlay_start_1:
0x0: {  	(tag) =	ssettag $0x1  }
0x1: {  	s5 =	rddreg [dreg:$0x0]  }
0x2: {  	s2 =	rddreg [dreg:$0x1]  }
0x3: {  	s0 =	rddreg [dreg:$0x2]  }
0x4: {  	s4 =	srdreg.scid;
	s1 =	stileid.u32  }
0x5: {  	s3 =	simm.s32 $0x0;
	s12 =	simm.s32 $0x2A00;
	s13 =	simm.s32 $0x2880  }
0x6: {  	s14 =	simm.s32 $0x4A00;
	s15 =	simm.s32 $0x2900;
	s16 =	simm.s32 $0x6A00  }
0x7: {  	s19 =	simm.s32 $0x1;
	s20 =	simm.s32 $0x2980;
	s21 =	simm.s32 $0x2  }
0x8: {  	s22 =	simm.s32 $0x3;
	s23 =	simm.s32 $0x0;
	s7 =	smul.u32 $0x14000, s1  }
0x9: {  	s6 =	sand.u32 $0x1, s4;
	[smem:$0x7FF] =	sst s3;
	s10 =	smul.u32 $0x50000, s1  }
0xa: {  	s17 =	sshll.u32 s1, $0x6;
	s4 =	sshll.u32 s6, $0x4;
	s8 =	smul.u32 $0x140000, s6  }
0xb: {  	_ =	strace $0x8000004D;
	s6 =	ssub.s32 $0x2, s6;
	s17 =	sor.u32 $0x1C04, s17  }
0xc: {  	s9 =	sor.u32 s1, s4;
	s4 =	sadd.s32 $0x17200, s5;
	s30 =	sshrl.u32 s6, $0x1  }
0xd: {  	s31 =	sshrl.u32 s10, $0x2;
	s10 =	simm.s32 $0x40;
	s9 =	smul.u32 $0x500, s9  }
.Ltmp0:
0xe: {  	s8 =	sadd.s32 s7, s8;
	s11 =	ssub.s32 s6, s30;
	(pc) =	sbr.rel .LBB2_1-.Ltmp0, $4  }
0xf: {  	s7 =	sshrl.u32 s7, $0x3;
	s18 =	sadd.s32 s31, s2;
	s8 =	sshrl.u32 s8, $0x3  }
0x10: {  	s6 =	sadd.s32 s4, s7;
	s9 =	sadd.s32 s9, s5;
	s8 =	sadd.s32 s8, s5  }
0x11: {  	s18 =	sshrl.u32 s18, $0x3;
	s5 =	sadd.s32 $0xD200, s9;
	s7 =	sadd.s32 $0x3F200, s8  }
0x12: {  	s8 =	smax.u32 s11, $0x1;
	s9 =	simm.s32 $0x4;
	s11 =	simm.s32 $0x2800  }
.LBB2_4:
0x13: {  	_ =	swait.ge [sflag:s19], $0x2000  }
0x14: {  	[sflag:s19] =	ssyncset.done $0x0  }
0x15: {  	[sflag:s19] =	ssyncadd.s32 $0xFFFFE000  }
0x16: {  	v0 =	vld [tilespmem:$0x27C0]  }
0x17: {  	v1 =	vld [tilespmem:$0x27D0]  }
0x18: {  	v2 =	vld [tilespmem:$0x27E0]  }
0x19: {  	v3 =	vld [tilespmem:$0x27F0];
	_ =	sdelay $0x1  }
0x1a: {  	v0 =	vshrl.u32 v0, $0x10  }
0x1b: {  	v61 =	vshrl.u32 v1, $0x10;
	[tilespmem:$0x2980] =	vst v0  }
0x1c: {  	v62 =	vshrl.u32 v2, $0x10;
	[tilespmem:$0x2990] =	vst v61  }
0x1d: {  	v63 =	vshrl.u32 v3, $0x10;
	[tilespmem:$0x29A0] =	vst v62  }
0x1e: {  	[tilespmem:$0x29B0] =	vst v63  }
0x1f: {  	[spmem:s2] =	stream.indirect.scatter.add.f32 [tilespmem:s12], [sflag:$0x4], $0x80, s20, s10, $0xb8;
	[tilespmem:$0x1CA00] =	vst v63  }
0x20: {  	_ =	swait.ge [sflag:s9], $0x2000  }
0x21: {  	s23 =	sadd.s32 $0x1, s23;
	[sflag:s9] =	ssyncset.done $0x0  }
0x22: {  	p0 =	sne.s32 s23, s8;
	[sflag:s9] =	ssyncadd.s32 $0xFFFFE000  }
.Ltmp1:
0x23: {  	[bflag:$0x0] =	sbarrier.arrive $0xFFFF;
	(pc) =	sbr.rel @!p0 .LBB2_5-.Ltmp1, $4  }
0x24: {  	[hbm:s7], [sflag:s17] =	dma.local [spmem:s18], $0x2800  }
0x25: {  	_ =	swait.ge [sflag:s9], $0x2800  }
0x26: {  	[sflag:s9] =	ssyncset.done $0x0  }
0x27: {  	[sflag:s9] =	ssyncadd.s32 $0xFFFFD800  }
.LBB2_1:
0x28: {  	[tilespmem:s3], [sflag:$0x4] =	stream.linear.gather [hbm4b:s5+s3], $0x2800, $0x38;
	[tilespmem:$0x1CA00] =	vst v63  }
0x29: {  	_ =	swait.ge [sflag:s9], $0x2800  }
0x2a: {  	[sflag:s9] =	ssyncset.done $0x0  }
0x2b: {  	[sflag:s9] =	ssyncadd.s32 $0xFFFFD800  }
0x2c: {  	v0 =	vld [tilespmem:$0x0]  }
0x2d: {  	v1 =	vld [tilespmem:$0x10]  }
0x2e: {  	v2 =	vld [tilespmem:$0x20]  }
0x2f: {  	v3 =	vld [tilespmem:$0x30];
	_ =	sdelay $0x1  }
0x30: {  	v0 =	vand.u32 $0xFFFF, v0  }
0x31: {  	v47 =	vand.u32 $0xFFFF, v1;
	[tilespmem:$0x2800] =	vst v0  }
0x32: {  	v48 =	vand.u32 $0xFFFF, v2;
	[tilespmem:$0x2810] =	vst v47  }
0x33: {  	v49 =	vand.u32 $0xFFFF, v3;
	[tilespmem:$0x2820] =	vst v48  }
0x34: {  	[tilespmem:$0x2830] =	vst v49  }
0x35: {  	[tilespmem:s12], [sflag:$0x1] =	stream.indirect.gather [hbm4b:s4+s10], $0x80, s11, s10, $0xb8;
	[tilespmem:$0x1CA00] =	vst v63  }
0x36: {  	v50 =	vld [tilespmem:$0x40]  }
0x37: {  	v51 =	vld [tilespmem:$0x50]  }
0x38: {  	v52 =	vld [tilespmem:$0x60]  }
0x39: {  	v53 =	vld [tilespmem:$0x70];
	_ =	sdelay $0x1  }
0x3a: {  	v0 =	vand.u32 $0xFFFF, v50  }
0x3b: {  	v54 =	vand.u32 $0xFFFF, v51;
	[tilespmem:$0x2880] =	vst v0  }
0x3c: {  	v55 =	vand.u32 $0xFFFF, v52;
	[tilespmem:$0x2890] =	vst v54  }
0x3d: {  	v56 =	vand.u32 $0xFFFF, v53;
	[tilespmem:$0x28A0] =	vst v55  }
0x3e: {  	[tilespmem:$0x28B0] =	vst v56  }
0x3f: {  	[tilespmem:s14], [sflag:$0x2] =	stream.indirect.gather [hbm4b:s4+s10], $0x80, s13, s10, $0xb8;
	[tilespmem:$0x1CA00] =	vst v63  }
0x40: {  	v57 =	vld [tilespmem:$0x80]  }
0x41: {  	v58 =	vld [tilespmem:$0x90]  }
0x42: {  	v59 =	vld [tilespmem:$0xA0]  }
0x43: {  	v60 =	vld [tilespmem:$0xB0];
	_ =	sdelay $0x1  }
0x44: {  	v0 =	vand.u32 $0xFFFF, v57  }
0x45: {  	v61 =	vand.u32 $0xFFFF, v58;
	[tilespmem:$0x2900] =	vst v0  }
0x46: {  	v62 =	vand.u32 $0xFFFF, v59;
	[tilespmem:$0x2910] =	vst v61  }
0x47: {  	v63 =	vand.u32 $0xFFFF, v60;
	[tilespmem:$0x2920] =	vst v62  }
0x48: {  	[tilespmem:$0x2930] =	vst v63  }
0x49: {  	[tilespmem:s16], [sflag:$0x3] =	stream.indirect.gather [hbm4b:s4+s10], $0x80, s15, s10, $0xb8;
	[tilespmem:$0x1CA00] =	vst v63  }
0x4a: {  	[spmem:s18], [sflag:s17] =	dma.local [hbm:s6], $0x2800  }
0x4b: {  	_ =	swait.ge [sflag:s9], $0x2800  }
0x4c: {  	[sflag:s9] =	ssyncset.done $0x0  }
0x4d: {  	[sflag:s9] =	ssyncadd.s32 $0xFFFFD800  }
0x4e: {  	s24 =	simm.s32 $0x140;
	s25 =	simm.s32 $0x0;
	[bflag:$0x0] =	sbarrier.arrive $0xFFFF  }
.LBB2_2:
0x4f: {  	_ =	swait.ge [sflag:s19], $0x2000;
	s28 =	sadd.s32 $0xFFFFFEC0, s24  }
0x50: {  	s26 =	sand.u32 $0x40, s25;
	[sflag:s19] =	ssyncset.done $0x0;
	s28 =	sand.u32 $0x3F80, s28  }
0x51: {  	[sflag:s19] =	ssyncadd.s32 $0xFFFFE000;
	s29 =	sor.u32 s26, s28  }
0x52: {  	v0 =	vld [tilespmem:s29+$0x0];
	_ =	sdelay $0x4  }
0x53: {  	v0 =	vshrl.u32 v0, $0x10  }
0x54: {  	[tilespmem:$0x2980] =	vst v0  }
0x55: {  	v0 =	vld [tilespmem:s29+$0x10];
	_ =	sdelay $0x4  }
0x56: {  	v0 =	vshrl.u32 v0, $0x10  }
0x57: {  	[tilespmem:$0x2990] =	vst v0  }
0x58: {  	v0 =	vld [tilespmem:s29+$0x20];
	_ =	sdelay $0x4  }
0x59: {  	v0 =	vshrl.u32 v0, $0x10  }
0x5a: {  	[tilespmem:$0x29A0] =	vst v0  }
0x5b: {  	v0 =	vld [tilespmem:s29+$0x30];
	_ =	sdelay $0x4  }
0x5c: {  	v0 =	vshrl.u32 v0, $0x10  }
0x5d: {  	[tilespmem:$0x29B0] =	vst v0  }
0x5e: {  	[spmem:s2] =	stream.indirect.scatter.add.f32 [tilespmem:s12], [sflag:$0x4], $0x80, s20, s10, $0xb8;
	[tilespmem:$0x1CA00] =	vst v63  }
0x5f: {  	_ =	swait.ge [sflag:s9], $0x2000  }
0x60: {  	s30 =	sadd.s32 $0xFFFFFF80, s24;
	[sflag:s9] =	ssyncset.done $0x0  }
0x61: {  	s29 =	sand.u32 $0x7FC0, s30;
	[sflag:s9] =	ssyncadd.s32 $0xFFFFE000  }
0x62: {  	v61 =	vld [tilespmem:s29+$0x0];
	_ =	sdelay $0x4  }
0x63: {  	v0 =	vand.u32 $0xFFFF, v61  }
0x64: {  	[tilespmem:$0x2800] =	vst v0  }
0x65: {  	v0 =	vld [tilespmem:s29+$0x10];
	_ =	sdelay $0x4  }
0x66: {  	v0 =	vand.u32 $0xFFFF, v0  }
0x67: {  	[tilespmem:$0x2810] =	vst v0  }
0x68: {  	v0 =	vld [tilespmem:s29+$0x20];
	_ =	sdelay $0x4  }
0x69: {  	v0 =	vand.u32 $0xFFFF, v0  }
0x6a: {  	[tilespmem:$0x2820] =	vst v0  }
0x6b: {  	v0 =	vld [tilespmem:s29+$0x30];
	_ =	sdelay $0x4  }
0x6c: {  	v0 =	vand.u32 $0xFFFF, v0  }
0x6d: {  	[tilespmem:$0x2830] =	vst v0  }
0x6e: {  	[tilespmem:s12], [sflag:$0x1] =	stream.indirect.gather [hbm4b:s4+s10], $0x80, s11, s10, $0xb8;
	[tilespmem:$0x1CA00] =	vst v63  }
0x6f: {  	_ =	swait.ge [sflag:s21], $0x2000  }
0x70: {  	s31 =	sadd.s32 $0xFFFFFF00, s24;
	[sflag:s21] =	ssyncset.done $0x0  }
0x71: {  	s29 =	sand.u32 $0x7FC0, s31;
	[sflag:s21] =	ssyncadd.s32 $0xFFFFE000  }
0x72: {  	v62 =	vld [tilespmem:s29+$0x0];
	_ =	sdelay $0x4  }
0x73: {  	v0 =	vshrl.u32 v62, $0x10  }
0x74: {  	[tilespmem:$0x2980] =	vst v0  }
0x75: {  	v0 =	vld [tilespmem:s29+$0x10];
	_ =	sdelay $0x4  }
0x76: {  	v0 =	vshrl.u32 v0, $0x10  }
0x77: {  	[tilespmem:$0x2990] =	vst v0  }
0x78: {  	v0 =	vld [tilespmem:s29+$0x20];
	_ =	sdelay $0x4  }
0x79: {  	v0 =	vshrl.u32 v0, $0x10  }
0x7a: {  	[tilespmem:$0x29A0] =	vst v0  }
0x7b: {  	v0 =	vld [tilespmem:s29+$0x30];
	_ =	sdelay $0x4  }
0x7c: {  	v0 =	vshrl.u32 v0, $0x10  }
0x7d: {  	p0 =	seq.s32 s25, $0xD00;
	[tilespmem:$0x29B0] =	vst v0  }
0x7e: {  	[spmem:s2] =	stream.indirect.scatter.add.f32 [tilespmem:s14], [sflag:$0x4], $0x80, s20, s10, $0xb8;
	[tilespmem:$0x1CA00] =	vst v63  }
0x7f: {  	s29 =	sadd.s32 @!p0 $0xFFFFFFC0, s24;
	_ =	swait.ge [sflag:s9], $0x2000  }
0x80: {  	s29 =	sand.u32 @!p0 $0x7F80, s29;
	[sflag:s9] =	ssyncset.done $0x0  }
0x81: {  	s29 =	sor.u32 @!p0 s26, s29;
	[sflag:s9] =	ssyncadd.s32 $0xFFFFE000  }
0x82: {  	v0 =	vld @!p0 [tilespmem:s29+$0x0];
	_ =	sdelay $0x4  }
0x83: {  	v0 =	vand.u32 @!p0 $0xFFFF, v0  }
0x84: {  	[tilespmem:$0x2880] =	vst @!p0 v0  }
0x85: {  	v0 =	vld @!p0 [tilespmem:s29+$0x10];
	_ =	sdelay $0x4  }
0x86: {  	v0 =	vand.u32 @!p0 $0xFFFF, v0  }
0x87: {  	[tilespmem:$0x2890] =	vst @!p0 v0  }
0x88: {  	v0 =	vld @!p0 [tilespmem:s29+$0x20];
	_ =	sdelay $0x4  }
0x89: {  	v0 =	vand.u32 @!p0 $0xFFFF, v0  }
0x8a: {  	[tilespmem:$0x28A0] =	vst @!p0 v0  }
0x8b: {  	v0 =	vld @!p0 [tilespmem:s29+$0x30];
	_ =	sdelay $0x4  }
0x8c: {  	v0 =	vand.u32 @!p0 $0xFFFF, v0  }
0x8d: {  	s30 =	simm.s32 @!p0 $0x2880;
	s31 =	simm.s32 @!p0 $0x4A00;
	s29 =	simm.s32 @!p0 $0x40;
	[tilespmem:$0x28B0] =	vst @!p0 v0  }
0x8e: {  	[tilespmem:s31], [sflag:$0x2] =	stream.indirect.gather @!p0 [hbm4b:s4+s29], $0x80, s30, s29, $0xb8;
	[tilespmem:$0x1CA00] =	vst v63  }
0x8f: {  	_ =	swait.ge [sflag:s22], $0x2000  }
0x90: {  	[sflag:s22] =	ssyncset.done $0x0  }
0x91: {  	s26 =	sadd.s32 s26, s28;
	[sflag:s22] =	ssyncadd.s32 $0xFFFFE000  }
0x92: {  	v63 =	vld [tilespmem:s26+$0x80];
	_ =	sdelay $0x4  }
0x93: {  	v0 =	vshrl.u32 v63, $0x10  }
0x94: {  	[tilespmem:$0x2980] =	vst v0  }
0x95: {  	v0 =	vld [tilespmem:s26+$0x90];
	_ =	sdelay $0x4  }
0x96: {  	v0 =	vshrl.u32 v0, $0x10  }
0x97: {  	[tilespmem:$0x2990] =	vst v0  }
0x98: {  	v0 =	vld [tilespmem:s26+$0xA0];
	_ =	sdelay $0x4  }
0x99: {  	v0 =	vshrl.u32 v0, $0x10  }
0x9a: {  	[tilespmem:$0x29A0] =	vst v0  }
0x9b: {  	v0 =	vld [tilespmem:s26+$0xB0];
	_ =	sdelay $0x4  }
0x9c: {  	v0 =	vshrl.u32 v0, $0x10  }
.Ltmp2:
0x9d: {  	[tilespmem:$0x29B0] =	vst v0;
	(pc) =	sbr.rel @p0 .LBB2_4-.Ltmp2, $4  }
0x9e: {  	[spmem:s2] =	stream.indirect.scatter.add.f32 [tilespmem:s16], [sflag:$0x4], $0x80, s20, s10, $0xb8;
	[tilespmem:$0x1CA00] =	vst v63  }
0x9f: {  	_ =	swait.ge [sflag:s9], $0x2000  }
0xa0: {  	[sflag:s9] =	ssyncset.done $0x0  }
0xa1: {  	[sflag:s9] =	ssyncadd.s32 $0xFFFFE000  }
0xa2: {  	s26 =	sand.u32 $0x7FC0, s24  }
0xa3: {  	v0 =	vld [tilespmem:s26+$0x0];
	_ =	sdelay $0x4  }
0xa4: {  	v0 =	vand.u32 $0xFFFF, v0  }
0xa5: {  	[tilespmem:$0x2900] =	vst v0  }
0xa6: {  	v0 =	vld [tilespmem:s26+$0x10];
	_ =	sdelay $0x4  }
0xa7: {  	v0 =	vand.u32 $0xFFFF, v0  }
0xa8: {  	[tilespmem:$0x2910] =	vst v0  }
0xa9: {  	v0 =	vld [tilespmem:s26+$0x20];
	_ =	sdelay $0x4  }
0xaa: {  	v0 =	vand.u32 $0xFFFF, v0  }
0xab: {  	[tilespmem:$0x2920] =	vst v0  }
0xac: {  	v0 =	vld [tilespmem:s26+$0x30];
	_ =	sdelay $0x2  }
.Ltmp3:
0xad: {  	_ = 	snop;
	(pc) =	sbr.rel .LBB2_2-.Ltmp3, $4  }
0xae: {  	_ = 	snop  }
0xaf: {  	v0 =	vand.u32 $0xFFFF, v0  }
0xb0: {  	s24 =	sadd.s32 $0xC0, s24;
	s25 =	sadd.s32 $0x40, s25;
	[tilespmem:$0x2930] =	vst v0  }
0xb1: {  	[tilespmem:s16], [sflag:$0x3] =	stream.indirect.gather [hbm4b:s4+s10], $0x80, s15, s10, $0xb8;
	[tilespmem:$0x1CA00] =	vst v63  }
.LBB2_5:
0xb2: {  	_ =	sfence.sel $0x180000  }
0xb3: {  	[bflag:$0x0] =	sbarrier.arrive $0xFFFF  }
0xb4: {  	p0 =	sne.s32 s1, $0x0;
	_ =	strace $0x9000004D  }
0xb5: {  	s0 =	sadd.s32 @!p0 $0x100000, s0;
	[bflag:$0x2] =	sbarrier.arrive $0xFFFF  }
0xb6: {  	[sflag:s0] =	ssyncadd.tile.s32 @!p0 $0x1;
	_ =	shalt  }
.Lfunc_end2:
_tile_overlayer_lowered:
.L_overlay_start_2:
0xb7: {  	(tag) =	ssettag $0x2  }
0xb8: {  	s0 =	rddreg [dreg:$0x0];
	s2 =	stileid.u32  }
0xb9: {  	s1 =	rddreg [dreg:$0x1];
	p0 =	sne.s32 s2, $0x0  }
0xba: {  	s3 =	rddreg [dreg:$0x2];
	[bflag:$0x3] =	sbarrier.arrive $0xFFFF;
	s2 =	simm.s32 @!p0 $0x1C04  }
0xbb: {  	[timem:s3], [sflag:s2] =	dma.local @!p0 [hbm:s0], s1  }
0xbc: {  	s0 =	simm.s32 @!p0 $0x4  }
0xbd: {  	_ =	swait.ge @!p0 [sflag:s0], s1  }
0xbe: {  	s1 =	ssub.s32 @!p0 $0x0, s1;
	[sflag:s0] =	ssyncset.done @!p0 $0x0  }
0xbf: {  	[sflag:s0] =	ssyncadd.s32 @!p0 s1  }
0xc0: {  	[bflag:$0x3] =	sbarrier.arrive $0xFFFF  }
0xc1: {  	_ =	shalt  }

// kernel: kernel.9.cloned.1.call-start
scs
__scs_entry_jumppad:
0x0: {  	(pc) =	sbr.rel $0x88, $3  }
0x1: {  	(tag) =	ssettag $0x0;
	lr =	simm.s32 $0x1  }
0x2: {  	[smem:$0x3F9A] =	sst lr;
	_ =	strace $0xD0000000  }
0x3: {  	_ = 	snop  }
0x4: {  	_ = 	snop  }
0x5: {  	_ = 	snop  }
0x6: {  	_ = 	snop  }
0x7: {  	_ = 	snop  }
__scs_overlays_trampoline_lowered:
0x8: {  	[smem:$0x3FA9] =	sst s0  }
0x9: {  	[smem:$0x3FAA] =	sst s1  }
0xa: {  	[smem:$0x3FAB] =	sst s2  }
0xb: {  	[smem:$0x3FAC] =	sst s3  }
0xc: {  	[smem:$0x3FAD] =	sst s4  }
0xd: {  	[smem:$0x3FAE] =	sst s5  }
0xe: {  	[smem:$0x3FAF] =	sst s6  }
0xf: {  	[smem:$0x3FB0] =	sst s7  }
0x10: {  	[smem:$0x3FB1] =	sst s8  }
0x11: {  	[smem:$0x3FB2] =	sst s9;
	s0 =	simm.s32 @!p0 $0x0  }
0x12: {  	s1 =	sld [smem:$0x3F98];
	s0 =	simm.s32 @p0 $0x1  }
0x13: {  	[smem:$0x3FB3] =	sst s0;
	s0 =	simm.s32 @!p1 $0x0  }
0x14: {  	s2 =	sld [smem:$0x3F97];
	s0 =	simm.s32 @p1 $0x1  }
0x15: {  	[smem:$0x3FB4] =	sst s0;
	s0 =	simm.s32 @!p2 $0x0  }
0x16: {  	s3 =	sld [smem:$0x3FDB];
	s0 =	simm.s32 @p2 $0x1  }
0x17: {  	s4 =	simm.s32 $0x1BF5;
	[smem:$0x3FB6] =	sst s0  }
0x18: {  	s0 =	sld [smem:$0x3F99];
	_ =	swait.ge [sflag:s4], $0x0  }
0x19: {  	s7 =	sld [smem:$0x3F9A]  }
0x1a: {  	s8 =	sadd.s32 $0xFFFFE003, lr  }
0x1b: {  	s9 =	sadd.s32 $0xFFFFFEF7, lr;
	s5 =	simm.s32 $0xFFFFFFFF;
	p2 =	slt.u32 s8, $0xFFFFF086  }
0x1c: {  	p1 =	slt.u32 s9, $0xF7A;
	s5 =	simm.s32 @!p2 $0x0  }
0x1d: {  	s5 =	simm.s32 @p1 $0x1;
	p0 =	seq.s32 s7, s2  }
0x1e: {  	s7 =	smul.u32 @!p0 $0xF7A, s2;
	p2 =	seq.s32 @!p0 s5, $0x0  }
0x1f: {  	s9 =	smul.u32 $0xF7A, s1;
	s8 =	simm.s32 @!p0 $0x1BF5;
	p2 =	por !p2, p0  }
0x20: {  	[sflag:s8] =	ssyncset.s32 @!p0 $0xFFFFF086;
	s6 =	sadd.s32 @!p0 s3, s7;
	s7 =	simm.s32 @!p0 $0x108  }
0x21: {  	s3 =	sadd.s32 s3, s9;
	s6 =	sadd.s32 @!p0 $0x88, s6;
	s7 =	simm.s32 @p2 $0x1082  }
0x22: {  	[simem:s7], [sflag:s8] =	dma.local @!p0 [hbm:s6], $0xF7A  }
0x23: {  	s9 =	sor.u32 $0xD0000000, s2;
	s6 =	simm.s32 $0x108;
	_ =	swait.ge @!p0 [sflag:s8], $0x0  }
0x24: {  	s3 =	sadd.s32 $0x88, s3;
	s6 =	simm.s32 @!p1 $0x1082;
	[sflag:s4] =	ssyncset.s32 $0xFFFFF086  }
0x25: {  	[simem:s6], [sflag:s4] =	dma.local [hbm:s3], $0xF7A  }
0x26: {  	[smem:$0x3F9A] =	sst s1;
	(tag) =	ssettag s2;
	_ =	strace s9  }
0x27: {  	s1 =	sld [smem:$0x3FAA]  }
0x28: {  	s2 =	sld [smem:$0x3FAB]  }
0x29: {  	s4 =	sld [smem:$0x3FAD]  }
0x2a: {  	p0 =	seq.s32 s5, $0x0;
	s5 =	sld [smem:$0x3FAE]  }
0x2b: {  	s6 =	sld [smem:$0x3FAF]  }
0x2c: {  	s7 =	sld [smem:$0x3FB0]  }
0x2d: {  	s3 =	simm.s32 $0x108;
	s8 =	sld [smem:$0x3FB1]  }
0x2e: {  	s3 =	simm.s32 @!p0 $0x1082;
	s9 =	sld [smem:$0x3FB2]  }
0x2f: {  	lr =	sadd.s32 s0, s3;
	s0 =	sld [smem:$0x3FA9]  }
0x30: {  	s3 =	sld [smem:$0x3FAC]  }
0x31: {  	[smem:$0x3FB5] =	sst s10  }
0x32: {  	s10 =	sld [smem:$0x3FB3];
	_ =	sdelay $0x3  }
0x33: {  	p0 =	seq.s32 s10, $0x1;
	s10 =	sld [smem:$0x3FB5];
	_ =	sdelay $0x3  }
0x34: {  	[smem:$0x3FB5] =	sst s10  }
0x35: {  	s10 =	sld [smem:$0x3FB4];
	_ =	sdelay $0x3  }
0x36: {  	p1 =	seq.s32 s10, $0x1;
	s10 =	sld [smem:$0x3FB5];
	_ =	sdelay $0x3  }
0x37: {  	[smem:$0x3FB5] =	sst s10  }
0x38: {  	s10 =	sld [smem:$0x3FB6]  }
0x39: {  	_ = 	snop;
	(pc) =	sbr.ind lr, $3  }
0x3a: {  	_ = 	snop  }
0x3b: {  	_ = 	snop  }
0x3c: {  	p2 =	seq.s32 s10, $0x1;
	s10 =	sld [smem:$0x3FB5]  }
0x3d: {  	_ =	shalt  }
0x3e: {  	_ =	shalt  }
0x3f: {  	_ =	shalt  }
0x40: {  	_ =	shalt  }
0x41: {  	_ =	shalt  }
0x42: {  	_ =	shalt  }
0x43: {  	_ =	shalt  }
0x44: {  	_ =	shalt  }
0x45: {  	_ =	shalt  }
0x46: {  	_ =	shalt  }
0x47: {  	_ =	shalt  }
0x48: {  	_ =	shalt  }
0x49: {  	_ =	shalt  }
0x4a: {  	_ =	shalt  }
0x4b: {  	_ =	shalt  }
0x4c: {  	_ =	shalt  }
0x4d: {  	_ =	shalt  }
0x4e: {  	_ =	shalt  }
0x4f: {  	_ =	shalt  }
0x50: {  	_ =	shalt  }
0x51: {  	_ =	shalt  }
0x52: {  	_ =	shalt  }
0x53: {  	_ =	shalt  }
0x54: {  	_ =	shalt  }
0x55: {  	_ =	shalt  }
0x56: {  	_ =	shalt  }
0x57: {  	_ =	shalt  }
0x58: {  	_ =	shalt  }
0x59: {  	_ =	shalt  }
0x5a: {  	_ =	shalt  }
0x5b: {  	_ =	shalt  }
0x5c: {  	_ =	shalt  }
0x5d: {  	_ =	shalt  }
0x5e: {  	_ =	shalt  }
0x5f: {  	_ =	shalt  }
0x60: {  	_ =	shalt  }
0x61: {  	_ =	shalt  }
0x62: {  	_ =	shalt  }
0x63: {  	_ =	shalt  }
0x64: {  	_ =	shalt  }
0x65: {  	_ =	shalt  }
0x66: {  	_ =	shalt  }
0x67: {  	_ =	shalt  }
0x68: {  	_ =	shalt  }
0x69: {  	_ =	shalt  }
0x6a: {  	_ =	shalt  }
0x6b: {  	_ =	shalt  }
0x6c: {  	_ =	shalt  }
0x6d: {  	_ =	shalt  }
0x6e: {  	_ =	shalt  }
0x6f: {  	_ =	shalt  }
0x70: {  	_ =	shalt  }
0x71: {  	_ =	shalt  }
0x72: {  	_ =	shalt  }
0x73: {  	_ =	shalt  }
0x74: {  	_ =	shalt  }
0x75: {  	_ =	shalt  }
0x76: {  	_ =	shalt  }
0x77: {  	_ =	shalt  }
0x78: {  	_ =	shalt  }
0x79: {  	_ =	shalt  }
0x7a: {  	_ =	shalt  }
0x7b: {  	_ =	shalt  }
0x7c: {  	_ =	shalt  }
0x7d: {  	_ =	shalt  }
0x7e: {  	_ =	shalt  }
0x7f: {  	_ =	shalt  }
0x80: {  	_ =	shalt  }
0x81: {  	_ =	shalt  }
0x82: {  	_ =	shalt  }
0x83: {  	_ =	shalt  }
0x84: {  	_ =	shalt  }
0x85: {  	_ =	shalt  }
0x86: {  	_ =	shalt  }
0x87: {  	_ =	shalt  }
.Lfunc_end0:
.L_simem_size_0:
called_computation_lowered:
.L_overlay_start_0:
0x88: {  	s2 =	sld [smem:$0x3FD9]  }
0x89: {  	s3 =	sld [smem:$0x3FFE];
	_ =	sdelay $0x1  }
0x8a: {  	s1 =	srdreg.scid  }
0x8b: {  	s0 =	sand.u32 $0x1, s1  }
0x8c: {  	s16 =	sshll.u32 s0, $0xA;
	s2 =	sadd.s32 s3, s2  }
0x8d: {  	s2 =	sadd.s32 s2, s16  }
0x8e: {  	[smem:$0x3FC1] =	sst s2  }
0x8f: {  	_ = 	snop  }
0x90: {  	(tm) =	ssettm $0x1  }
0x91: {  	s17 =	sld [smem:$0x3FFB];
	_ =	sdelay $0x3  }
0x92: {  	_ =	strace s17  }
0x93: {  	s2 =	sld [smem:$0x3FFC];
	_ =	sdelay $0x3  }
0x94: {  	_ =	strace s2  }
0x95: {  	s2 =	sld [smem:$0x3FFD];
	_ =	sdelay $0x3  }
0x96: {  	_ =	strace s2  }
0x97: {  	_ =	strace $0x8FFFFFFF  }
0x98: {  	s18 =	sld [smem:$0x3FDB];
	_ =	sdelay $0x1  }
0x99: {  	s19 =	simm.s32 $_scs_section_size  }
0x9a: {  	s4 =	simm.s32 $_size__tile_overlayer_lowered;
	s5 =	simm.s32 $_tile_overlayer_lowered  }
0x9b: {  	s22 =	simm.s32 $0x1BFF;
	s21 =	sshll.u32 s5, $0x1;
	s2 =	sadd.s32 s19, s18  }
0x9c: {  	s6 =	simm.s32 $0x0;
	s20 =	sshll.u32 s4, $0x1;
	s4 =	sadd.s32 s21, s2  }
0x9d: {  	[timem:s6], [sflag:s22] =	dma.local [hbm:s4], s20  }
0x9e: {  	_ =	swait.ge [sflag:s22], s20  }
0x9f: {  	s3 =	ssub.s32 $0x0, s20;
	[sflag:s22] =	ssyncset.done $0x0  }
0xa0: {  	[sflag:s22] =	ssyncadd.s32 s3;
	_ =	sdelay $0x1  }
0xa1: {  	s23 =	simm.s32 $0x1B8B  }
0xa2: {  	_ =	swait.ge [sflag:s23], $0x1  }
0xa3: {  	[sflag:s23] =	ssyncset.done $0x0  }
0xa4: {  	s25 =	simm.s32 $0x1B8E;
	s24 =	sld [smem:$0x3FFE];
	[sflag:s23] =	ssyncadd.s32 $0xFFFFFFFF  }
0xa5: {  	s26 =	simm.s32 $execute0_lowered;
	[smem:$0x3FD2] =	sst s25  }
0xa6: {  	s4 =	sshll.u32 s26, $0x1;
	_ =	strace $0x80000046;
	[dreg:$0x1] =	wrdreg $0xFFFFFFFF  }
0xa7: {  	s28 =	simm.s32 $_size_execute0_lowered;
	s2 =	sadd.s32 s2, s4;
	[dreg:$0x0] =	wrdreg $0x0  }
0xa8: {  	s4 =	sshll.u32 s28, $0x1;
	[dreg:$0x2] =	wrdreg s2  }
0xa9: {  	[dreg:$0x3] =	wrdreg s4  }
0xaa: {  	[dreg:$0x4] =	wrdreg $0xC0  }
0xab: {  	_ =	task [dreg:s6], $0x5FFFF  }
0xac: {  	[dreg:$0x1] =	wrdreg $0xFFFFFFFF  }
0xad: {  	[dreg:$0x0] =	wrdreg $0x60  }
0xae: {  	[dreg:$0x2] =	wrdreg s24  }
0xaf: {  	[dreg:$0x3] =	wrdreg $0x2B000  }
0xb0: {  	[dreg:$0x4] =	wrdreg $0x9  }
0xb1: {  	_ =	task.clear_ibuf [dreg:s6], $0x5FFFF;
	_ =	strace $0x90000046  }
0xb2: {  	s29 =	simm.s32 $0x9;
	_ =	strace $0x80000048  }
0xb3: {  	_ =	swait.ge [sflag:s29], $0x1  }
0xb4: {  	[sflag:s29] =	ssyncadd.s32 $0xFFFFFFFF  }
0xb5: {  	_ =	strace $0x90000048  }
0xb6: {  	_ =	sfence  }
0xb7: {  	s30 =	sld [smem:$0x0];
	_ =	sdelay $0x2  }
0xb8: {  	s31 =	sshll.u32 s1, $0xD;
	s1 =	sshrl.u32 s1, $0x2  }
0xb9: {  	s3 =	sand.u32 $0x4000, s31;
	s1 =	sadd.s32 s1, s30  }
0xba: {  	s0 =	sor.u32 s3, s0;
	s1 =	sshll.u32 s1, $0x11  }
0xbb: {  	s0 =	sor.u32 s1, s0  }
0xbc: {  	s0 =	sadd.s32 $0x8F2B, s0  }
0xbd: {  	[sflag:s0] =	ssyncadd.remote.s32 $0x1  }
0xbe: {  	_ =	sfence.sel $0xFFFF  }
0xbf: {  	[dreg:$0x0] =	wrdreg $0xFFFFFFFF;
	(pc) =	sbr.abs _section_cstart, $3  }
0xc0: {  	[dreg:$0x1] =	wrdreg $0xFFFFFFFF  }
0xc1: {  	_ =	task.clear_ibuf [dreg:s6], $0x2FFFF;
	_ =	strace $0x9FFFFFFF  }
0xc2: {  	(tm) =	ssettm $0x7FFFFFFF  }
0xc3: {  	_ =	shalt  }
tec
execute0_lowered:
.L_overlay_start_1:
0x0: {  	(tag) =	ssettag $0x1  }
0x1: {  	s4 =	rddreg [dreg:$0x0]  }
0x2: {  	s1 =	rddreg [dreg:$0x1]  }
0x3: {  	s2 =	srdreg.scid;
	s0 =	rddreg [dreg:$0x2];
	s3 =	simm.s32 $0x0  }
0x4: {  	s10 =	simm.s32 $0x80;
	s11 =	simm.s32 $0x2800;
	s12 =	simm.s32 $0x1  }
0x5: {  	s15 =	simm.s32 $0x20;
	s16 =	simm.s32 $0x10;
	s17 =	simm.s32 $0x0  }
0x6: {  	s5 =	sand.u32 $0x1, s2;
	s2 =	stileid.u32;
	[smem:$0x7FF] =	sst s3  }
0x7: {  	s6 =	sshll.u32 s5, $0x4;
	s7 =	smul.u32 $0x500, s2;
	_ =	strace $0x80000047  }
0x8: {  	s8 =	sshll.u32 s5, $0x7;
	s5 =	ssub.s32 $0x2, s5;
	s30 =	smul.u32 $0xA00, s2  }
0x9: {  	s13 =	sshll.u32 s2, $0x6;
	s6 =	sor.u32 s2, s6;
	s9 =	sshrl.u32 s5, $0x1  }
0xa: {  	s13 =	sor.u32 $0x1C02, s13;
	s6 =	smul.u32 $0x500, s6;
	s7 =	sor.u32 s8, s7  }
0xb: {  	s9 =	ssub.s32 s5, s9;
	s31 =	sshrl.u32 s30, $0x2;
	s8 =	simm.s32 $0x2  }
0xc: {  	s7 =	sshrl.u32 s7, $0x3;
	s5 =	sadd.s32 s31, s1;
	s6 =	sadd.s32 s6, s4  }
0xd: {  	s7 =	sadd.s32 s7, s4;
	s14 =	sshrl.u32 s5, $0x3;
	s4 =	sadd.s32 $0x3200, s6  }
0xe: {  	v0 =	vimm.f32 $1.000000000e+00;
	v1 =	vimm.f32 $0.0e+00;
	s6 =	sadd.s32 $0x17200, s7;
	s7 =	smax.u32 s9, $0x1;
	s9 =	simm.s32 $0x2880  }
.LBB2_1:
0xf: {  	[tilespmem:s3], [sflag:$0x2] =	stream.linear.gather [hbm4b:s4+s3], $0x2800, $0x38;
	[tilespmem:$0x2D80] =	vst v63  }
0x10: {  	_ =	swait.ge [sflag:s8], $0x2800  }
0x11: {  	[sflag:s8] =	ssyncset.done $0x0  }
0x12: {  	[sflag:s8] =	ssyncadd.s32 $0xFFFFD800  }
0x13: {  	[tilespmem:$0x2800] =	vst v0  }
0x14: {  	[tilespmem:$0x2810] =	vst v0  }
0x15: {  	[tilespmem:$0x2820] =	vst v0  }
0x16: {  	[tilespmem:$0x2830] =	vst v0  }
0x17: {  	[tilespmem:$0x2840] =	vst v0  }
0x18: {  	[tilespmem:$0x2850] =	vst v0  }
0x19: {  	[tilespmem:$0x2860] =	vst v0  }
0x1a: {  	[tilespmem:$0x2870] =	vst v0  }
0x1b: {  	[tilespmem:$0x2880] =	vst v1  }
0x1c: {  	[tilespmem:$0x2890] =	vst v1  }
0x1d: {  	[tilespmem:$0x28A0] =	vst v1  }
0x1e: {  	[tilespmem:$0x28B0] =	vst v1  }
0x1f: {  	[tilespmem:$0x28C0] =	vst v1  }
0x20: {  	[tilespmem:$0x28D0] =	vst v1  }
0x21: {  	[tilespmem:$0x28E0] =	vst v1  }
0x22: {  	[tilespmem:$0x28F0] =	vst v1  }
0x23: {  	[tilespmem:$0x2900] =	vst v1  }
0x24: {  	[tilespmem:$0x2910] =	vst v1  }
0x25: {  	[tilespmem:$0x2920] =	vst v1  }
0x26: {  	[tilespmem:$0x2930] =	vst v1  }
0x27: {  	[tilespmem:$0x2940] =	vst v1  }
0x28: {  	[tilespmem:$0x2950] =	vst v1  }
0x29: {  	[tilespmem:$0x2960] =	vst v1  }
0x2a: {  	[tilespmem:$0x2970] =	vst v1  }
0x2b: {  	[tilespmem:$0x2980] =	vst v1  }
0x2c: {  	[tilespmem:$0x2990] =	vst v1  }
0x2d: {  	[tilespmem:$0x29A0] =	vst v1  }
0x2e: {  	[tilespmem:$0x29B0] =	vst v1  }
0x2f: {  	[tilespmem:$0x29C0] =	vst v1  }
0x30: {  	[tilespmem:$0x29D0] =	vst v1  }
0x31: {  	[tilespmem:$0x29E0] =	vst v1  }
0x32: {  	[tilespmem:$0x29F0] =	vst v1  }
0x33: {  	[tilespmem:$0x2A00] =	vst v1  }
0x34: {  	[tilespmem:$0x2A10] =	vst v1  }
0x35: {  	[tilespmem:$0x2A20] =	vst v1  }
0x36: {  	[tilespmem:$0x2A30] =	vst v1  }
0x37: {  	[tilespmem:$0x2A40] =	vst v1  }
0x38: {  	[tilespmem:$0x2A50] =	vst v1  }
0x39: {  	[tilespmem:$0x2A60] =	vst v1  }
0x3a: {  	[tilespmem:$0x2A70] =	vst v1  }
0x3b: {  	[tilespmem:$0x2A80] =	vst v1  }
0x3c: {  	[tilespmem:$0x2A90] =	vst v1  }
0x3d: {  	[tilespmem:$0x2AA0] =	vst v1  }
0x3e: {  	[tilespmem:$0x2AB0] =	vst v1  }
0x3f: {  	[tilespmem:$0x2AC0] =	vst v1  }
0x40: {  	[tilespmem:$0x2AD0] =	vst v1  }
0x41: {  	[tilespmem:$0x2AE0] =	vst v1  }
0x42: {  	[tilespmem:$0x2AF0] =	vst v1  }
0x43: {  	[spmem:s5] =	stream.linear.scatter [tilespmem:s9], [sflag:$0x2], $0x280, $0x38;
	[tilespmem:$0x2D80] =	vst v63  }
0x44: {  	_ =	swait.ge [sflag:s8], $0x280  }
0x45: {  	[sflag:s8] =	ssyncset.done $0x0  }
0x46: {  	[sflag:s8] =	ssyncadd.s32 $0xFFFFFD80  }
0x47: {  	s18 =	simm.s32 $0x0;
	[bflag:$0x0] =	sbarrier.arrive $0xFFFF  }
.LBB2_2:
0x48: {  	p0 =	sne.s32 s18, $0x9E00  }
.Ltmp0:
0x49: {  	_ = 	snop;
	(pc) =	sbr.rel @p0 .LBB2_2-.Ltmp0, $3  }
0x4a: {  	_ =	sdelay $0x1  }
0x4b: {  	s19 =	sshra.s32 s18, $0x2;
	s18 =	sadd.s32 $0x200, s18  }
0x4c: {  	[spmem:s1] =	stream.indirect.scatter.add.f32 [tilespmem:s11], [sflag:$0x1], $0x1, s19, s10, $0xb8;
	[tilespmem:$0x2D80] =	vst v63  }
0x4d: {  	_ =	swait.ge [sflag:s12], $0x80  }
0x4e: {  	s18 =	simm.s32 $0x4F;
	[sflag:s12] =	ssyncset.done $0x0  }
.LBB2_4:
0x4f: {  	p0 =	sne.s32 s18, $0x1;
	s18 =	sadd.s32 $0xFFFFFFFF, s18;
	[sflag:s12] =	ssyncadd.s32 $0xFFFFFF80  }
.Ltmp1:
0x50: {  	(pc) =	sbr.rel @p0 .LBB2_4-.Ltmp1, $3  }
0x51: {  	_ =	sdelay $0x1  }
0x52: {  	_ =	swait.ge [sflag:s12], $0x80  }
0x53: {  	[sflag:s12] =	ssyncset.done $0x0  }
0x54: {  	s17 =	sadd.s32 $0x1, s17  }
0x55: {  	[sflag:s12] =	ssyncadd.s32 $0xFFFFFF80;
	p0 =	sne.s32 s17, s7  }
.Ltmp2:
0x56: {  	[bflag:$0x0] =	sbarrier.arrive $0xFFFF;
	(pc) =	sbr.rel @p0 .LBB2_1-.Ltmp2, $4  }
0x57: {  	[hbm:s6@s15], [sflag:s13] =	dma.strided [spmem:s14@s16], $0x50, s12, $0x10   }
0x58: {  	_ =	swait.ge [sflag:s8], $0x50  }
0x59: {  	[sflag:s8] =	ssyncset.done $0x0  }
0x5a: {  	[sflag:s8] =	ssyncadd.s32 $0xFFFFFFB0  }
0x5b: {  	_ =	sfence.sel $0x180000  }
0x5c: {  	[bflag:$0x0] =	sbarrier.arrive $0xFFFF  }
0x5d: {  	p0 =	sne.s32 s2, $0x0;
	_ =	strace $0x90000047  }
0x5e: {  	s0 =	sadd.s32 @!p0 $0x100000, s0;
	[bflag:$0x2] =	sbarrier.arrive $0xFFFF  }
0x5f: {  	[sflag:s0] =	ssyncadd.tile.s32 @!p0 $0x1;
	_ =	shalt  }
.Lfunc_end2:
_tile_overlayer_lowered:
.L_overlay_start_2:
0x60: {  	(tag) =	ssettag $0x2  }
0x61: {  	s0 =	rddreg [dreg:$0x0];
	s2 =	stileid.u32  }
0x62: {  	s1 =	rddreg [dreg:$0x1];
	p0 =	sne.s32 s2, $0x0  }
0x63: {  	s3 =	rddreg [dreg:$0x2];
	[bflag:$0x3] =	sbarrier.arrive $0xFFFF;
	s2 =	simm.s32 @!p0 $0x1C02  }
0x64: {  	[timem:s3], [sflag:s2] =	dma.local @!p0 [hbm:s0], s1  }
0x65: {  	s0 =	simm.s32 @!p0 $0x2  }
0x66: {  	_ =	swait.ge @!p0 [sflag:s0], s1  }
0x67: {  	s1 =	ssub.s32 @!p0 $0x0, s1;
	[sflag:s0] =	ssyncset.done @!p0 $0x0  }
0x68: {  	[sflag:s0] =	ssyncadd.s32 @!p0 s1  }
0x69: {  	[bflag:$0x3] =	sbarrier.arrive $0xFFFF  }
0x6a: {  	_ =	shalt  }

</sc_bundles>
